<compile_context>
chip_gen: v7x
topology: tpu7x:2x2x1
jax: 0.10.2.dev20260603
libtpu: 0.0.44.dev20260713+nightly
codegen_flags: <defaults>
</compile_context>

<pallas_src>
import functools

import jax
import jax.numpy as jnp
from jax import lax
from jax.experimental import pallas as pl
from jax.experimental.pallas import tpu as pltpu
from jax.experimental.pallas import tpu_sc as plsc

END_TOKEN_VAL = 2

B = 64
BSC = 32
BTC = B - BSC
V = 100000
S = 2048
L = 16
NC = 2
NS = 16
NW = NC * NS
_SEG_SZ = [25088, 25088, 24960, 24832]
SEGS = []
_off = 0
for _sz in _SEG_SZ:
    SEGS.append((_off, _sz))
    _off += _sz
VT = V - _off
NSEG = len(SEGS)
KACC = 4
BIG = 2**30

TBLK = 12800
TNB = -(-V // TBLK)


def _greedy_sc(hid):
    mesh = plsc.VectorSubcoreMesh(core_axis_name="c", subcore_axis_name="s")

    @functools.partial(
        pl.kernel,
        out_type=[
            jax.ShapeDtypeStruct((BSC, L), jnp.float32),
            jax.ShapeDtypeStruct((BSC, L), jnp.int32),
        ],
        mesh=mesh,
        compiler_params=pltpu.CompilerParams(needs_layout_passes=False),
        scratch_types=(
            [pltpu.VMEM((SEGS[c][1],), jnp.float32) for c in range(NSEG)]
            + [
                pltpu.VMEM((16,), jnp.float32),
                pltpu.VMEM((16,), jnp.int32),
            ]
            + [pltpu.SemaphoreType.DMA for _ in range(NSEG)]
        ),
    )
    def k(hid_hbm, m_hbm, p_hbm, *rest):
        vbufs = rest[:NSEG]
        mbuf, pbuf = rest[NSEG:NSEG + 2]
        sems = rest[NSEG + 2:]
        cid = lax.axis_index("c")
        sid = lax.axis_index("s")
        row = sid * NC + cid

        lane = lax.iota(jnp.int32, L)
        neginf = jnp.full((L,), -jnp.inf, jnp.float32)
        zeros = jnp.zeros((L,), jnp.int32)

        copies = [
            pltpu.async_copy(
                hid_hbm.at[row, 0, pl.ds(SEGS[c][0], SEGS[c][1])],
                vbufs[c], sems[c])
            for c in range(NSEG)
        ]

        accs = [(neginf, zeros) for _ in range(KACC)]

        for c in range(NSEG):
            off, sz = SEGS[c]
            copies[c].wait()
            buf = vbufs[c]
            idxs = [off + k * L + lane for k in range(KACC)]

            def body(i, carry, _buf=buf):
                st = list(carry)
                for k in range(KACC):
                    mm, pp = st[2 * k], st[2 * k + 1]
                    ix = st[2 * KACC + k]
                    v = _buf[pl.ds(i * (KACC * L) + k * L, L)]
                    upd = v > mm
                    st[2 * k] = jnp.where(upd, v, mm)
                    st[2 * k + 1] = jnp.where(upd, ix, pp)
                    st[2 * KACC + k] = ix + KACC * L
                return tuple(st)

            flat = tuple(x for a in accs for x in a) + tuple(idxs)
            flat = lax.fori_loop(0, sz // (KACC * L), body, flat, unroll=4)
            accs = [(flat[2 * k], flat[2 * k + 1]) for k in range(KACC)]

        m, posi = accs[0]
        for mm, pp in accs[1:]:
            take = (mm > m) | ((mm == m) & (pp < posi))
            m = jnp.where(take, mm, m)
            posi = jnp.where(take, pp, posi)
        mbuf[...] = m
        pbuf[...] = posi
        pltpu.sync_copy(mbuf, m_hbm.at[row])
        pltpu.sync_copy(pbuf, p_hbm.at[row])

    return k(hid)


def _tc_body(hid_ref, p_ref, macc_ref, iacc_ref):
    j = pl.program_id(0)
    x = hid_ref[...].reshape(BTC, TBLK)
    colidx = (j * TBLK
              + jax.lax.broadcasted_iota(jnp.int32, (BTC, TBLK), 1))
    x = jnp.where(colidx < V, x, -jnp.inf)

    @pl.when(j == 0)
    def _():
        macc_ref[...] = jnp.full((BTC, 128), -jnp.inf, jnp.float32)
        iacc_ref[...] = jnp.zeros((BTC, 128), jnp.int32)

    mac = macc_ref[...]
    iac = iacc_ref[...]
    for k in range(TBLK // 128):
        v = x[:, k * 128:(k + 1) * 128]
        ci = colidx[:, k * 128:(k + 1) * 128]
        upd = v > mac
        mac = jnp.where(upd, v, mac)
        iac = jnp.where(upd, ci, iac)
    macc_ref[...] = mac
    iacc_ref[...] = iac

    @pl.when(j == TNB - 1)
    def _():
        rowmax = jnp.max(mac, axis=1, keepdims=True)
        cand = jnp.where(mac == rowmax, iac, BIG)
        p = jnp.min(cand, axis=1, keepdims=True)
        p_ref[...] = jnp.broadcast_to(p, (BTC, 128)).astype(jnp.int32)


def _greedy_tc(hid):
    return pl.pallas_call(
        _tc_body,
        grid=(TNB,),
        in_specs=[
            pl.BlockSpec((BTC, 1, TBLK), lambda j: (1, 0, j)),
        ],
        out_specs=pl.BlockSpec((BTC, 128), lambda j: (0, 0)),
        scratch_shapes=[
            pltpu.VMEM((BTC, 128), jnp.float32),
            pltpu.VMEM((BTC, 128), jnp.int32),
        ],
        out_shape=jax.ShapeDtypeStruct((BTC, 128), jnp.int32),
    )(hid)


def _assemble_body(upi_ref, outids_ref, msc_ref, psc_ref, tails_ref, ptc_ref,
                   flags_ref, out_ref, y_ref):
    upi = upi_ref[0]
    tci = (V - VT) + jax.lax.broadcasted_iota(jnp.int32, (BSC, VT), 1)
    m = jnp.concatenate([msc_ref[...], tails_ref[...]], axis=1)
    p = jnp.concatenate([psc_ref[...], tci], axis=1)
    rowmax = jnp.max(m, axis=1, keepdims=True)
    cand = jnp.where(m == rowmax, p, BIG)
    y_sc = jnp.min(cand, axis=1, keepdims=True)
    y_raw = jnp.concatenate([y_sc, ptc_ref[:, :1]], axis=0)
    y = jnp.where(flags_ref[...] != 0, y_raw,
                  END_TOKEN_VAL).astype(jnp.int32)
    cols = jax.lax.broadcasted_iota(jnp.int32, (B, S), 1)
    out_ref[...] = jnp.where(cols == upi, y, outids_ref[...])
    y_ref[...] = jnp.broadcast_to(y, (B, 128))


def _assemble_tc(upi_arr, out_ids, m_sc, p_sc, tails, p_tc, flags_i32):
    grid_spec = pltpu.PrefetchScalarGridSpec(
        num_scalar_prefetch=1,
        grid=(1,),
        in_specs=[
            pl.BlockSpec((B, S), lambda j, upi: (0, 0)),
            pl.BlockSpec((BSC, L), lambda j, upi: (0, 0)),
            pl.BlockSpec((BSC, L), lambda j, upi: (0, 0)),
            pl.BlockSpec((BSC, VT), lambda j, upi: (0, 0)),
            pl.BlockSpec((BTC, 128), lambda j, upi: (0, 0)),
            pl.BlockSpec((B, 1), lambda j, upi: (0, 0)),
        ],
        out_specs=[
            pl.BlockSpec((B, S), lambda j, upi: (0, 0)),
            pl.BlockSpec((B, 128), lambda j, upi: (0, 0)),
        ],
    )
    return pl.pallas_call(
        _assemble_body,
        grid_spec=grid_spec,
        out_shape=[
            jax.ShapeDtypeStruct((B, S), jnp.int32),
            jax.ShapeDtypeStruct((B, 128), jnp.int32),
        ],
    )(upi_arr[:1], out_ids, m_sc, p_sc, tails, p_tc, flags_i32)


def kernel(hidden_state, update_index, out_ids, flags):
    flags_i32 = flags.astype(jnp.int32)
    upi_arr = jnp.full((8,), update_index, jnp.int32)
    tails = hidden_state[:BSC, 0, V - VT:]

    m_sc, p_sc = _greedy_sc(hidden_state)
    p_tc = _greedy_tc(hidden_state)
    out, y = _assemble_tc(upi_arr, out_ids, m_sc, p_sc, tails, p_tc,
                          flags_i32)
    new_flags = y[:, :1] != END_TOKEN_VAL
    return out, new_flags

# --- scband reference (transcript-rebuilt; emitter-appended) ---
"""Pipeline reference for scband-greedy-search-50998441672708 (READ-ONLY COPY).

The authoritative reference and input builder live on the scoring server;
editing this copy changes nothing except your own understanding.
"""

import jax, jax.numpy as jnp
import numpy as np

END_TOKEN = 2


def setup_inputs(seed: int = 0) -> dict:
    key = jax.random.key(seed)
    hidden_state = jax.random.normal(key, (64, 1, 100000), dtype=jnp.float32)
    update_index = 100
    out_ids = jnp.zeros((64, 2048), dtype=jnp.int32)
    flags = jnp.ones((64, 1), dtype=bool)
    return {
        "hidden_state": hidden_state,
        "update_index": update_index,
        "out_ids": out_ids,
        "flags": flags,
    }


def reference(hidden_state, update_index, out_ids, flags):
    # y = argmax over vocab (greedy search)
    y = jnp.argmax(hidden_state, axis=-1)  # [B, 1] int
    t = jnp.full_like(y, END_TOKEN)
    y = jnp.where(flags, y, t)
    # slice_update(out_ids, [0, update_index], y)
    out = jax.lax.dynamic_update_slice(
        out_ids, y.astype(out_ids.dtype), (0, update_index)
    )
    new_flags = y != END_TOKEN
    return (out, new_flags)

if __name__ == "__main__":
    import jax
    _d = setup_inputs()
    print(jax.jit(kernel)(*tuple(_d.values())))

</pallas_src>

<mosaic_0001>
#map = affine_map<(d0, d1) -> (0, 0, 0)>
#map1 = affine_map<(d0, d1) -> (0, 0)>
module attributes {stable_mosaic.version = 14 : i64} {
  func.func @k(%arg0: i32, %arg1: i32, %arg2: memref<64x1x100000xf32, #tpu.memory_space<hbm>>, %arg3: memref<32x16xf32, #tpu.memory_space<hbm>>, %arg4: memref<32x16xi32, #tpu.memory_space<hbm>>, %arg5: memref<25088xf32, #tpu.memory_space<vmem>>, %arg6: memref<25088xf32, #tpu.memory_space<vmem>>, %arg7: memref<24960xf32, #tpu.memory_space<vmem>>, %arg8: memref<24832xf32, #tpu.memory_space<vmem>>, %arg9: memref<16xf32, #tpu.memory_space<vmem>>, %arg10: memref<16xi32, #tpu.memory_space<vmem>>, %arg11: memref<!tpu.dma_semaphore, #tpu.memory_space<semaphore_mem>>, %arg12: memref<!tpu.dma_semaphore, #tpu.memory_space<semaphore_mem>>, %arg13: memref<!tpu.dma_semaphore, #tpu.memory_space<semaphore_mem>>, %arg14: memref<!tpu.dma_semaphore, #tpu.memory_space<semaphore_mem>>) attributes {dimension_semantics = [#tpu.dimension_semantics<core_parallel>, #tpu.dimension_semantics<subcore_parallel>], iteration_bounds = array<i64: 2, 16>, scalar_prefetch = 0 : i64, scratch_operands = 10 : i64, tpu.core_type = #tpu.core_type<sc_vector_subcore>, window_params = [{transform_indices = #map}, {transform_indices = #map1}, {transform_indices = #map1}]} {
    %mul3A = arith.constant 2 : i32
    %mul3A_0 = arith.muli %arg1, %mul3A : i32
    %add3A = arith.addi %mul3A_0, %arg0 : i32
    %iota3A = tpu.iota {dimensions = array<i32: 0>} : vector<16xi32>
    %broadcast_in_dim3A = arith.constant 0xFF800000 : f32
    %broadcast_in_dim3A_1 = vector.broadcast %broadcast_in_dim3A : f32 to vector<16xf32>
    %broadcast_in_dim3A_2 = arith.constant 0 : i32
    %broadcast_in_dim3A_3 = vector.broadcast %broadcast_in_dim3A_2 : i32 to vector<16xi32>
    %dma_start3A = arith.constant 0 : i32
    %dma_start3A_4 = arith.constant 0 : i32
    %dma_start3A_5 = tpu.memref_slice %arg2[%add3A, %dma_start3A, %dma_start3A_4] : memref<64x1x100000xf32, #tpu.memory_space<hbm>> -> memref<1x1x25088xf32, #tpu.memory_space<hbm>>
    %dma_start3A_6 = tpu.memref_squeeze %dma_start3A_5 : memref<1x1x25088xf32, #tpu.memory_space<hbm>> -> memref<25088xf32, #tpu.memory_space<hbm>>
    %dma_start3A_7 = arith.constant 0 : i32
    %dma_start3A_8 = tpu.memref_slice %arg2[%add3A, %dma_start3A, %dma_start3A_7] : memref<64x1x100000xf32, #tpu.memory_space<hbm>> -> memref<1x1x25088xf32, #tpu.memory_space<hbm>>
    %dma_start3A_9 = tpu.memref_squeeze %dma_start3A_8 : memref<1x1x25088xf32, #tpu.memory_space<hbm>> -> memref<25088xf32, #tpu.memory_space<hbm>>
    tpu.enqueue_dma source(%dma_start3A_9 : memref<25088xf32, #tpu.memory_space<hbm>>) target(%arg5 : memref<25088xf32, #tpu.memory_space<vmem>>) target_semaphore(%arg11 : memref<!tpu.dma_semaphore, #tpu.memory_space<semaphore_mem>>)
    %dma_start3A_10 = arith.constant 0 : i32
    %dma_start3A_11 = arith.constant 25088 : i32
    %dma_start3A_12 = tpu.memref_slice %arg2[%add3A, %dma_start3A_10, %dma_start3A_11] : memref<64x1x100000xf32, #tpu.memory_space<hbm>> -> memref<1x1x25088xf32, #tpu.memory_space<hbm>>
    %dma_start3A_13 = tpu.memref_squeeze %dma_start3A_12 : memref<1x1x25088xf32, #tpu.memory_space<hbm>> -> memref<25088xf32, #tpu.memory_space<hbm>>
    %dma_start3A_14 = arith.constant 25088 : i32
    %dma_start3A_15 = tpu.memref_slice %arg2[%add3A, %dma_start3A_10, %dma_start3A_14] : memref<64x1x100000xf32, #tpu.memory_space<hbm>> -> memref<1x1x25088xf32, #tpu.memory_space<hbm>>
    %dma_start3A_16 = tpu.memref_squeeze %dma_start3A_15 : memref<1x1x25088xf32, #tpu.memory_space<hbm>> -> memref<25088xf32, #tpu.memory_space<hbm>>
    tpu.enqueue_dma source(%dma_start3A_16 : memref<25088xf32, #tpu.memory_space<hbm>>) target(%arg6 : memref<25088xf32, #tpu.memory_space<vmem>>) target_semaphore(%arg12 : memref<!tpu.dma_semaphore, #tpu.memory_space<semaphore_mem>>)
    %dma_start3A_17 = arith.constant 0 : i32
    %dma_start3A_18 = arith.constant 50176 : i32
    %dma_start3A_19 = tpu.memref_slice %arg2[%add3A, %dma_start3A_17, %dma_start3A_18] : memref<64x1x100000xf32, #tpu.memory_space<hbm>> -> memref<1x1x24960xf32, #tpu.memory_space<hbm>>
    %dma_start3A_20 = tpu.memref_squeeze %dma_start3A_19 : memref<1x1x24960xf32, #tpu.memory_space<hbm>> -> memref<24960xf32, #tpu.memory_space<hbm>>
    %dma_start3A_21 = arith.constant 50176 : i32
    %dma_start3A_22 = tpu.memref_slice %arg2[%add3A, %dma_start3A_17, %dma_start3A_21] : memref<64x1x100000xf32, #tpu.memory_space<hbm>> -> memref<1x1x24960xf32, #tpu.memory_space<hbm>>
    %dma_start3A_23 = tpu.memref_squeeze %dma_start3A_22 : memref<1x1x24960xf32, #tpu.memory_space<hbm>> -> memref<24960xf32, #tpu.memory_space<hbm>>
    tpu.enqueue_dma source(%dma_start3A_23 : memref<24960xf32, #tpu.memory_space<hbm>>) target(%arg7 : memref<24960xf32, #tpu.memory_space<vmem>>) target_semaphore(%arg13 : memref<!tpu.dma_semaphore, #tpu.memory_space<semaphore_mem>>)
    %dma_start3A_24 = arith.constant 0 : i32
    %dma_start3A_25 = arith.constant 75136 : i32
    %dma_start3A_26 = tpu.memref_slice %arg2[%add3A, %dma_start3A_24, %dma_start3A_25] : memref<64x1x100000xf32, #tpu.memory_space<hbm>> -> memref<1x1x24832xf32, #tpu.memory_space<hbm>>
    %dma_start3A_27 = tpu.memref_squeeze %dma_start3A_26 : memref<1x1x24832xf32, #tpu.memory_space<hbm>> -> memref<24832xf32, #tpu.memory_space<hbm>>
    %dma_start3A_28 = arith.constant 75136 : i32
    %dma_start3A_29 = tpu.memref_slice %arg2[%add3A, %dma_start3A_24, %dma_start3A_28] : memref<64x1x100000xf32, #tpu.memory_space<hbm>> -> memref<1x1x24832xf32, #tpu.memory_space<hbm>>
    %dma_start3A_30 = tpu.memref_squeeze %dma_start3A_29 : memref<1x1x24832xf32, #tpu.memory_space<hbm>> -> memref<24832xf32, #tpu.memory_space<hbm>>
    tpu.enqueue_dma source(%dma_start3A_30 : memref<24832xf32, #tpu.memory_space<hbm>>) target(%arg8 : memref<24832xf32, #tpu.memory_space<vmem>>) target_semaphore(%arg14 : memref<!tpu.dma_semaphore, #tpu.memory_space<semaphore_mem>>)
    %dma_wait3A = arith.constant 0 : i32
    %dma_wait3A_31 = arith.constant 0 : i32
    %dma_wait3A_32 = tpu.memref_slice %arg2[%add3A, %dma_wait3A, %dma_wait3A_31] : memref<64x1x100000xf32, #tpu.memory_space<hbm>> -> memref<1x1x25088xf32, #tpu.memory_space<hbm>>
    %dma_wait3A_33 = tpu.memref_squeeze %dma_wait3A_32 : memref<1x1x25088xf32, #tpu.memory_space<hbm>> -> memref<25088xf32, #tpu.memory_space<hbm>>
    %dma_wait3A_34 = arith.constant 0 : i32
    %dma_wait3A_35 = tpu.memref_slice %arg2[%add3A, %dma_wait3A, %dma_wait3A_34] : memref<64x1x100000xf32, #tpu.memory_space<hbm>> -> memref<1x1x25088xf32, #tpu.memory_space<hbm>>
    %dma_wait3A_36 = tpu.memref_squeeze %dma_wait3A_35 : memref<1x1x25088xf32, #tpu.memory_space<hbm>> -> memref<25088xf32, #tpu.memory_space<hbm>>
    tpu.wait_dma2 semaphore(%arg11 : memref<!tpu.dma_semaphore, #tpu.memory_space<semaphore_mem>>) src(%dma_wait3A_36 : memref<25088xf32, #tpu.memory_space<hbm>>) dst(%arg5 : memref<25088xf32, #tpu.memory_space<vmem>>)
    %add3A_37 = arith.constant 0 : i32
    %add3A_38 = vector.broadcast %add3A_37 : i32 to vector<16xi32>
    %add3A_39 = arith.addi %add3A_38, %iota3A : vector<16xi32>
    %add3A_40 = arith.constant 16 : i32
    %add3A_41 = vector.broadcast %add3A_40 : i32 to vector<16xi32>
    %add3A_42 = arith.addi %add3A_41, %iota3A : vector<16xi32>
    %add3A_43 = arith.constant 32 : i32
    %add3A_44 = vector.broadcast %add3A_43 : i32 to vector<16xi32>
    %add3A_45 = arith.addi %add3A_44, %iota3A : vector<16xi32>
    %add3A_46 = arith.constant 48 : i32
    %add3A_47 = vector.broadcast %add3A_46 : i32 to vector<16xi32>
    %add3A_48 = arith.addi %add3A_47, %iota3A : vector<16xi32>
    %scan3A = arith.constant 0 : i32
    %scan3A_49 = arith.constant 392 : i32
    %scan3A_50 = arith.addi %scan3A, %scan3A_49 : i32
    %scan3A_51 = arith.constant 4 : i32
    %scan3A_52:12 = scf.for %scan3A_246 = %scan3A to %scan3A_50 step %scan3A_51 iter_args(%scan3A_247 = %broadcast_in_dim3A_1, %scan3A_248 = %broadcast_in_dim3A_3, %scan3A_249 = %broadcast_in_dim3A_1, %scan3A_250 = %broadcast_in_dim3A_3, %scan3A_251 = %broadcast_in_dim3A_1, %scan3A_252 = %broadcast_in_dim3A_3, %scan3A_253 = %broadcast_in_dim3A_1, %scan3A_254 = %broadcast_in_dim3A_3, %scan3A_255 = %add3A_39, %scan3A_256 = %add3A_42, %scan3A_257 = %add3A_45, %scan3A_258 = %add3A_48) -> (vector<16xf32>, vector<16xi32>, vector<16xf32>, vector<16xi32>, vector<16xf32>, vector<16xi32>, vector<16xf32>, vector<16xi32>, vector<16xi32>, vector<16xi32>, vector<16xi32>, vector<16xi32>)  : i32 {
      %mul3A_259 = arith.constant 64 : i32
      %mul3A_260 = arith.muli %scan3A_246, %mul3A_259 : i32
      %add3A_261 = arith.constant 0 : i32
      %add3A_262 = arith.addi %mul3A_260, %add3A_261 : i32
      %get3A_263 = arith.index_cast %add3A_262 : i32 to index
      %get3A_264 = tpu.vector_load %arg5[%get3A_263] {strides = array<i32>} : memref<25088xf32, #tpu.memory_space<vmem>>, vector<16xf32>,
      %gt3A_265 = arith.cmpf ogt, %get3A_264, %scan3A_247 : vector<16xf32>
      %select_n3A_266 = arith.select %gt3A_265, %get3A_264, %scan3A_247 : vector<16xi1>, vector<16xf32>
      %select_n3A_267 = arith.select %gt3A_265, %scan3A_255, %scan3A_248 : vector<16xi1>, vector<16xi32>
      %add3A_268 = arith.constant 64 : i32
      %add3A_269 = vector.broadcast %add3A_268 : i32 to vector<16xi32>
      %add3A_270 = arith.addi %scan3A_255, %add3A_269 : vector<16xi32>
      %mul3A_271 = arith.constant 64 : i32
      %mul3A_272 = arith.muli %scan3A_246, %mul3A_271 : i32
      %add3A_273 = arith.constant 16 : i32
      %add3A_274 = arith.addi %mul3A_272, %add3A_273 : i32
      %get3A_275 = arith.index_cast %add3A_274 : i32 to index
      %get3A_276 = tpu.vector_load %arg5[%get3A_275] {strides = array<i32>} : memref<25088xf32, #tpu.memory_space<vmem>>, vector<16xf32>,
      %gt3A_277 = arith.cmpf ogt, %get3A_276, %scan3A_249 : vector<16xf32>
      %select_n3A_278 = arith.select %gt3A_277, %get3A_276, %scan3A_249 : vector<16xi1>, vector<16xf32>
      %select_n3A_279 = arith.select %gt3A_277, %scan3A_256, %scan3A_250 : vector<16xi1>, vector<16xi32>
      %add3A_280 = arith.constant 64 : i32
      %add3A_281 = vector.broadcast %add3A_280 : i32 to vector<16xi32>
      %add3A_282 = arith.addi %scan3A_256, %add3A_281 : vector<16xi32>
      %mul3A_283 = arith.constant 64 : i32
      %mul3A_284 = arith.muli %scan3A_246, %mul3A_283 : i32
      %add3A_285 = arith.constant 32 : i32
      %add3A_286 = arith.addi %mul3A_284, %add3A_285 : i32
      %get3A_287 = arith.index_cast %add3A_286 : i32 to index
      %get3A_288 = tpu.vector_load %arg5[%get3A_287] {strides = array<i32>} : memref<25088xf32, #tpu.memory_space<vmem>>, vector<16xf32>,
      %gt3A_289 = arith.cmpf ogt, %get3A_288, %scan3A_251 : vector<16xf32>
      %select_n3A_290 = arith.select %gt3A_289, %get3A_288, %scan3A_251 : vector<16xi1>, vector<16xf32>
      %select_n3A_291 = arith.select %gt3A_289, %scan3A_257, %scan3A_252 : vector<16xi1>, vector<16xi32>
      %add3A_292 = arith.constant 64 : i32
      %add3A_293 = vector.broadcast %add3A_292 : i32 to vector<16xi32>
      %add3A_294 = arith.addi %scan3A_257, %add3A_293 : vector<16xi32>
      %mul3A_295 = arith.constant 64 : i32
      %mul3A_296 = arith.muli %scan3A_246, %mul3A_295 : i32
      %add3A_297 = arith.constant 48 : i32
      %add3A_298 = arith.addi %mul3A_296, %add3A_297 : i32
      %get3A_299 = arith.index_cast %add3A_298 : i32 to index
      %get3A_300 = tpu.vector_load %arg5[%get3A_299] {strides = array<i32>} : memref<25088xf32, #tpu.memory_space<vmem>>, vector<16xf32>,
      %gt3A_301 = arith.cmpf ogt, %get3A_300, %scan3A_253 : vector<16xf32>
      %select_n3A_302 = arith.select %gt3A_301, %get3A_300, %scan3A_253 : vector<16xi1>, vector<16xf32>
      %select_n3A_303 = arith.select %gt3A_301, %scan3A_258, %scan3A_254 : vector<16xi1>, vector<16xi32>
      %add3A_304 = arith.constant 64 : i32
      %add3A_305 = vector.broadcast %add3A_304 : i32 to vector<16xi32>
      %add3A_306 = arith.addi %scan3A_258, %add3A_305 : vector<16xi32>
      %scan3A_307 = arith.constant 1 : i32
      %scan3A_308 = arith.addi %scan3A_246, %scan3A_307 : i32
      %mul3A_309 = arith.constant 64 : i32
      %mul3A_310 = arith.muli %scan3A_308, %mul3A_309 : i32
      %add3A_311 = arith.constant 0 : i32
      %add3A_312 = arith.addi %mul3A_310, %add3A_311 : i32
      %get3A_313 = arith.index_cast %add3A_312 : i32 to index
      %get3A_314 = tpu.vector_load %arg5[%get3A_313] {strides = array<i32>} : memref<25088xf32, #tpu.memory_space<vmem>>, vector<16xf32>,
      %gt3A_315 = arith.cmpf ogt, %get3A_314, %select_n3A_266 : vector<16xf32>
      %select_n3A_316 = arith.select %gt3A_315, %get3A_314, %select_n3A_266 : vector<16xi1>, vector<16xf32>
      %select_n3A_317 = arith.select %gt3A_315, %add3A_270, %select_n3A_267 : vector<16xi1>, vector<16xi32>
      %add3A_318 = arith.constant 64 : i32
      %add3A_319 = vector.broadcast %add3A_318 : i32 to vector<16xi32>
      %add3A_320 = arith.addi %add3A_270, %add3A_319 : vector<16xi32>
      %mul3A_321 = arith.constant 64 : i32
      %mul3A_322 = arith.muli %scan3A_308, %mul3A_321 : i32
      %add3A_323 = arith.constant 16 : i32
      %add3A_324 = arith.addi %mul3A_322, %add3A_323 : i32
      %get3A_325 = arith.index_cast %add3A_324 : i32 to index
      %get3A_326 = tpu.vector_load %arg5[%get3A_325] {strides = array<i32>} : memref<25088xf32, #tpu.memory_space<vmem>>, vector<16xf32>,
      %gt3A_327 = arith.cmpf ogt, %get3A_326, %select_n3A_278 : vector<16xf32>
      %select_n3A_328 = arith.select %gt3A_327, %get3A_326, %select_n3A_278 : vector<16xi1>, vector<16xf32>
      %select_n3A_329 = arith.select %gt3A_327, %add3A_282, %select_n3A_279 : vector<16xi1>, vector<16xi32>
      %add3A_330 = arith.constant 64 : i32
      %add3A_331 = vector.broadcast %add3A_330 : i32 to vector<16xi32>
      %add3A_332 = arith.addi %add3A_282, %add3A_331 : vector<16xi32>
      %mul3A_333 = arith.constant 64 : i32
      %mul3A_334 = arith.muli %scan3A_308, %mul3A_333 : i32
      %add3A_335 = arith.constant 32 : i32
      %add3A_336 = arith.addi %mul3A_334, %add3A_335 : i32
      %get3A_337 = arith.index_cast %add3A_336 : i32 to index
      %get3A_338 = tpu.vector_load %arg5[%get3A_337] {strides = array<i32>} : memref<25088xf32, #tpu.memory_space<vmem>>, vector<16xf32>,
      %gt3A_339 = arith.cmpf ogt, %get3A_338, %select_n3A_290 : vector<16xf32>
      %select_n3A_340 = arith.select %gt3A_339, %get3A_338, %select_n3A_290 : vector<16xi1>, vector<16xf32>
      %select_n3A_341 = arith.select %gt3A_339, %add3A_294, %select_n3A_291 : vector<16xi1>, vector<16xi32>
      %add3A_342 = arith.constant 64 : i32
      %add3A_343 = vector.broadcast %add3A_342 : i32 to vector<16xi32>
      %add3A_344 = arith.addi %add3A_294, %add3A_343 : vector<16xi32>
      %mul3A_345 = arith.constant 64 : i32
      %mul3A_346 = arith.muli %scan3A_308, %mul3A_345 : i32
      %add3A_347 = arith.constant 48 : i32
      %add3A_348 = arith.addi %mul3A_346, %add3A_347 : i32
      %get3A_349 = arith.index_cast %add3A_348 : i32 to index
      %get3A_350 = tpu.vector_load %arg5[%get3A_349] {strides = array<i32>} : memref<25088xf32, #tpu.memory_space<vmem>>, vector<16xf32>,
      %gt3A_351 = arith.cmpf ogt, %get3A_350, %select_n3A_302 : vector<16xf32>
      %select_n3A_352 = arith.select %gt3A_351, %get3A_350, %select_n3A_302 : vector<16xi1>, vector<16xf32>
      %select_n3A_353 = arith.select %gt3A_351, %add3A_306, %select_n3A_303 : vector<16xi1>, vector<16xi32>
      %add3A_354 = arith.constant 64 : i32
      %add3A_355 = vector.broadcast %add3A_354 : i32 to vector<16xi32>
      %add3A_356 = arith.addi %add3A_306, %add3A_355 : vector<16xi32>
      %scan3A_357 = arith.constant 2 : i32
      %scan3A_358 = arith.addi %scan3A_246, %scan3A_357 : i32
      %mul3A_359 = arith.constant 64 : i32
      %mul3A_360 = arith.muli %scan3A_358, %mul3A_359 : i32
      %add3A_361 = arith.constant 0 : i32
      %add3A_362 = arith.addi %mul3A_360, %add3A_361 : i32
      %get3A_363 = arith.index_cast %add3A_362 : i32 to index
      %get3A_364 = tpu.vector_load %arg5[%get3A_363] {strides = array<i32>} : memref<25088xf32, #tpu.memory_space<vmem>>, vector<16xf32>,
      %gt3A_365 = arith.cmpf ogt, %get3A_364, %select_n3A_316 : vector<16xf32>
      %select_n3A_366 = arith.select %gt3A_365, %get3A_364, %select_n3A_316 : vector<16xi1>, vector<16xf32>
      %select_n3A_367 = arith.select %gt3A_365, %add3A_320, %select_n3A_317 : vector<16xi1>, vector<16xi32>
      %add3A_368 = arith.constant 64 : i32
      %add3A_369 = vector.broadcast %add3A_368 : i32 to vector<16xi32>
      %add3A_370 = arith.addi %add3A_320, %add3A_369 : vector<16xi32>
      %mul3A_371 = arith.constant 64 : i32
      %mul3A_372 = arith.muli %scan3A_358, %mul3A_371 : i32
      %add3A_373 = arith.constant 16 : i32
      %add3A_374 = arith.addi %mul3A_372, %add3A_373 : i32
      %get3A_375 = arith.index_cast %add3A_374 : i32 to index
      %get3A_376 = tpu.vector_load %arg5[%get3A_375] {strides = array<i32>} : memref<25088xf32, #tpu.memory_space<vmem>>, vector<16xf32>,
      %gt3A_377 = arith.cmpf ogt, %get3A_376, %select_n3A_328 : vector<16xf32>
      %select_n3A_378 = arith.select %gt3A_377, %get3A_376, %select_n3A_328 : vector<16xi1>, vector<16xf32>
      %select_n3A_379 = arith.select %gt3A_377, %add3A_332, %select_n3A_329 : vector<16xi1>, vector<16xi32>
      %add3A_380 = arith.constant 64 : i32
      %add3A_381 = vector.broadcast %add3A_380 : i32 to vector<16xi32>
      %add3A_382 = arith.addi %add3A_332, %add3A_381 : vector<16xi32>
      %mul3A_383 = arith.constant 64 : i32
      %mul3A_384 = arith.muli %scan3A_358, %mul3A_383 : i32
      %add3A_385 = arith.constant 32 : i32
      %add3A_386 = arith.addi %mul3A_384, %add3A_385 : i32
      %get3A_387 = arith.index_cast %add3A_386 : i32 to index
      %get3A_388 = tpu.vector_load %arg5[%get3A_387] {strides = array<i32>} : memref<25088xf32, #tpu.memory_space<vmem>>, vector<16xf32>,
      %gt3A_389 = arith.cmpf ogt, %get3A_388, %select_n3A_340 : vector<16xf32>
      %select_n3A_390 = arith.select %gt3A_389, %get3A_388, %select_n3A_340 : vector<16xi1>, vector<16xf32>
      %select_n3A_391 = arith.select %gt3A_389, %add3A_344, %select_n3A_341 : vector<16xi1>, vector<16xi32>
      %add3A_392 = arith.constant 64 : i32
      %add3A_393 = vector.broadcast %add3A_392 : i32 to vector<16xi32>
      %add3A_394 = arith.addi %add3A_344, %add3A_393 : vector<16xi32>
      %mul3A_395 = arith.constant 64 : i32
      %mul3A_396 = arith.muli %scan3A_358, %mul3A_395 : i32
      %add3A_397 = arith.constant 48 : i32
      %add3A_398 = arith.addi %mul3A_396, %add3A_397 : i32
      %get3A_399 = arith.index_cast %add3A_398 : i32 to index
      %get3A_400 = tpu.vector_load %arg5[%get3A_399] {strides = array<i32>} : memref<25088xf32, #tpu.memory_space<vmem>>, vector<16xf32>,
      %gt3A_401 = arith.cmpf ogt, %get3A_400, %select_n3A_352 : vector<16xf32>
      %select_n3A_402 = arith.select %gt3A_401, %get3A_400, %select_n3A_352 : vector<16xi1>, vector<16xf32>
      %select_n3A_403 = arith.select %gt3A_401, %add3A_356, %select_n3A_353 : vector<16xi1>, vector<16xi32>
      %add3A_404 = arith.constant 64 : i32
      %add3A_405 = vector.broadcast %add3A_404 : i32 to vector<16xi32>
      %add3A_406 = arith.addi %add3A_356, %add3A_405 : vector<16xi32>
      %scan3A_407 = arith.constant 3 : i32
      %scan3A_408 = arith.addi %scan3A_246, %scan3A_407 : i32
      %mul3A_409 = arith.constant 64 : i32
      %mul3A_410 = arith.muli %scan3A_408, %mul3A_409 : i32
      %add3A_411 = arith.constant 0 : i32
      %add3A_412 = arith.addi %mul3A_410, %add3A_411 : i32
      %get3A_413 = arith.index_cast %add3A_412 : i32 to index
      %get3A_414 = tpu.vector_load %arg5[%get3A_413] {strides = array<i32>} : memref<25088xf32, #tpu.memory_space<vmem>>, vector<16xf32>,
      %gt3A_415 = arith.cmpf ogt, %get3A_414, %select_n3A_366 : vector<16xf32>
      %select_n3A_416 = arith.select %gt3A_415, %get3A_414, %select_n3A_366 : vector<16xi1>, vector<16xf32>
      %select_n3A_417 = arith.select %gt3A_415, %add3A_370, %select_n3A_367 : vector<16xi1>, vector<16xi32>
      %add3A_418 = arith.constant 64 : i32
      %add3A_419 = vector.broadcast %add3A_418 : i32 to vector<16xi32>
      %add3A_420 = arith.addi %add3A_370, %add3A_419 : vector<16xi32>
      %mul3A_421 = arith.constant 64 : i32
      %mul3A_422 = arith.muli %scan3A_408, %mul3A_421 : i32
      %add3A_423 = arith.constant 16 : i32
      %add3A_424 = arith.addi %mul3A_422, %add3A_423 : i32
      %get3A_425 = arith.index_cast %add3A_424 : i32 to index
      %get3A_426 = tpu.vector_load %arg5[%get3A_425] {strides = array<i32>} : memref<25088xf32, #tpu.memory_space<vmem>>, vector<16xf32>,
      %gt3A_427 = arith.cmpf ogt, %get3A_426, %select_n3A_378 : vector<16xf32>
      %select_n3A_428 = arith.select %gt3A_427, %get3A_426, %select_n3A_378 : vector<16xi1>, vector<16xf32>
      %select_n3A_429 = arith.select %gt3A_427, %add3A_382, %select_n3A_379 : vector<16xi1>, vector<16xi32>
      %add3A_430 = arith.constant 64 : i32
      %add3A_431 = vector.broadcast %add3A_430 : i32 to vector<16xi32>
      %add3A_432 = arith.addi %add3A_382, %add3A_431 : vector<16xi32>
      %mul3A_433 = arith.constant 64 : i32
      %mul3A_434 = arith.muli %scan3A_408, %mul3A_433 : i32
      %add3A_435 = arith.constant 32 : i32
      %add3A_436 = arith.addi %mul3A_434, %add3A_435 : i32
      %get3A_437 = arith.index_cast %add3A_436 : i32 to index
      %get3A_438 = tpu.vector_load %arg5[%get3A_437] {strides = array<i32>} : memref<25088xf32, #tpu.memory_space<vmem>>, vector<16xf32>,
      %gt3A_439 = arith.cmpf ogt, %get3A_438, %select_n3A_390 : vector<16xf32>
      %select_n3A_440 = arith.select %gt3A_439, %get3A_438, %select_n3A_390 : vector<16xi1>, vector<16xf32>
      %select_n3A_441 = arith.select %gt3A_439, %add3A_394, %select_n3A_391 : vector<16xi1>, vector<16xi32>
      %add3A_442 = arith.constant 64 : i32
      %add3A_443 = vector.broadcast %add3A_442 : i32 to vector<16xi32>
      %add3A_444 = arith.addi %add3A_394, %add3A_443 : vector<16xi32>
      %mul3A_445 = arith.constant 64 : i32
      %mul3A_446 = arith.muli %scan3A_408, %mul3A_445 : i32
      %add3A_447 = arith.constant 48 : i32
      %add3A_448 = arith.addi %mul3A_446, %add3A_447 : i32
      %get3A_449 = arith.index_cast %add3A_448 : i32 to index
      %get3A_450 = tpu.vector_load %arg5[%get3A_449] {strides = array<i32>} : memref<25088xf32, #tpu.memory_space<vmem>>, vector<16xf32>,
      %gt3A_451 = arith.cmpf ogt, %get3A_450, %select_n3A_402 : vector<16xf32>
      %select_n3A_452 = arith.select %gt3A_451, %get3A_450, %select_n3A_402 : vector<16xi1>, vector<16xf32>
      %select_n3A_453 = arith.select %gt3A_451, %add3A_406, %select_n3A_403 : vector<16xi1>, vector<16xi32>
      %add3A_454 = arith.constant 64 : i32
      %add3A_455 = vector.broadcast %add3A_454 : i32 to vector<16xi32>
      %add3A_456 = arith.addi %add3A_406, %add3A_455 : vector<16xi32>
      scf.yield %select_n3A_416, %select_n3A_417, %select_n3A_428, %select_n3A_429, %select_n3A_440, %select_n3A_441, %select_n3A_452, %select_n3A_453, %add3A_420, %add3A_432, %add3A_444, %add3A_456 : vector<16xf32>, vector<16xi32>, vector<16xf32>, vector<16xi32>, vector<16xf32>, vector<16xi32>, vector<16xf32>, vector<16xi32>, vector<16xi32>, vector<16xi32>, vector<16xi32>, vector<16xi32>
    }
    %scan3A_53 = arith.constant 392 : i32
    %dma_wait3A_54 = arith.constant 0 : i32
    %dma_wait3A_55 = arith.constant 25088 : i32
    %dma_wait3A_56 = tpu.memref_slice %arg2[%add3A, %dma_wait3A_54, %dma_wait3A_55] : memref<64x1x100000xf32, #tpu.memory_space<hbm>> -> memref<1x1x25088xf32, #tpu.memory_space<hbm>>
    %dma_wait3A_57 = tpu.memref_squeeze %dma_wait3A_56 : memref<1x1x25088xf32, #tpu.memory_space<hbm>> -> memref<25088xf32, #tpu.memory_space<hbm>>
    %dma_wait3A_58 = arith.constant 25088 : i32
    %dma_wait3A_59 = tpu.memref_slice %arg2[%add3A, %dma_wait3A_54, %dma_wait3A_58] : memref<64x1x100000xf32, #tpu.memory_space<hbm>> -> memref<1x1x25088xf32, #tpu.memory_space<hbm>>
    %dma_wait3A_60 = tpu.memref_squeeze %dma_wait3A_59 : memref<1x1x25088xf32, #tpu.memory_space<hbm>> -> memref<25088xf32, #tpu.memory_space<hbm>>
    tpu.wait_dma2 semaphore(%arg12 : memref<!tpu.dma_semaphore, #tpu.memory_space<semaphore_mem>>) src(%dma_wait3A_60 : memref<25088xf32, #tpu.memory_space<hbm>>) dst(%arg6 : memref<25088xf32, #tpu.memory_space<vmem>>)
    %add3A_61 = arith.constant 25088 : i32
    %add3A_62 = vector.broadcast %add3A_61 : i32 to vector<16xi32>
    %add3A_63 = arith.addi %add3A_62, %iota3A : vector<16xi32>
    %add3A_64 = arith.constant 25104 : i32
    %add3A_65 = vector.broadcast %add3A_64 : i32 to vector<16xi32>
    %add3A_66 = arith.addi %add3A_65, %iota3A : vector<16xi32>
    %add3A_67 = arith.constant 25120 : i32
    %add3A_68 = vector.broadcast %add3A_67 : i32 to vector<16xi32>
    %add3A_69 = arith.addi %add3A_68, %iota3A : vector<16xi32>
    %add3A_70 = arith.constant 25136 : i32
    %add3A_71 = vector.broadcast %add3A_70 : i32 to vector<16xi32>
    %add3A_72 = arith.addi %add3A_71, %iota3A : vector<16xi32>
    %scan3A_73 = arith.constant 0 : i32
    %scan3A_74 = arith.constant 392 : i32
    %scan3A_75 = arith.addi %scan3A_73, %scan3A_74 : i32
    %scan3A_76 = arith.constant 4 : i32
    %scan3A_77:12 = scf.for %scan3A_246 = %scan3A_73 to %scan3A_75 step %scan3A_76 iter_args(%scan3A_247 = %scan3A_52#0, %scan3A_248 = %scan3A_52#1, %scan3A_249 = %scan3A_52#2, %scan3A_250 = %scan3A_52#3, %scan3A_251 = %scan3A_52#4, %scan3A_252 = %scan3A_52#5, %scan3A_253 = %scan3A_52#6, %scan3A_254 = %scan3A_52#7, %scan3A_255 = %add3A_63, %scan3A_256 = %add3A_66, %scan3A_257 = %add3A_69, %scan3A_258 = %add3A_72) -> (vector<16xf32>, vector<16xi32>, vector<16xf32>, vector<16xi32>, vector<16xf32>, vector<16xi32>, vector<16xf32>, vector<16xi32>, vector<16xi32>, vector<16xi32>, vector<16xi32>, vector<16xi32>)  : i32 {
      %mul3A_259 = arith.constant 64 : i32
      %mul3A_260 = arith.muli %scan3A_246, %mul3A_259 : i32
      %add3A_261 = arith.constant 0 : i32
      %add3A_262 = arith.addi %mul3A_260, %add3A_261 : i32
      %get3A_263 = arith.index_cast %add3A_262 : i32 to index
      %get3A_264 = tpu.vector_load %arg6[%get3A_263] {strides = array<i32>} : memref<25088xf32, #tpu.memory_space<vmem>>, vector<16xf32>,
      %gt3A_265 = arith.cmpf ogt, %get3A_264, %scan3A_247 : vector<16xf32>
      %select_n3A_266 = arith.select %gt3A_265, %get3A_264, %scan3A_247 : vector<16xi1>, vector<16xf32>
      %select_n3A_267 = arith.select %gt3A_265, %scan3A_255, %scan3A_248 : vector<16xi1>, vector<16xi32>
      %add3A_268 = arith.constant 64 : i32
      %add3A_269 = vector.broadcast %add3A_268 : i32 to vector<16xi32>
      %add3A_270 = arith.addi %scan3A_255, %add3A_269 : vector<16xi32>
      %mul3A_271 = arith.constant 64 : i32
      %mul3A_272 = arith.muli %scan3A_246, %mul3A_271 : i32
      %add3A_273 = arith.constant 16 : i32
      %add3A_274 = arith.addi %mul3A_272, %add3A_273 : i32
      %get3A_275 = arith.index_cast %add3A_274 : i32 to index
      %get3A_276 = tpu.vector_load %arg6[%get3A_275] {strides = array<i32>} : memref<25088xf32, #tpu.memory_space<vmem>>, vector<16xf32>,
      %gt3A_277 = arith.cmpf ogt, %get3A_276, %scan3A_249 : vector<16xf32>
      %select_n3A_278 = arith.select %gt3A_277, %get3A_276, %scan3A_249 : vector<16xi1>, vector<16xf32>
      %select_n3A_279 = arith.select %gt3A_277, %scan3A_256, %scan3A_250 : vector<16xi1>, vector<16xi32>
      %add3A_280 = arith.constant 64 : i32
      %add3A_281 = vector.broadcast %add3A_280 : i32 to vector<16xi32>
      %add3A_282 = arith.addi %scan3A_256, %add3A_281 : vector<16xi32>
      %mul3A_283 = arith.constant 64 : i32
      %mul3A_284 = arith.muli %scan3A_246, %mul3A_283 : i32
      %add3A_285 = arith.constant 32 : i32
      %add3A_286 = arith.addi %mul3A_284, %add3A_285 : i32
      %get3A_287 = arith.index_cast %add3A_286 : i32 to index
      %get3A_288 = tpu.vector_load %arg6[%get3A_287] {strides = array<i32>} : memref<25088xf32, #tpu.memory_space<vmem>>, vector<16xf32>,
      %gt3A_289 = arith.cmpf ogt, %get3A_288, %scan3A_251 : vector<16xf32>
      %select_n3A_290 = arith.select %gt3A_289, %get3A_288, %scan3A_251 : vector<16xi1>, vector<16xf32>
      %select_n3A_291 = arith.select %gt3A_289, %scan3A_257, %scan3A_252 : vector<16xi1>, vector<16xi32>
      %add3A_292 = arith.constant 64 : i32
      %add3A_293 = vector.broadcast %add3A_292 : i32 to vector<16xi32>
      %add3A_294 = arith.addi %scan3A_257, %add3A_293 : vector<16xi32>
      %mul3A_295 = arith.constant 64 : i32
      %mul3A_296 = arith.muli %scan3A_246, %mul3A_295 : i32
      %add3A_297 = arith.constant 48 : i32
      %add3A_298 = arith.addi %mul3A_296, %add3A_297 : i32
      %get3A_299 = arith.index_cast %add3A_298 : i32 to index
      %get3A_300 = tpu.vector_load %arg6[%get3A_299] {strides = array<i32>} : memref<25088xf32, #tpu.memory_space<vmem>>, vector<16xf32>,
      %gt3A_301 = arith.cmpf ogt, %get3A_300, %scan3A_253 : vector<16xf32>
      %select_n3A_302 = arith.select %gt3A_301, %get3A_300, %scan3A_253 : vector<16xi1>, vector<16xf32>
      %select_n3A_303 = arith.select %gt3A_301, %scan3A_258, %scan3A_254 : vector<16xi1>, vector<16xi32>
      %add3A_304 = arith.constant 64 : i32
      %add3A_305 = vector.broadcast %add3A_304 : i32 to vector<16xi32>
      %add3A_306 = arith.addi %scan3A_258, %add3A_305 : vector<16xi32>
      %scan3A_307 = arith.constant 1 : i32
      %scan3A_308 = arith.addi %scan3A_246, %scan3A_307 : i32
      %mul3A_309 = arith.constant 64 : i32
      %mul3A_310 = arith.muli %scan3A_308, %mul3A_309 : i32
      %add3A_311 = arith.constant 0 : i32
      %add3A_312 = arith.addi %mul3A_310, %add3A_311 : i32
      %get3A_313 = arith.index_cast %add3A_312 : i32 to index
      %get3A_314 = tpu.vector_load %arg6[%get3A_313] {strides = array<i32>} : memref<25088xf32, #tpu.memory_space<vmem>>, vector<16xf32>,
      %gt3A_315 = arith.cmpf ogt, %get3A_314, %select_n3A_266 : vector<16xf32>
      %select_n3A_316 = arith.select %gt3A_315, %get3A_314, %select_n3A_266 : vector<16xi1>, vector<16xf32>
      %select_n3A_317 = arith.select %gt3A_315, %add3A_270, %select_n3A_267 : vector<16xi1>, vector<16xi32>
      %add3A_318 = arith.constant 64 : i32
      %add3A_319 = vector.broadcast %add3A_318 : i32 to vector<16xi32>
      %add3A_320 = arith.addi %add3A_270, %add3A_319 : vector<16xi32>
      %mul3A_321 = arith.constant 64 : i32
      %mul3A_322 = arith.muli %scan3A_308, %mul3A_321 : i32
      %add3A_323 = arith.constant 16 : i32
      %add3A_324 = arith.addi %mul3A_322, %add3A_323 : i32
      %get3A_325 = arith.index_cast %add3A_324 : i32 to index
      %get3A_326 = tpu.vector_load %arg6[%get3A_325] {strides = array<i32>} : memref<25088xf32, #tpu.memory_space<vmem>>, vector<16xf32>,
      %gt3A_327 = arith.cmpf ogt, %get3A_326, %select_n3A_278 : vector<16xf32>
      %select_n3A_328 = arith.select %gt3A_327, %get3A_326, %select_n3A_278 : vector<16xi1>, vector<16xf32>
      %select_n3A_329 = arith.select %gt3A_327, %add3A_282, %select_n3A_279 : vector<16xi1>, vector<16xi32>
      %add3A_330 = arith.constant 64 : i32
      %add3A_331 = vector.broadcast %add3A_330 : i32 to vector<16xi32>
      %add3A_332 = arith.addi %add3A_282, %add3A_331 : vector<16xi32>
      %mul3A_333 = arith.constant 64 : i32
      %mul3A_334 = arith.muli %scan3A_308, %mul3A_333 : i32
      %add3A_335 = arith.constant 32 : i32
      %add3A_336 = arith.addi %mul3A_334, %add3A_335 : i32
      %get3A_337 = arith.index_cast %add3A_336 : i32 to index
      %get3A_338 = tpu.vector_load %arg6[%get3A_337] {strides = array<i32>} : memref<25088xf32, #tpu.memory_space<vmem>>, vector<16xf32>,
      %gt3A_339 = arith.cmpf ogt, %get3A_338, %select_n3A_290 : vector<16xf32>
      %select_n3A_340 = arith.select %gt3A_339, %get3A_338, %select_n3A_290 : vector<16xi1>, vector<16xf32>
      %select_n3A_341 = arith.select %gt3A_339, %add3A_294, %select_n3A_291 : vector<16xi1>, vector<16xi32>
      %add3A_342 = arith.constant 64 : i32
      %add3A_343 = vector.broadcast %add3A_342 : i32 to vector<16xi32>
      %add3A_344 = arith.addi %add3A_294, %add3A_343 : vector<16xi32>
      %mul3A_345 = arith.constant 64 : i32
      %mul3A_346 = arith.muli %scan3A_308, %mul3A_345 : i32
      %add3A_347 = arith.constant 48 : i32
      %add3A_348 = arith.addi %mul3A_346, %add3A_347 : i32
      %get3A_349 = arith.index_cast %add3A_348 : i32 to index
      %get3A_350 = tpu.vector_load %arg6[%get3A_349] {strides = array<i32>} : memref<25088xf32, #tpu.memory_space<vmem>>, vector<16xf32>,
      %gt3A_351 = arith.cmpf ogt, %get3A_350, %select_n3A_302 : vector<16xf32>
      %select_n3A_352 = arith.select %gt3A_351, %get3A_350, %select_n3A_302 : vector<16xi1>, vector<16xf32>
      %select_n3A_353 = arith.select %gt3A_351, %add3A_306, %select_n3A_303 : vector<16xi1>, vector<16xi32>
      %add3A_354 = arith.constant 64 : i32
      %add3A_355 = vector.broadcast %add3A_354 : i32 to vector<16xi32>
      %add3A_356 = arith.addi %add3A_306, %add3A_355 : vector<16xi32>
      %scan3A_357 = arith.constant 2 : i32
      %scan3A_358 = arith.addi %scan3A_246, %scan3A_357 : i32
      %mul3A_359 = arith.constant 64 : i32
      %mul3A_360 = arith.muli %scan3A_358, %mul3A_359 : i32
      %add3A_361 = arith.constant 0 : i32
      %add3A_362 = arith.addi %mul3A_360, %add3A_361 : i32
      %get3A_363 = arith.index_cast %add3A_362 : i32 to index
      %get3A_364 = tpu.vector_load %arg6[%get3A_363] {strides = array<i32>} : memref<25088xf32, #tpu.memory_space<vmem>>, vector<16xf32>,
      %gt3A_365 = arith.cmpf ogt, %get3A_364, %select_n3A_316 : vector<16xf32>
      %select_n3A_366 = arith.select %gt3A_365, %get3A_364, %select_n3A_316 : vector<16xi1>, vector<16xf32>
      %select_n3A_367 = arith.select %gt3A_365, %add3A_320, %select_n3A_317 : vector<16xi1>, vector<16xi32>
      %add3A_368 = arith.constant 64 : i32
      %add3A_369 = vector.broadcast %add3A_368 : i32 to vector<16xi32>
      %add3A_370 = arith.addi %add3A_320, %add3A_369 : vector<16xi32>
      %mul3A_371 = arith.constant 64 : i32
      %mul3A_372 = arith.muli %scan3A_358, %mul3A_371 : i32
      %add3A_373 = arith.constant 16 : i32
      %add3A_374 = arith.addi %mul3A_372, %add3A_373 : i32
      %get3A_375 = arith.index_cast %add3A_374 : i32 to index
      %get3A_376 = tpu.vector_load %arg6[%get3A_375] {strides = array<i32>} : memref<25088xf32, #tpu.memory_space<vmem>>, vector<16xf32>,
      %gt3A_377 = arith.cmpf ogt, %get3A_376, %select_n3A_328 : vector<16xf32>
      %select_n3A_378 = arith.select %gt3A_377, %get3A_376, %select_n3A_328 : vector<16xi1>, vector<16xf32>
      %select_n3A_379 = arith.select %gt3A_377, %add3A_332, %select_n3A_329 : vector<16xi1>, vector<16xi32>
      %add3A_380 = arith.constant 64 : i32
      %add3A_381 = vector.broadcast %add3A_380 : i32 to vector<16xi32>
      %add3A_382 = arith.addi %add3A_332, %add3A_381 : vector<16xi32>
      %mul3A_383 = arith.constant 64 : i32
      %mul3A_384 = arith.muli %scan3A_358, %mul3A_383 : i32
      %add3A_385 = arith.constant 32 : i32
      %add3A_386 = arith.addi %mul3A_384, %add3A_385 : i32
      %get3A_387 = arith.index_cast %add3A_386 : i32 to index
      %get3A_388 = tpu.vector_load %arg6[%get3A_387] {strides = array<i32>} : memref<25088xf32, #tpu.memory_space<vmem>>, vector<16xf32>,
      %gt3A_389 = arith.cmpf ogt, %get3A_388, %select_n3A_340 : vector<16xf32>
      %select_n3A_390 = arith.select %gt3A_389, %get3A_388, %select_n3A_340 : vector<16xi1>, vector<16xf32>
      %select_n3A_391 = arith.select %gt3A_389, %add3A_344, %select_n3A_341 : vector<16xi1>, vector<16xi32>
      %add3A_392 = arith.constant 64 : i32
      %add3A_393 = vector.broadcast %add3A_392 : i32 to vector<16xi32>
      %add3A_394 = arith.addi %add3A_344, %add3A_393 : vector<16xi32>
      %mul3A_395 = arith.constant 64 : i32
      %mul3A_396 = arith.muli %scan3A_358, %mul3A_395 : i32
      %add3A_397 = arith.constant 48 : i32
      %add3A_398 = arith.addi %mul3A_396, %add3A_397 : i32
      %get3A_399 = arith.index_cast %add3A_398 : i32 to index
      %get3A_400 = tpu.vector_load %arg6[%get3A_399] {strides = array<i32>} : memref<25088xf32, #tpu.memory_space<vmem>>, vector<16xf32>,
      %gt3A_401 = arith.cmpf ogt, %get3A_400, %select_n3A_352 : vector<16xf32>
      %select_n3A_402 = arith.select %gt3A_401, %get3A_400, %select_n3A_352 : vector<16xi1>, vector<16xf32>
      %select_n3A_403 = arith.select %gt3A_401, %add3A_356, %select_n3A_353 : vector<16xi1>, vector<16xi32>
      %add3A_404 = arith.constant 64 : i32
      %add3A_405 = vector.broadcast %add3A_404 : i32 to vector<16xi32>
      %add3A_406 = arith.addi %add3A_356, %add3A_405 : vector<16xi32>
      %scan3A_407 = arith.constant 3 : i32
      %scan3A_408 = arith.addi %scan3A_246, %scan3A_407 : i32
      %mul3A_409 = arith.constant 64 : i32
      %mul3A_410 = arith.muli %scan3A_408, %mul3A_409 : i32
      %add3A_411 = arith.constant 0 : i32
      %add3A_412 = arith.addi %mul3A_410, %add3A_411 : i32
      %get3A_413 = arith.index_cast %add3A_412 : i32 to index
      %get3A_414 = tpu.vector_load %arg6[%get3A_413] {strides = array<i32>} : memref<25088xf32, #tpu.memory_space<vmem>>, vector<16xf32>,
      %gt3A_415 = arith.cmpf ogt, %get3A_414, %select_n3A_366 : vector<16xf32>
      %select_n3A_416 = arith.select %gt3A_415, %get3A_414, %select_n3A_366 : vector<16xi1>, vector<16xf32>
      %select_n3A_417 = arith.select %gt3A_415, %add3A_370, %select_n3A_367 : vector<16xi1>, vector<16xi32>
      %add3A_418 = arith.constant 64 : i32
      %add3A_419 = vector.broadcast %add3A_418 : i32 to vector<16xi32>
      %add3A_420 = arith.addi %add3A_370, %add3A_419 : vector<16xi32>
      %mul3A_421 = arith.constant 64 : i32
      %mul3A_422 = arith.muli %scan3A_408, %mul3A_421 : i32
      %add3A_423 = arith.constant 16 : i32
      %add3A_424 = arith.addi %mul3A_422, %add3A_423 : i32
      %get3A_425 = arith.index_cast %add3A_424 : i32 to index
      %get3A_426 = tpu.vector_load %arg6[%get3A_425] {strides = array<i32>} : memref<25088xf32, #tpu.memory_space<vmem>>, vector<16xf32>,
      %gt3A_427 = arith.cmpf ogt, %get3A_426, %select_n3A_378 : vector<16xf32>
      %select_n3A_428 = arith.select %gt3A_427, %get3A_426, %select_n3A_378 : vector<16xi1>, vector<16xf32>
      %select_n3A_429 = arith.select %gt3A_427, %add3A_382, %select_n3A_379 : vector<16xi1>, vector<16xi32>
      %add3A_430 = arith.constant 64 : i32
      %add3A_431 = vector.broadcast %add3A_430 : i32 to vector<16xi32>
      %add3A_432 = arith.addi %add3A_382, %add3A_431 : vector<16xi32>
      %mul3A_433 = arith.constant 64 : i32
      %mul3A_434 = arith.muli %scan3A_408, %mul3A_433 : i32
      %add3A_435 = arith.constant 32 : i32
      %add3A_436 = arith.addi %mul3A_434, %add3A_435 : i32
      %get3A_437 = arith.index_cast %add3A_436 : i32 to index
      %get3A_438 = tpu.vector_load %arg6[%get3A_437] {strides = array<i32>} : memref<25088xf32, #tpu.memory_space<vmem>>, vector<16xf32>,
      %gt3A_439 = arith.cmpf ogt, %get3A_438, %select_n3A_390 : vector<16xf32>
      %select_n3A_440 = arith.select %gt3A_439, %get3A_438, %select_n3A_390 : vector<16xi1>, vector<16xf32>
      %select_n3A_441 = arith.select %gt3A_439, %add3A_394, %select_n3A_391 : vector<16xi1>, vector<16xi32>
      %add3A_442 = arith.constant 64 : i32
      %add3A_443 = vector.broadcast %add3A_442 : i32 to vector<16xi32>
      %add3A_444 = arith.addi %add3A_394, %add3A_443 : vector<16xi32>
      %mul3A_445 = arith.constant 64 : i32
      %mul3A_446 = arith.muli %scan3A_408, %mul3A_445 : i32
      %add3A_447 = arith.constant 48 : i32
      %add3A_448 = arith.addi %mul3A_446, %add3A_447 : i32
      %get3A_449 = arith.index_cast %add3A_448 : i32 to index
      %get3A_450 = tpu.vector_load %arg6[%get3A_449] {strides = array<i32>} : memref<25088xf32, #tpu.memory_space<vmem>>, vector<16xf32>,
      %gt3A_451 = arith.cmpf ogt, %get3A_450, %select_n3A_402 : vector<16xf32>
      %select_n3A_452 = arith.select %gt3A_451, %get3A_450, %select_n3A_402 : vector<16xi1>, vector<16xf32>
      %select_n3A_453 = arith.select %gt3A_451, %add3A_406, %select_n3A_403 : vector<16xi1>, vector<16xi32>
      %add3A_454 = arith.constant 64 : i32
      %add3A_455 = vector.broadcast %add3A_454 : i32 to vector<16xi32>
      %add3A_456 = arith.addi %add3A_406, %add3A_455 : vector<16xi32>
      scf.yield %select_n3A_416, %select_n3A_417, %select_n3A_428, %select_n3A_429, %select_n3A_440, %select_n3A_441, %select_n3A_452, %select_n3A_453, %add3A_420, %add3A_432, %add3A_444, %add3A_456 : vector<16xf32>, vector<16xi32>, vector<16xf32>, vector<16xi32>, vector<16xf32>, vector<16xi32>, vector<16xf32>, vector<16xi32>, vector<16xi32>, vector<16xi32>, vector<16xi32>, vector<16xi32>
    }
    %scan3A_78 = arith.constant 392 : i32
    %dma_wait3A_79 = arith.constant 0 : i32
    %dma_wait3A_80 = arith.constant 50176 : i32
    %dma_wait3A_81 = tpu.memref_slice %arg2[%add3A, %dma_wait3A_79, %dma_wait3A_80] : memref<64x1x100000xf32, #tpu.memory_space<hbm>> -> memref<1x1x24960xf32, #tpu.memory_space<hbm>>
    %dma_wait3A_82 = tpu.memref_squeeze %dma_wait3A_81 : memref<1x1x24960xf32, #tpu.memory_space<hbm>> -> memref<24960xf32, #tpu.memory_space<hbm>>
    %dma_wait3A_83 = arith.constant 50176 : i32
    %dma_wait3A_84 = tpu.memref_slice %arg2[%add3A, %dma_wait3A_79, %dma_wait3A_83] : memref<64x1x100000xf32, #tpu.memory_space<hbm>> -> memref<1x1x24960xf32, #tpu.memory_space<hbm>>
    %dma_wait3A_85 = tpu.memref_squeeze %dma_wait3A_84 : memref<1x1x24960xf32, #tpu.memory_space<hbm>> -> memref<24960xf32, #tpu.memory_space<hbm>>
    tpu.wait_dma2 semaphore(%arg13 : memref<!tpu.dma_semaphore, #tpu.memory_space<semaphore_mem>>) src(%dma_wait3A_85 : memref<24960xf32, #tpu.memory_space<hbm>>) dst(%arg7 : memref<24960xf32, #tpu.memory_space<vmem>>)
    %add3A_86 = arith.constant 50176 : i32
    %add3A_87 = vector.broadcast %add3A_86 : i32 to vector<16xi32>
    %add3A_88 = arith.addi %add3A_87, %iota3A : vector<16xi32>
    %add3A_89 = arith.constant 50192 : i32
    %add3A_90 = vector.broadcast %add3A_89 : i32 to vector<16xi32>
    %add3A_91 = arith.addi %add3A_90, %iota3A : vector<16xi32>
    %add3A_92 = arith.constant 50208 : i32
    %add3A_93 = vector.broadcast %add3A_92 : i32 to vector<16xi32>
    %add3A_94 = arith.addi %add3A_93, %iota3A : vector<16xi32>
    %add3A_95 = arith.constant 50224 : i32
    %add3A_96 = vector.broadcast %add3A_95 : i32 to vector<16xi32>
    %add3A_97 = arith.addi %add3A_96, %iota3A : vector<16xi32>
    %scan3A_98 = arith.constant 0 : i32
    %scan3A_99 = arith.constant 388 : i32
    %scan3A_100 = arith.addi %scan3A_98, %scan3A_99 : i32
    %scan3A_101 = arith.constant 4 : i32
    %scan3A_102:12 = scf.for %scan3A_246 = %scan3A_98 to %scan3A_100 step %scan3A_101 iter_args(%scan3A_247 = %scan3A_77#0, %scan3A_248 = %scan3A_77#1, %scan3A_249 = %scan3A_77#2, %scan3A_250 = %scan3A_77#3, %scan3A_251 = %scan3A_77#4, %scan3A_252 = %scan3A_77#5, %scan3A_253 = %scan3A_77#6, %scan3A_254 = %scan3A_77#7, %scan3A_255 = %add3A_88, %scan3A_256 = %add3A_91, %scan3A_257 = %add3A_94, %scan3A_258 = %add3A_97) -> (vector<16xf32>, vector<16xi32>, vector<16xf32>, vector<16xi32>, vector<16xf32>, vector<16xi32>, vector<16xf32>, vector<16xi32>, vector<16xi32>, vector<16xi32>, vector<16xi32>, vector<16xi32>)  : i32 {
      %mul3A_259 = arith.constant 64 : i32
      %mul3A_260 = arith.muli %scan3A_246, %mul3A_259 : i32
      %add3A_261 = arith.constant 0 : i32
      %add3A_262 = arith.addi %mul3A_260, %add3A_261 : i32
      %get3A_263 = arith.index_cast %add3A_262 : i32 to index
      %get3A_264 = tpu.vector_load %arg7[%get3A_263] {strides = array<i32>} : memref<24960xf32, #tpu.memory_space<vmem>>, vector<16xf32>,
      %gt3A_265 = arith.cmpf ogt, %get3A_264, %scan3A_247 : vector<16xf32>
      %select_n3A_266 = arith.select %gt3A_265, %get3A_264, %scan3A_247 : vector<16xi1>, vector<16xf32>
      %select_n3A_267 = arith.select %gt3A_265, %scan3A_255, %scan3A_248 : vector<16xi1>, vector<16xi32>
      %add3A_268 = arith.constant 64 : i32
      %add3A_269 = vector.broadcast %add3A_268 : i32 to vector<16xi32>
      %add3A_270 = arith.addi %scan3A_255, %add3A_269 : vector<16xi32>
      %mul3A_271 = arith.constant 64 : i32
      %mul3A_272 = arith.muli %scan3A_246, %mul3A_271 : i32
      %add3A_273 = arith.constant 16 : i32
      %add3A_274 = arith.addi %mul3A_272, %add3A_273 : i32
      %get3A_275 = arith.index_cast %add3A_274 : i32 to index
      %get3A_276 = tpu.vector_load %arg7[%get3A_275] {strides = array<i32>} : memref<24960xf32, #tpu.memory_space<vmem>>, vector<16xf32>,
      %gt3A_277 = arith.cmpf ogt, %get3A_276, %scan3A_249 : vector<16xf32>
      %select_n3A_278 = arith.select %gt3A_277, %get3A_276, %scan3A_249 : vector<16xi1>, vector<16xf32>
      %select_n3A_279 = arith.select %gt3A_277, %scan3A_256, %scan3A_250 : vector<16xi1>, vector<16xi32>
      %add3A_280 = arith.constant 64 : i32
      %add3A_281 = vector.broadcast %add3A_280 : i32 to vector<16xi32>
      %add3A_282 = arith.addi %scan3A_256, %add3A_281 : vector<16xi32>
      %mul3A_283 = arith.constant 64 : i32
      %mul3A_284 = arith.muli %scan3A_246, %mul3A_283 : i32
      %add3A_285 = arith.constant 32 : i32
      %add3A_286 = arith.addi %mul3A_284, %add3A_285 : i32
      %get3A_287 = arith.index_cast %add3A_286 : i32 to index
      %get3A_288 = tpu.vector_load %arg7[%get3A_287] {strides = array<i32>} : memref<24960xf32, #tpu.memory_space<vmem>>, vector<16xf32>,
      %gt3A_289 = arith.cmpf ogt, %get3A_288, %scan3A_251 : vector<16xf32>
      %select_n3A_290 = arith.select %gt3A_289, %get3A_288, %scan3A_251 : vector<16xi1>, vector<16xf32>
      %select_n3A_291 = arith.select %gt3A_289, %scan3A_257, %scan3A_252 : vector<16xi1>, vector<16xi32>
      %add3A_292 = arith.constant 64 : i32
      %add3A_293 = vector.broadcast %add3A_292 : i32 to vector<16xi32>
      %add3A_294 = arith.addi %scan3A_257, %add3A_293 : vector<16xi32>
      %mul3A_295 = arith.constant 64 : i32
      %mul3A_296 = arith.muli %scan3A_246, %mul3A_295 : i32
      %add3A_297 = arith.constant 48 : i32
      %add3A_298 = arith.addi %mul3A_296, %add3A_297 : i32
      %get3A_299 = arith.index_cast %add3A_298 : i32 to index
      %get3A_300 = tpu.vector_load %arg7[%get3A_299] {strides = array<i32>} : memref<24960xf32, #tpu.memory_space<vmem>>, vector<16xf32>,
      %gt3A_301 = arith.cmpf ogt, %get3A_300, %scan3A_253 : vector<16xf32>
      %select_n3A_302 = arith.select %gt3A_301, %get3A_300, %scan3A_253 : vector<16xi1>, vector<16xf32>
      %select_n3A_303 = arith.select %gt3A_301, %scan3A_258, %scan3A_254 : vector<16xi1>, vector<16xi32>
      %add3A_304 = arith.constant 64 : i32
      %add3A_305 = vector.broadcast %add3A_304 : i32 to vector<16xi32>
      %add3A_306 = arith.addi %scan3A_258, %add3A_305 : vector<16xi32>
      %scan3A_307 = arith.constant 1 : i32
      %scan3A_308 = arith.addi %scan3A_246, %scan3A_307 : i32
      %mul3A_309 = arith.constant 64 : i32
      %mul3A_310 = arith.muli %scan3A_308, %mul3A_309 : i32
      %add3A_311 = arith.constant 0 : i32
      %add3A_312 = arith.addi %mul3A_310, %add3A_311 : i32
      %get3A_313 = arith.index_cast %add3A_312 : i32 to index
      %get3A_314 = tpu.vector_load %arg7[%get3A_313] {strides = array<i32>} : memref<24960xf32, #tpu.memory_space<vmem>>, vector<16xf32>,
      %gt3A_315 = arith.cmpf ogt, %get3A_314, %select_n3A_266 : vector<16xf32>
      %select_n3A_316 = arith.select %gt3A_315, %get3A_314, %select_n3A_266 : vector<16xi1>, vector<16xf32>
      %select_n3A_317 = arith.select %gt3A_315, %add3A_270, %select_n3A_267 : vector<16xi1>, vector<16xi32>
      %add3A_318 = arith.constant 64 : i32
      %add3A_319 = vector.broadcast %add3A_318 : i32 to vector<16xi32>
      %add3A_320 = arith.addi %add3A_270, %add3A_319 : vector<16xi32>
      %mul3A_321 = arith.constant 64 : i32
      %mul3A_322 = arith.muli %scan3A_308, %mul3A_321 : i32
      %add3A_323 = arith.constant 16 : i32
      %add3A_324 = arith.addi %mul3A_322, %add3A_323 : i32
      %get3A_325 = arith.index_cast %add3A_324 : i32 to index
      %get3A_326 = tpu.vector_load %arg7[%get3A_325] {strides = array<i32>} : memref<24960xf32, #tpu.memory_space<vmem>>, vector<16xf32>,
      %gt3A_327 = arith.cmpf ogt, %get3A_326, %select_n3A_278 : vector<16xf32>
      %select_n3A_328 = arith.select %gt3A_327, %get3A_326, %select_n3A_278 : vector<16xi1>, vector<16xf32>
      %select_n3A_329 = arith.select %gt3A_327, %add3A_282, %select_n3A_279 : vector<16xi1>, vector<16xi32>
      %add3A_330 = arith.constant 64 : i32
      %add3A_331 = vector.broadcast %add3A_330 : i32 to vector<16xi32>
      %add3A_332 = arith.addi %add3A_282, %add3A_331 : vector<16xi32>
      %mul3A_333 = arith.constant 64 : i32
      %mul3A_334 = arith.muli %scan3A_308, %mul3A_333 : i32
      %add3A_335 = arith.constant 32 : i32
      %add3A_336 = arith.addi %mul3A_334, %add3A_335 : i32
      %get3A_337 = arith.index_cast %add3A_336 : i32 to index
      %get3A_338 = tpu.vector_load %arg7[%get3A_337] {strides = array<i32>} : memref<24960xf32, #tpu.memory_space<vmem>>, vector<16xf32>,
      %gt3A_339 = arith.cmpf ogt, %get3A_338, %select_n3A_290 : vector<16xf32>
      %select_n3A_340 = arith.select %gt3A_339, %get3A_338, %select_n3A_290 : vector<16xi1>, vector<16xf32>
      %select_n3A_341 = arith.select %gt3A_339, %add3A_294, %select_n3A_291 : vector<16xi1>, vector<16xi32>
      %add3A_342 = arith.constant 64 : i32
      %add3A_343 = vector.broadcast %add3A_342 : i32 to vector<16xi32>
      %add3A_344 = arith.addi %add3A_294, %add3A_343 : vector<16xi32>
      %mul3A_345 = arith.constant 64 : i32
      %mul3A_346 = arith.muli %scan3A_308, %mul3A_345 : i32
      %add3A_347 = arith.constant 48 : i32
      %add3A_348 = arith.addi %mul3A_346, %add3A_347 : i32
      %get3A_349 = arith.index_cast %add3A_348 : i32 to index
      %get3A_350 = tpu.vector_load %arg7[%get3A_349] {strides = array<i32>} : memref<24960xf32, #tpu.memory_space<vmem>>, vector<16xf32>,
      %gt3A_351 = arith.cmpf ogt, %get3A_350, %select_n3A_302 : vector<16xf32>
      %select_n3A_352 = arith.select %gt3A_351, %get3A_350, %select_n3A_302 : vector<16xi1>, vector<16xf32>
      %select_n3A_353 = arith.select %gt3A_351, %add3A_306, %select_n3A_303 : vector<16xi1>, vector<16xi32>
      %add3A_354 = arith.constant 64 : i32
      %add3A_355 = vector.broadcast %add3A_354 : i32 to vector<16xi32>
      %add3A_356 = arith.addi %add3A_306, %add3A_355 : vector<16xi32>
      %scan3A_357 = arith.constant 2 : i32
      %scan3A_358 = arith.addi %scan3A_246, %scan3A_357 : i32
      %mul3A_359 = arith.constant 64 : i32
      %mul3A_360 = arith.muli %scan3A_358, %mul3A_359 : i32
      %add3A_361 = arith.constant 0 : i32
      %add3A_362 = arith.addi %mul3A_360, %add3A_361 : i32
      %get3A_363 = arith.index_cast %add3A_362 : i32 to index
      %get3A_364 = tpu.vector_load %arg7[%get3A_363] {strides = array<i32>} : memref<24960xf32, #tpu.memory_space<vmem>>, vector<16xf32>,
      %gt3A_365 = arith.cmpf ogt, %get3A_364, %select_n3A_316 : vector<16xf32>
      %select_n3A_366 = arith.select %gt3A_365, %get3A_364, %select_n3A_316 : vector<16xi1>, vector<16xf32>
      %select_n3A_367 = arith.select %gt3A_365, %add3A_320, %select_n3A_317 : vector<16xi1>, vector<16xi32>
      %add3A_368 = arith.constant 64 : i32
      %add3A_369 = vector.broadcast %add3A_368 : i32 to vector<16xi32>
      %add3A_370 = arith.addi %add3A_320, %add3A_369 : vector<16xi32>
      %mul3A_371 = arith.constant 64 : i32
      %mul3A_372 = arith.muli %scan3A_358, %mul3A_371 : i32
      %add3A_373 = arith.constant 16 : i32
      %add3A_374 = arith.addi %mul3A_372, %add3A_373 : i32
      %get3A_375 = arith.index_cast %add3A_374 : i32 to index
      %get3A_376 = tpu.vector_load %arg7[%get3A_375] {strides = array<i32>} : memref<24960xf32, #tpu.memory_space<vmem>>, vector<16xf32>,
      %gt3A_377 = arith.cmpf ogt, %get3A_376, %select_n3A_328 : vector<16xf32>
      %select_n3A_378 = arith.select %gt3A_377, %get3A_376, %select_n3A_328 : vector<16xi1>, vector<16xf32>
      %select_n3A_379 = arith.select %gt3A_377, %add3A_332, %select_n3A_329 : vector<16xi1>, vector<16xi32>
      %add3A_380 = arith.constant 64 : i32
      %add3A_381 = vector.broadcast %add3A_380 : i32 to vector<16xi32>
      %add3A_382 = arith.addi %add3A_332, %add3A_381 : vector<16xi32>
      %mul3A_383 = arith.constant 64 : i32
      %mul3A_384 = arith.muli %scan3A_358, %mul3A_383 : i32
      %add3A_385 = arith.constant 32 : i32
      %add3A_386 = arith.addi %mul3A_384, %add3A_385 : i32
      %get3A_387 = arith.index_cast %add3A_386 : i32 to index
      %get3A_388 = tpu.vector_load %arg7[%get3A_387] {strides = array<i32>} : memref<24960xf32, #tpu.memory_space<vmem>>, vector<16xf32>,
      %gt3A_389 = arith.cmpf ogt, %get3A_388, %select_n3A_340 : vector<16xf32>
      %select_n3A_390 = arith.select %gt3A_389, %get3A_388, %select_n3A_340 : vector<16xi1>, vector<16xf32>
      %select_n3A_391 = arith.select %gt3A_389, %add3A_344, %select_n3A_341 : vector<16xi1>, vector<16xi32>
      %add3A_392 = arith.constant 64 : i32
      %add3A_393 = vector.broadcast %add3A_392 : i32 to vector<16xi32>
      %add3A_394 = arith.addi %add3A_344, %add3A_393 : vector<16xi32>
      %mul3A_395 = arith.constant 64 : i32
      %mul3A_396 = arith.muli %scan3A_358, %mul3A_395 : i32
      %add3A_397 = arith.constant 48 : i32
      %add3A_398 = arith.addi %mul3A_396, %add3A_397 : i32
      %get3A_399 = arith.index_cast %add3A_398 : i32 to index
      %get3A_400 = tpu.vector_load %arg7[%get3A_399] {strides = array<i32>} : memref<24960xf32, #tpu.memory_space<vmem>>, vector<16xf32>,
      %gt3A_401 = arith.cmpf ogt, %get3A_400, %select_n3A_352 : vector<16xf32>
      %select_n3A_402 = arith.select %gt3A_401, %get3A_400, %select_n3A_352 : vector<16xi1>, vector<16xf32>
      %select_n3A_403 = arith.select %gt3A_401, %add3A_356, %select_n3A_353 : vector<16xi1>, vector<16xi32>
      %add3A_404 = arith.constant 64 : i32
      %add3A_405 = vector.broadcast %add3A_404 : i32 to vector<16xi32>
      %add3A_406 = arith.addi %add3A_356, %add3A_405 : vector<16xi32>
      %scan3A_407 = arith.constant 3 : i32
      %scan3A_408 = arith.addi %scan3A_246, %scan3A_407 : i32
      %mul3A_409 = arith.constant 64 : i32
      %mul3A_410 = arith.muli %scan3A_408, %mul3A_409 : i32
      %add3A_411 = arith.constant 0 : i32
      %add3A_412 = arith.addi %mul3A_410, %add3A_411 : i32
      %get3A_413 = arith.index_cast %add3A_412 : i32 to index
      %get3A_414 = tpu.vector_load %arg7[%get3A_413] {strides = array<i32>} : memref<24960xf32, #tpu.memory_space<vmem>>, vector<16xf32>,
      %gt3A_415 = arith.cmpf ogt, %get3A_414, %select_n3A_366 : vector<16xf32>
      %select_n3A_416 = arith.select %gt3A_415, %get3A_414, %select_n3A_366 : vector<16xi1>, vector<16xf32>
      %select_n3A_417 = arith.select %gt3A_415, %add3A_370, %select_n3A_367 : vector<16xi1>, vector<16xi32>
      %add3A_418 = arith.constant 64 : i32
      %add3A_419 = vector.broadcast %add3A_418 : i32 to vector<16xi32>
      %add3A_420 = arith.addi %add3A_370, %add3A_419 : vector<16xi32>
      %mul3A_421 = arith.constant 64 : i32
      %mul3A_422 = arith.muli %scan3A_408, %mul3A_421 : i32
      %add3A_423 = arith.constant 16 : i32
      %add3A_424 = arith.addi %mul3A_422, %add3A_423 : i32
      %get3A_425 = arith.index_cast %add3A_424 : i32 to index
      %get3A_426 = tpu.vector_load %arg7[%get3A_425] {strides = array<i32>} : memref<24960xf32, #tpu.memory_space<vmem>>, vector<16xf32>,
      %gt3A_427 = arith.cmpf ogt, %get3A_426, %select_n3A_378 : vector<16xf32>
      %select_n3A_428 = arith.select %gt3A_427, %get3A_426, %select_n3A_378 : vector<16xi1>, vector<16xf32>
      %select_n3A_429 = arith.select %gt3A_427, %add3A_382, %select_n3A_379 : vector<16xi1>, vector<16xi32>
      %add3A_430 = arith.constant 64 : i32
      %add3A_431 = vector.broadcast %add3A_430 : i32 to vector<16xi32>
      %add3A_432 = arith.addi %add3A_382, %add3A_431 : vector<16xi32>
      %mul3A_433 = arith.constant 64 : i32
      %mul3A_434 = arith.muli %scan3A_408, %mul3A_433 : i32
      %add3A_435 = arith.constant 32 : i32
      %add3A_436 = arith.addi %mul3A_434, %add3A_435 : i32
      %get3A_437 = arith.index_cast %add3A_436 : i32 to index
      %get3A_438 = tpu.vector_load %arg7[%get3A_437] {strides = array<i32>} : memref<24960xf32, #tpu.memory_space<vmem>>, vector<16xf32>,
      %gt3A_439 = arith.cmpf ogt, %get3A_438, %select_n3A_390 : vector<16xf32>
      %select_n3A_440 = arith.select %gt3A_439, %get3A_438, %select_n3A_390 : vector<16xi1>, vector<16xf32>
      %select_n3A_441 = arith.select %gt3A_439, %add3A_394, %select_n3A_391 : vector<16xi1>, vector<16xi32>
      %add3A_442 = arith.constant 64 : i32
      %add3A_443 = vector.broadcast %add3A_442 : i32 to vector<16xi32>
      %add3A_444 = arith.addi %add3A_394, %add3A_443 : vector<16xi32>
      %mul3A_445 = arith.constant 64 : i32
      %mul3A_446 = arith.muli %scan3A_408, %mul3A_445 : i32
      %add3A_447 = arith.constant 48 : i32
      %add3A_448 = arith.addi %mul3A_446, %add3A_447 : i32
      %get3A_449 = arith.index_cast %add3A_448 : i32 to index
      %get3A_450 = tpu.vector_load %arg7[%get3A_449] {strides = array<i32>} : memref<24960xf32, #tpu.memory_space<vmem>>, vector<16xf32>,
      %gt3A_451 = arith.cmpf ogt, %get3A_450, %select_n3A_402 : vector<16xf32>
      %select_n3A_452 = arith.select %gt3A_451, %get3A_450, %select_n3A_402 : vector<16xi1>, vector<16xf32>
      %select_n3A_453 = arith.select %gt3A_451, %add3A_406, %select_n3A_403 : vector<16xi1>, vector<16xi32>
      %add3A_454 = arith.constant 64 : i32
      %add3A_455 = vector.broadcast %add3A_454 : i32 to vector<16xi32>
      %add3A_456 = arith.addi %add3A_406, %add3A_455 : vector<16xi32>
      scf.yield %select_n3A_416, %select_n3A_417, %select_n3A_428, %select_n3A_429, %select_n3A_440, %select_n3A_441, %select_n3A_452, %select_n3A_453, %add3A_420, %add3A_432, %add3A_444, %add3A_456 : vector<16xf32>, vector<16xi32>, vector<16xf32>, vector<16xi32>, vector<16xf32>, vector<16xi32>, vector<16xf32>, vector<16xi32>, vector<16xi32>, vector<16xi32>, vector<16xi32>, vector<16xi32>
    }
    %scan3A_103 = arith.constant 388 : i32
    %scan3A_104 = arith.addi %scan3A_98, %scan3A_103 : i32
    %mul3A_105 = arith.constant 64 : i32
    %mul3A_106 = arith.muli %scan3A_104, %mul3A_105 : i32
    %add3A_107 = arith.constant 0 : i32
    %add3A_108 = arith.addi %mul3A_106, %add3A_107 : i32
    %get3A = arith.index_cast %add3A_108 : i32 to index
    %get3A_109 = tpu.vector_load %arg7[%get3A] {strides = array<i32>} : memref<24960xf32, #tpu.memory_space<vmem>>, vector<16xf32>,
    %gt3A = arith.cmpf ogt, %get3A_109, %scan3A_102#0 : vector<16xf32>
    %select_n3A = arith.select %gt3A, %get3A_109, %scan3A_102#0 : vector<16xi1>, vector<16xf32>
    %select_n3A_110 = arith.select %gt3A, %scan3A_102#8, %scan3A_102#1 : vector<16xi1>, vector<16xi32>
    %add3A_111 = arith.constant 64 : i32
    %add3A_112 = vector.broadcast %add3A_111 : i32 to vector<16xi32>
    %add3A_113 = arith.addi %scan3A_102#8, %add3A_112 : vector<16xi32>
    %mul3A_114 = arith.constant 64 : i32
    %mul3A_115 = arith.muli %scan3A_104, %mul3A_114 : i32
    %add3A_116 = arith.constant 16 : i32
    %add3A_117 = arith.addi %mul3A_115, %add3A_116 : i32
    %get3A_118 = arith.index_cast %add3A_117 : i32 to index
    %get3A_119 = tpu.vector_load %arg7[%get3A_118] {strides = array<i32>} : memref<24960xf32, #tpu.memory_space<vmem>>, vector<16xf32>,
    %gt3A_120 = arith.cmpf ogt, %get3A_119, %scan3A_102#2 : vector<16xf32>
    %select_n3A_121 = arith.select %gt3A_120, %get3A_119, %scan3A_102#2 : vector<16xi1>, vector<16xf32>
    %select_n3A_122 = arith.select %gt3A_120, %scan3A_102#9, %scan3A_102#3 : vector<16xi1>, vector<16xi32>
    %add3A_123 = arith.constant 64 : i32
    %add3A_124 = vector.broadcast %add3A_123 : i32 to vector<16xi32>
    %add3A_125 = arith.addi %scan3A_102#9, %add3A_124 : vector<16xi32>
    %mul3A_126 = arith.constant 64 : i32
    %mul3A_127 = arith.muli %scan3A_104, %mul3A_126 : i32
    %add3A_128 = arith.constant 32 : i32
    %add3A_129 = arith.addi %mul3A_127, %add3A_128 : i32
    %get3A_130 = arith.index_cast %add3A_129 : i32 to index
    %get3A_131 = tpu.vector_load %arg7[%get3A_130] {strides = array<i32>} : memref<24960xf32, #tpu.memory_space<vmem>>, vector<16xf32>,
    %gt3A_132 = arith.cmpf ogt, %get3A_131, %scan3A_102#4 : vector<16xf32>
    %select_n3A_133 = arith.select %gt3A_132, %get3A_131, %scan3A_102#4 : vector<16xi1>, vector<16xf32>
    %select_n3A_134 = arith.select %gt3A_132, %scan3A_102#10, %scan3A_102#5 : vector<16xi1>, vector<16xi32>
    %add3A_135 = arith.constant 64 : i32
    %add3A_136 = vector.broadcast %add3A_135 : i32 to vector<16xi32>
    %add3A_137 = arith.addi %scan3A_102#10, %add3A_136 : vector<16xi32>
    %mul3A_138 = arith.constant 64 : i32
    %mul3A_139 = arith.muli %scan3A_104, %mul3A_138 : i32
    %add3A_140 = arith.constant 48 : i32
    %add3A_141 = arith.addi %mul3A_139, %add3A_140 : i32
    %get3A_142 = arith.index_cast %add3A_141 : i32 to index
    %get3A_143 = tpu.vector_load %arg7[%get3A_142] {strides = array<i32>} : memref<24960xf32, #tpu.memory_space<vmem>>, vector<16xf32>,
    %gt3A_144 = arith.cmpf ogt, %get3A_143, %scan3A_102#6 : vector<16xf32>
    %select_n3A_145 = arith.select %gt3A_144, %get3A_143, %scan3A_102#6 : vector<16xi1>, vector<16xf32>
    %select_n3A_146 = arith.select %gt3A_144, %scan3A_102#11, %scan3A_102#7 : vector<16xi1>, vector<16xi32>
    %add3A_147 = arith.constant 64 : i32
    %add3A_148 = vector.broadcast %add3A_147 : i32 to vector<16xi32>
    %add3A_149 = arith.addi %scan3A_102#11, %add3A_148 : vector<16xi32>
    %scan3A_150 = arith.constant 389 : i32
    %scan3A_151 = arith.addi %scan3A_98, %scan3A_150 : i32
    %mul3A_152 = arith.constant 64 : i32
    %mul3A_153 = arith.muli %scan3A_151, %mul3A_152 : i32
    %add3A_154 = arith.constant 0 : i32
    %add3A_155 = arith.addi %mul3A_153, %add3A_154 : i32
    %get3A_156 = arith.index_cast %add3A_155 : i32 to index
    %get3A_157 = tpu.vector_load %arg7[%get3A_156] {strides = array<i32>} : memref<24960xf32, #tpu.memory_space<vmem>>, vector<16xf32>,
    %gt3A_158 = arith.cmpf ogt, %get3A_157, %select_n3A : vector<16xf32>
    %select_n3A_159 = arith.select %gt3A_158, %get3A_157, %select_n3A : vector<16xi1>, vector<16xf32>
    %select_n3A_160 = arith.select %gt3A_158, %add3A_113, %select_n3A_110 : vector<16xi1>, vector<16xi32>
    %add3A_161 = arith.constant 64 : i32
    %add3A_162 = vector.broadcast %add3A_161 : i32 to vector<16xi32>
    %add3A_163 = arith.addi %add3A_113, %add3A_162 : vector<16xi32>
    %mul3A_164 = arith.constant 64 : i32
    %mul3A_165 = arith.muli %scan3A_151, %mul3A_164 : i32
    %add3A_166 = arith.constant 16 : i32
    %add3A_167 = arith.addi %mul3A_165, %add3A_166 : i32
    %get3A_168 = arith.index_cast %add3A_167 : i32 to index
    %get3A_169 = tpu.vector_load %arg7[%get3A_168] {strides = array<i32>} : memref<24960xf32, #tpu.memory_space<vmem>>, vector<16xf32>,
    %gt3A_170 = arith.cmpf ogt, %get3A_169, %select_n3A_121 : vector<16xf32>
    %select_n3A_171 = arith.select %gt3A_170, %get3A_169, %select_n3A_121 : vector<16xi1>, vector<16xf32>
    %select_n3A_172 = arith.select %gt3A_170, %add3A_125, %select_n3A_122 : vector<16xi1>, vector<16xi32>
    %add3A_173 = arith.constant 64 : i32
    %add3A_174 = vector.broadcast %add3A_173 : i32 to vector<16xi32>
    %add3A_175 = arith.addi %add3A_125, %add3A_174 : vector<16xi32>
    %mul3A_176 = arith.constant 64 : i32
    %mul3A_177 = arith.muli %scan3A_151, %mul3A_176 : i32
    %add3A_178 = arith.constant 32 : i32
    %add3A_179 = arith.addi %mul3A_177, %add3A_178 : i32
    %get3A_180 = arith.index_cast %add3A_179 : i32 to index
    %get3A_181 = tpu.vector_load %arg7[%get3A_180] {strides = array<i32>} : memref<24960xf32, #tpu.memory_space<vmem>>, vector<16xf32>,
    %gt3A_182 = arith.cmpf ogt, %get3A_181, %select_n3A_133 : vector<16xf32>
    %select_n3A_183 = arith.select %gt3A_182, %get3A_181, %select_n3A_133 : vector<16xi1>, vector<16xf32>
    %select_n3A_184 = arith.select %gt3A_182, %add3A_137, %select_n3A_134 : vector<16xi1>, vector<16xi32>
    %add3A_185 = arith.constant 64 : i32
    %add3A_186 = vector.broadcast %add3A_185 : i32 to vector<16xi32>
    %add3A_187 = arith.addi %add3A_137, %add3A_186 : vector<16xi32>
    %mul3A_188 = arith.constant 64 : i32
    %mul3A_189 = arith.muli %scan3A_151, %mul3A_188 : i32
    %add3A_190 = arith.constant 48 : i32
    %add3A_191 = arith.addi %mul3A_189, %add3A_190 : i32
    %get3A_192 = arith.index_cast %add3A_191 : i32 to index
    %get3A_193 = tpu.vector_load %arg7[%get3A_192] {strides = array<i32>} : memref<24960xf32, #tpu.memory_space<vmem>>, vector<16xf32>,
    %gt3A_194 = arith.cmpf ogt, %get3A_193, %select_n3A_145 : vector<16xf32>
    %select_n3A_195 = arith.select %gt3A_194, %get3A_193, %select_n3A_145 : vector<16xi1>, vector<16xf32>
    %select_n3A_196 = arith.select %gt3A_194, %add3A_149, %select_n3A_146 : vector<16xi1>, vector<16xi32>
    %add3A_197 = arith.constant 64 : i32
    %add3A_198 = vector.broadcast %add3A_197 : i32 to vector<16xi32>
    %add3A_199 = arith.addi %add3A_149, %add3A_198 : vector<16xi32>
    %scan3A_200 = arith.constant 390 : i32
    %dma_wait3A_201 = arith.constant 0 : i32
    %dma_wait3A_202 = arith.constant 75136 : i32
    %dma_wait3A_203 = tpu.memref_slice %arg2[%add3A, %dma_wait3A_201, %dma_wait3A_202] : memref<64x1x100000xf32, #tpu.memory_space<hbm>> -> memref<1x1x24832xf32, #tpu.memory_space<hbm>>
    %dma_wait3A_204 = tpu.memref_squeeze %dma_wait3A_203 : memref<1x1x24832xf32, #tpu.memory_space<hbm>> -> memref<24832xf32, #tpu.memory_space<hbm>>
    %dma_wait3A_205 = arith.constant 75136 : i32
    %dma_wait3A_206 = tpu.memref_slice %arg2[%add3A, %dma_wait3A_201, %dma_wait3A_205] : memref<64x1x100000xf32, #tpu.memory_space<hbm>> -> memref<1x1x24832xf32, #tpu.memory_space<hbm>>
    %dma_wait3A_207 = tpu.memref_squeeze %dma_wait3A_206 : memref<1x1x24832xf32, #tpu.memory_space<hbm>> -> memref<24832xf32, #tpu.memory_space<hbm>>
    tpu.wait_dma2 semaphore(%arg14 : memref<!tpu.dma_semaphore, #tpu.memory_space<semaphore_mem>>) src(%dma_wait3A_207 : memref<24832xf32, #tpu.memory_space<hbm>>) dst(%arg8 : memref<24832xf32, #tpu.memory_space<vmem>>)
    %add3A_208 = arith.constant 75136 : i32
    %add3A_209 = vector.broadcast %add3A_208 : i32 to vector<16xi32>
    %add3A_210 = arith.addi %add3A_209, %iota3A : vector<16xi32>
    %add3A_211 = arith.constant 75152 : i32
    %add3A_212 = vector.broadcast %add3A_211 : i32 to vector<16xi32>
    %add3A_213 = arith.addi %add3A_212, %iota3A : vector<16xi32>
    %add3A_214 = arith.constant 75168 : i32
    %add3A_215 = vector.broadcast %add3A_214 : i32 to vector<16xi32>
    %add3A_216 = arith.addi %add3A_215, %iota3A : vector<16xi32>
    %add3A_217 = arith.constant 75184 : i32
    %add3A_218 = vector.broadcast %add3A_217 : i32 to vector<16xi32>
    %add3A_219 = arith.addi %add3A_218, %iota3A : vector<16xi32>
    %scan3A_220 = arith.constant 0 : i32
    %scan3A_221 = arith.constant 388 : i32
    %scan3A_222 = arith.addi %scan3A_220, %scan3A_221 : i32
    %scan3A_223 = arith.constant 4 : i32
    %scan3A_224:12 = scf.for %scan3A_246 = %scan3A_220 to %scan3A_222 step %scan3A_223 iter_args(%scan3A_247 = %select_n3A_159, %scan3A_248 = %select_n3A_160, %scan3A_249 = %select_n3A_171, %scan3A_250 = %select_n3A_172, %scan3A_251 = %select_n3A_183, %scan3A_252 = %select_n3A_184, %scan3A_253 = %select_n3A_195, %scan3A_254 = %select_n3A_196, %scan3A_255 = %add3A_210, %scan3A_256 = %add3A_213, %scan3A_257 = %add3A_216, %scan3A_258 = %add3A_219) -> (vector<16xf32>, vector<16xi32>, vector<16xf32>, vector<16xi32>, vector<16xf32>, vector<16xi32>, vector<16xf32>, vector<16xi32>, vector<16xi32>, vector<16xi32>, vector<16xi32>, vector<16xi32>)  : i32 {
      %mul3A_259 = arith.constant 64 : i32
      %mul3A_260 = arith.muli %scan3A_246, %mul3A_259 : i32
      %add3A_261 = arith.constant 0 : i32
      %add3A_262 = arith.addi %mul3A_260, %add3A_261 : i32
      %get3A_263 = arith.index_cast %add3A_262 : i32 to index
      %get3A_264 = tpu.vector_load %arg8[%get3A_263] {strides = array<i32>} : memref<24832xf32, #tpu.memory_space<vmem>>, vector<16xf32>,
      %gt3A_265 = arith.cmpf ogt, %get3A_264, %scan3A_247 : vector<16xf32>
      %select_n3A_266 = arith.select %gt3A_265, %get3A_264, %scan3A_247 : vector<16xi1>, vector<16xf32>
      %select_n3A_267 = arith.select %gt3A_265, %scan3A_255, %scan3A_248 : vector<16xi1>, vector<16xi32>
      %add3A_268 = arith.constant 64 : i32
      %add3A_269 = vector.broadcast %add3A_268 : i32 to vector<16xi32>
      %add3A_270 = arith.addi %scan3A_255, %add3A_269 : vector<16xi32>
      %mul3A_271 = arith.constant 64 : i32
      %mul3A_272 = arith.muli %scan3A_246, %mul3A_271 : i32
      %add3A_273 = arith.constant 16 : i32
      %add3A_274 = arith.addi %mul3A_272, %add3A_273 : i32
      %get3A_275 = arith.index_cast %add3A_274 : i32 to index
      %get3A_276 = tpu.vector_load %arg8[%get3A_275] {strides = array<i32>} : memref<24832xf32, #tpu.memory_space<vmem>>, vector<16xf32>,
      %gt3A_277 = arith.cmpf ogt, %get3A_276, %scan3A_249 : vector<16xf32>
      %select_n3A_278 = arith.select %gt3A_277, %get3A_276, %scan3A_249 : vector<16xi1>, vector<16xf32>
      %select_n3A_279 = arith.select %gt3A_277, %scan3A_256, %scan3A_250 : vector<16xi1>, vector<16xi32>
      %add3A_280 = arith.constant 64 : i32
      %add3A_281 = vector.broadcast %add3A_280 : i32 to vector<16xi32>
      %add3A_282 = arith.addi %scan3A_256, %add3A_281 : vector<16xi32>
      %mul3A_283 = arith.constant 64 : i32
      %mul3A_284 = arith.muli %scan3A_246, %mul3A_283 : i32
      %add3A_285 = arith.constant 32 : i32
      %add3A_286 = arith.addi %mul3A_284, %add3A_285 : i32
      %get3A_287 = arith.index_cast %add3A_286 : i32 to index
      %get3A_288 = tpu.vector_load %arg8[%get3A_287] {strides = array<i32>} : memref<24832xf32, #tpu.memory_space<vmem>>, vector<16xf32>,
      %gt3A_289 = arith.cmpf ogt, %get3A_288, %scan3A_251 : vector<16xf32>
      %select_n3A_290 = arith.select %gt3A_289, %get3A_288, %scan3A_251 : vector<16xi1>, vector<16xf32>
      %select_n3A_291 = arith.select %gt3A_289, %scan3A_257, %scan3A_252 : vector<16xi1>, vector<16xi32>
      %add3A_292 = arith.constant 64 : i32
      %add3A_293 = vector.broadcast %add3A_292 : i32 to vector<16xi32>
      %add3A_294 = arith.addi %scan3A_257, %add3A_293 : vector<16xi32>
      %mul3A_295 = arith.constant 64 : i32
      %mul3A_296 = arith.muli %scan3A_246, %mul3A_295 : i32
      %add3A_297 = arith.constant 48 : i32
      %add3A_298 = arith.addi %mul3A_296, %add3A_297 : i32
      %get3A_299 = arith.index_cast %add3A_298 : i32 to index
      %get3A_300 = tpu.vector_load %arg8[%get3A_299] {strides = array<i32>} : memref<24832xf32, #tpu.memory_space<vmem>>, vector<16xf32>,
      %gt3A_301 = arith.cmpf ogt, %get3A_300, %scan3A_253 : vector<16xf32>
      %select_n3A_302 = arith.select %gt3A_301, %get3A_300, %scan3A_253 : vector<16xi1>, vector<16xf32>
      %select_n3A_303 = arith.select %gt3A_301, %scan3A_258, %scan3A_254 : vector<16xi1>, vector<16xi32>
      %add3A_304 = arith.constant 64 : i32
      %add3A_305 = vector.broadcast %add3A_304 : i32 to vector<16xi32>
      %add3A_306 = arith.addi %scan3A_258, %add3A_305 : vector<16xi32>
      %scan3A_307 = arith.constant 1 : i32
      %scan3A_308 = arith.addi %scan3A_246, %scan3A_307 : i32
      %mul3A_309 = arith.constant 64 : i32
      %mul3A_310 = arith.muli %scan3A_308, %mul3A_309 : i32
      %add3A_311 = arith.constant 0 : i32
      %add3A_312 = arith.addi %mul3A_310, %add3A_311 : i32
      %get3A_313 = arith.index_cast %add3A_312 : i32 to index
      %get3A_314 = tpu.vector_load %arg8[%get3A_313] {strides = array<i32>} : memref<24832xf32, #tpu.memory_space<vmem>>, vector<16xf32>,
      %gt3A_315 = arith.cmpf ogt, %get3A_314, %select_n3A_266 : vector<16xf32>
      %select_n3A_316 = arith.select %gt3A_315, %get3A_314, %select_n3A_266 : vector<16xi1>, vector<16xf32>
      %select_n3A_317 = arith.select %gt3A_315, %add3A_270, %select_n3A_267 : vector<16xi1>, vector<16xi32>
      %add3A_318 = arith.constant 64 : i32
      %add3A_319 = vector.broadcast %add3A_318 : i32 to vector<16xi32>
      %add3A_320 = arith.addi %add3A_270, %add3A_319 : vector<16xi32>
      %mul3A_321 = arith.constant 64 : i32
      %mul3A_322 = arith.muli %scan3A_308, %mul3A_321 : i32
      %add3A_323 = arith.constant 16 : i32
      %add3A_324 = arith.addi %mul3A_322, %add3A_323 : i32
      %get3A_325 = arith.index_cast %add3A_324 : i32 to index
      %get3A_326 = tpu.vector_load %arg8[%get3A_325] {strides = array<i32>} : memref<24832xf32, #tpu.memory_space<vmem>>, vector<16xf32>,
      %gt3A_327 = arith.cmpf ogt, %get3A_326, %select_n3A_278 : vector<16xf32>
      %select_n3A_328 = arith.select %gt3A_327, %get3A_326, %select_n3A_278 : vector<16xi1>, vector<16xf32>
      %select_n3A_329 = arith.select %gt3A_327, %add3A_282, %select_n3A_279 : vector<16xi1>, vector<16xi32>
      %add3A_330 = arith.constant 64 : i32
      %add3A_331 = vector.broadcast %add3A_330 : i32 to vector<16xi32>
      %add3A_332 = arith.addi %add3A_282, %add3A_331 : vector<16xi32>
      %mul3A_333 = arith.constant 64 : i32
      %mul3A_334 = arith.muli %scan3A_308, %mul3A_333 : i32
      %add3A_335 = arith.constant 32 : i32
      %add3A_336 = arith.addi %mul3A_334, %add3A_335 : i32
      %get3A_337 = arith.index_cast %add3A_336 : i32 to index
      %get3A_338 = tpu.vector_load %arg8[%get3A_337] {strides = array<i32>} : memref<24832xf32, #tpu.memory_space<vmem>>, vector<16xf32>,
      %gt3A_339 = arith.cmpf ogt, %get3A_338, %select_n3A_290 : vector<16xf32>
      %select_n3A_340 = arith.select %gt3A_339, %get3A_338, %select_n3A_290 : vector<16xi1>, vector<16xf32>
      %select_n3A_341 = arith.select %gt3A_339, %add3A_294, %select_n3A_291 : vector<16xi1>, vector<16xi32>
      %add3A_342 = arith.constant 64 : i32
      %add3A_343 = vector.broadcast %add3A_342 : i32 to vector<16xi32>
      %add3A_344 = arith.addi %add3A_294, %add3A_343 : vector<16xi32>
      %mul3A_345 = arith.constant 64 : i32
      %mul3A_346 = arith.muli %scan3A_308, %mul3A_345 : i32
      %add3A_347 = arith.constant 48 : i32
      %add3A_348 = arith.addi %mul3A_346, %add3A_347 : i32
      %get3A_349 = arith.index_cast %add3A_348 : i32 to index
      %get3A_350 = tpu.vector_load %arg8[%get3A_349] {strides = array<i32>} : memref<24832xf32, #tpu.memory_space<vmem>>, vector<16xf32>,
      %gt3A_351 = arith.cmpf ogt, %get3A_350, %select_n3A_302 : vector<16xf32>
      %select_n3A_352 = arith.select %gt3A_351, %get3A_350, %select_n3A_302 : vector<16xi1>, vector<16xf32>
      %select_n3A_353 = arith.select %gt3A_351, %add3A_306, %select_n3A_303 : vector<16xi1>, vector<16xi32>
      %add3A_354 = arith.constant 64 : i32
      %add3A_355 = vector.broadcast %add3A_354 : i32 to vector<16xi32>
      %add3A_356 = arith.addi %add3A_306, %add3A_355 : vector<16xi32>
      %scan3A_357 = arith.constant 2 : i32
      %scan3A_358 = arith.addi %scan3A_246, %scan3A_357 : i32
      %mul3A_359 = arith.constant 64 : i32
      %mul3A_360 = arith.muli %scan3A_358, %mul3A_359 : i32
      %add3A_361 = arith.constant 0 : i32
      %add3A_362 = arith.addi %mul3A_360, %add3A_361 : i32
      %get3A_363 = arith.index_cast %add3A_362 : i32 to index
      %get3A_364 = tpu.vector_load %arg8[%get3A_363] {strides = array<i32>} : memref<24832xf32, #tpu.memory_space<vmem>>, vector<16xf32>,
      %gt3A_365 = arith.cmpf ogt, %get3A_364, %select_n3A_316 : vector<16xf32>
      %select_n3A_366 = arith.select %gt3A_365, %get3A_364, %select_n3A_316 : vector<16xi1>, vector<16xf32>
      %select_n3A_367 = arith.select %gt3A_365, %add3A_320, %select_n3A_317 : vector<16xi1>, vector<16xi32>
      %add3A_368 = arith.constant 64 : i32
      %add3A_369 = vector.broadcast %add3A_368 : i32 to vector<16xi32>
      %add3A_370 = arith.addi %add3A_320, %add3A_369 : vector<16xi32>
      %mul3A_371 = arith.constant 64 : i32
      %mul3A_372 = arith.muli %scan3A_358, %mul3A_371 : i32
      %add3A_373 = arith.constant 16 : i32
      %add3A_374 = arith.addi %mul3A_372, %add3A_373 : i32
      %get3A_375 = arith.index_cast %add3A_374 : i32 to index
      %get3A_376 = tpu.vector_load %arg8[%get3A_375] {strides = array<i32>} : memref<24832xf32, #tpu.memory_space<vmem>>, vector<16xf32>,
      %gt3A_377 = arith.cmpf ogt, %get3A_376, %select_n3A_328 : vector<16xf32>
      %select_n3A_378 = arith.select %gt3A_377, %get3A_376, %select_n3A_328 : vector<16xi1>, vector<16xf32>
      %select_n3A_379 = arith.select %gt3A_377, %add3A_332, %select_n3A_329 : vector<16xi1>, vector<16xi32>
      %add3A_380 = arith.constant 64 : i32
      %add3A_381 = vector.broadcast %add3A_380 : i32 to vector<16xi32>
      %add3A_382 = arith.addi %add3A_332, %add3A_381 : vector<16xi32>
      %mul3A_383 = arith.constant 64 : i32
      %mul3A_384 = arith.muli %scan3A_358, %mul3A_383 : i32
      %add3A_385 = arith.constant 32 : i32
      %add3A_386 = arith.addi %mul3A_384, %add3A_385 : i32
      %get3A_387 = arith.index_cast %add3A_386 : i32 to index
      %get3A_388 = tpu.vector_load %arg8[%get3A_387] {strides = array<i32>} : memref<24832xf32, #tpu.memory_space<vmem>>, vector<16xf32>,
      %gt3A_389 = arith.cmpf ogt, %get3A_388, %select_n3A_340 : vector<16xf32>
      %select_n3A_390 = arith.select %gt3A_389, %get3A_388, %select_n3A_340 : vector<16xi1>, vector<16xf32>
      %select_n3A_391 = arith.select %gt3A_389, %add3A_344, %select_n3A_341 : vector<16xi1>, vector<16xi32>
      %add3A_392 = arith.constant 64 : i32
      %add3A_393 = vector.broadcast %add3A_392 : i32 to vector<16xi32>
      %add3A_394 = arith.addi %add3A_344, %add3A_393 : vector<16xi32>
      %mul3A_395 = arith.constant 64 : i32
      %mul3A_396 = arith.muli %scan3A_358, %mul3A_395 : i32
      %add3A_397 = arith.constant 48 : i32
      %add3A_398 = arith.addi %mul3A_396, %add3A_397 : i32
      %get3A_399 = arith.index_cast %add3A_398 : i32 to index
      %get3A_400 = tpu.vector_load %arg8[%get3A_399] {strides = array<i32>} : memref<24832xf32, #tpu.memory_space<vmem>>, vector<16xf32>,
      %gt3A_401 = arith.cmpf ogt, %get3A_400, %select_n3A_352 : vector<16xf32>
      %select_n3A_402 = arith.select %gt3A_401, %get3A_400, %select_n3A_352 : vector<16xi1>, vector<16xf32>
      %select_n3A_403 = arith.select %gt3A_401, %add3A_356, %select_n3A_353 : vector<16xi1>, vector<16xi32>
      %add3A_404 = arith.constant 64 : i32
      %add3A_405 = vector.broadcast %add3A_404 : i32 to vector<16xi32>
      %add3A_406 = arith.addi %add3A_356, %add3A_405 : vector<16xi32>
      %scan3A_407 = arith.constant 3 : i32
      %scan3A_408 = arith.addi %scan3A_246, %scan3A_407 : i32
      %mul3A_409 = arith.constant 64 : i32
      %mul3A_410 = arith.muli %scan3A_408, %mul3A_409 : i32
      %add3A_411 = arith.constant 0 : i32
      %add3A_412 = arith.addi %mul3A_410, %add3A_411 : i32
      %get3A_413 = arith.index_cast %add3A_412 : i32 to index
      %get3A_414 = tpu.vector_load %arg8[%get3A_413] {strides = array<i32>} : memref<24832xf32, #tpu.memory_space<vmem>>, vector<16xf32>,
      %gt3A_415 = arith.cmpf ogt, %get3A_414, %select_n3A_366 : vector<16xf32>
      %select_n3A_416 = arith.select %gt3A_415, %get3A_414, %select_n3A_366 : vector<16xi1>, vector<16xf32>
      %select_n3A_417 = arith.select %gt3A_415, %add3A_370, %select_n3A_367 : vector<16xi1>, vector<16xi32>
      %add3A_418 = arith.constant 64 : i32
      %add3A_419 = vector.broadcast %add3A_418 : i32 to vector<16xi32>
      %add3A_420 = arith.addi %add3A_370, %add3A_419 : vector<16xi32>
      %mul3A_421 = arith.constant 64 : i32
      %mul3A_422 = arith.muli %scan3A_408, %mul3A_421 : i32
      %add3A_423 = arith.constant 16 : i32
      %add3A_424 = arith.addi %mul3A_422, %add3A_423 : i32
      %get3A_425 = arith.index_cast %add3A_424 : i32 to index
      %get3A_426 = tpu.vector_load %arg8[%get3A_425] {strides = array<i32>} : memref<24832xf32, #tpu.memory_space<vmem>>, vector<16xf32>,
      %gt3A_427 = arith.cmpf ogt, %get3A_426, %select_n3A_378 : vector<16xf32>
      %select_n3A_428 = arith.select %gt3A_427, %get3A_426, %select_n3A_378 : vector<16xi1>, vector<16xf32>
      %select_n3A_429 = arith.select %gt3A_427, %add3A_382, %select_n3A_379 : vector<16xi1>, vector<16xi32>
      %add3A_430 = arith.constant 64 : i32
      %add3A_431 = vector.broadcast %add3A_430 : i32 to vector<16xi32>
      %add3A_432 = arith.addi %add3A_382, %add3A_431 : vector<16xi32>
      %mul3A_433 = arith.constant 64 : i32
      %mul3A_434 = arith.muli %scan3A_408, %mul3A_433 : i32
      %add3A_435 = arith.constant 32 : i32
      %add3A_436 = arith.addi %mul3A_434, %add3A_435 : i32
      %get3A_437 = arith.index_cast %add3A_436 : i32 to index
      %get3A_438 = tpu.vector_load %arg8[%get3A_437] {strides = array<i32>} : memref<24832xf32, #tpu.memory_space<vmem>>, vector<16xf32>,
      %gt3A_439 = arith.cmpf ogt, %get3A_438, %select_n3A_390 : vector<16xf32>
      %select_n3A_440 = arith.select %gt3A_439, %get3A_438, %select_n3A_390 : vector<16xi1>, vector<16xf32>
      %select_n3A_441 = arith.select %gt3A_439, %add3A_394, %select_n3A_391 : vector<16xi1>, vector<16xi32>
      %add3A_442 = arith.constant 64 : i32
      %add3A_443 = vector.broadcast %add3A_442 : i32 to vector<16xi32>
      %add3A_444 = arith.addi %add3A_394, %add3A_443 : vector<16xi32>
      %mul3A_445 = arith.constant 64 : i32
      %mul3A_446 = arith.muli %scan3A_408, %mul3A_445 : i32
      %add3A_447 = arith.constant 48 : i32
      %add3A_448 = arith.addi %mul3A_446, %add3A_447 : i32
      %get3A_449 = arith.index_cast %add3A_448 : i32 to index
      %get3A_450 = tpu.vector_load %arg8[%get3A_449] {strides = array<i32>} : memref<24832xf32, #tpu.memory_space<vmem>>, vector<16xf32>,
      %gt3A_451 = arith.cmpf ogt, %get3A_450, %select_n3A_402 : vector<16xf32>
      %select_n3A_452 = arith.select %gt3A_451, %get3A_450, %select_n3A_402 : vector<16xi1>, vector<16xf32>
      %select_n3A_453 = arith.select %gt3A_451, %add3A_406, %select_n3A_403 : vector<16xi1>, vector<16xi32>
      %add3A_454 = arith.constant 64 : i32
      %add3A_455 = vector.broadcast %add3A_454 : i32 to vector<16xi32>
      %add3A_456 = arith.addi %add3A_406, %add3A_455 : vector<16xi32>
      scf.yield %select_n3A_416, %select_n3A_417, %select_n3A_428, %select_n3A_429, %select_n3A_440, %select_n3A_441, %select_n3A_452, %select_n3A_453, %add3A_420, %add3A_432, %add3A_444, %add3A_456 : vector<16xf32>, vector<16xi32>, vector<16xf32>, vector<16xi32>, vector<16xf32>, vector<16xi32>, vector<16xf32>, vector<16xi32>, vector<16xi32>, vector<16xi32>, vector<16xi32>, vector<16xi32>
    }
    %scan3A_225 = arith.constant 388 : i32
    %gt3A_226 = arith.cmpf ogt, %scan3A_224#2, %scan3A_224#0 : vector<16xf32>
    %eq3A = arith.cmpf oeq, %scan3A_224#2, %scan3A_224#0 : vector<16xf32>
    %lt3A = arith.cmpi slt, %scan3A_224#3, %scan3A_224#1 : vector<16xi32>
    %and3A = arith.andi %eq3A, %lt3A : vector<16xi1>
    %or3A = arith.ori %gt3A_226, %and3A : vector<16xi1>
    %select_n3A_227 = arith.select %or3A, %scan3A_224#2, %scan3A_224#0 : vector<16xi1>, vector<16xf32>
    %select_n3A_228 = arith.select %or3A, %scan3A_224#3, %scan3A_224#1 : vector<16xi1>, vector<16xi32>
    %gt3A_229 = arith.cmpf ogt, %scan3A_224#4, %select_n3A_227 : vector<16xf32>
    %eq3A_230 = arith.cmpf oeq, %scan3A_224#4, %select_n3A_227 : vector<16xf32>
    %lt3A_231 = arith.cmpi slt, %scan3A_224#5, %select_n3A_228 : vector<16xi32>
    %and3A_232 = arith.andi %eq3A_230, %lt3A_231 : vector<16xi1>
    %or3A_233 = arith.ori %gt3A_229, %and3A_232 : vector<16xi1>
    %select_n3A_234 = arith.select %or3A_233, %scan3A_224#4, %select_n3A_227 : vector<16xi1>, vector<16xf32>
    %select_n3A_235 = arith.select %or3A_233, %scan3A_224#5, %select_n3A_228 : vector<16xi1>, vector<16xi32>
    %gt3A_236 = arith.cmpf ogt, %scan3A_224#6, %select_n3A_234 : vector<16xf32>
    %eq3A_237 = arith.cmpf oeq, %scan3A_224#6, %select_n3A_234 : vector<16xf32>
    %lt3A_238 = arith.cmpi slt, %scan3A_224#7, %select_n3A_235 : vector<16xi32>
    %and3A_239 = arith.andi %eq3A_237, %lt3A_238 : vector<16xi1>
    %or3A_240 = arith.ori %gt3A_236, %and3A_239 : vector<16xi1>
    %select_n3A_241 = arith.select %or3A_240, %scan3A_224#6, %select_n3A_234 : vector<16xi1>, vector<16xf32>
    %select_n3A_242 = arith.select %or3A_240, %scan3A_224#7, %select_n3A_235 : vector<16xi1>, vector<16xi32>
    %swap3A = arith.constant 0 : index
    %swap3A_243 = tpu.vector_load %arg9[%swap3A] {strides = array<i32>} : memref<16xf32, #tpu.memory_space<vmem>>, vector<16xf32>,
    tpu.vector_store %arg9[%swap3A], %select_n3A_241 {strides = array<i32>} : memref<16xf32, #tpu.memory_space<vmem>>, vector<16xf32>,
    %swap3A_244 = arith.constant 0 : index
    %swap3A_245 = tpu.vector_load %arg10[%swap3A_244] {strides = array<i32>} : memref<16xi32, #tpu.memory_space<vmem>>, vector<16xi32>,
    tpu.vector_store %arg10[%swap3A_244], %select_n3A_242 {strides = array<i32>} : memref<16xi32, #tpu.memory_space<vmem>>, vector<16xi32>,
    "tpu.region"() ({
      %run_scoped3A = tpu.sem_alloc : memref<!tpu.dma_semaphore, #tpu.memory_space<semaphore_mem>>
      %dma_start3A_246 = arith.constant 0 : i32
      %dma_start3A_247 = tpu.memref_slice %arg3[%add3A, %dma_start3A_246] : memref<32x16xf32, #tpu.memory_space<hbm>> -> memref<1x16xf32, #tpu.memory_space<hbm>>
      %dma_start3A_248 = tpu.memref_squeeze %dma_start3A_247 : memref<1x16xf32, #tpu.memory_space<hbm>> -> memref<16xf32, #tpu.memory_space<hbm>>
      %dma_start3A_249 = arith.constant 0 : i32
      %dma_start3A_250 = tpu.memref_slice %arg3[%add3A, %dma_start3A_249] : memref<32x16xf32, #tpu.memory_space<hbm>> -> memref<1x16xf32, #tpu.memory_space<hbm>>
      %dma_start3A_251 = tpu.memref_squeeze %dma_start3A_250 : memref<1x16xf32, #tpu.memory_space<hbm>> -> memref<16xf32, #tpu.memory_space<hbm>>
      tpu.enqueue_dma source(%arg9 : memref<16xf32, #tpu.memory_space<vmem>>) target(%dma_start3A_251 : memref<16xf32, #tpu.memory_space<hbm>>) target_semaphore(%run_scoped3A : memref<!tpu.dma_semaphore, #tpu.memory_space<semaphore_mem>>)
      %dma_wait3A_252 = arith.constant 0 : i32
      %dma_wait3A_253 = tpu.memref_slice %arg3[%add3A, %dma_wait3A_252] : memref<32x16xf32, #tpu.memory_space<hbm>> -> memref<1x16xf32, #tpu.memory_space<hbm>>
      %dma_wait3A_254 = tpu.memref_squeeze %dma_wait3A_253 : memref<1x16xf32, #tpu.memory_space<hbm>> -> memref<16xf32, #tpu.memory_space<hbm>>
      %dma_wait3A_255 = arith.constant 0 : i32
      %dma_wait3A_256 = tpu.memref_slice %arg3[%add3A, %dma_wait3A_255] : memref<32x16xf32, #tpu.memory_space<hbm>> -> memref<1x16xf32, #tpu.memory_space<hbm>>
      %dma_wait3A_257 = tpu.memref_squeeze %dma_wait3A_256 : memref<1x16xf32, #tpu.memory_space<hbm>> -> memref<16xf32, #tpu.memory_space<hbm>>
      tpu.wait_dma2 semaphore(%run_scoped3A : memref<!tpu.dma_semaphore, #tpu.memory_space<semaphore_mem>>) src(%arg9 : memref<16xf32, #tpu.memory_space<vmem>>) dst(%dma_wait3A_257 : memref<16xf32, #tpu.memory_space<hbm>>)
      tpu.yield
    }) : () -> ()
    "tpu.region"() ({
      %run_scoped3A = tpu.sem_alloc : memref<!tpu.dma_semaphore, #tpu.memory_space<semaphore_mem>>
      %dma_start3A_246 = arith.constant 0 : i32
      %dma_start3A_247 = tpu.memref_slice %arg4[%add3A, %dma_start3A_246] : memref<32x16xi32, #tpu.memory_space<hbm>> -> memref<1x16xi32, #tpu.memory_space<hbm>>
      %dma_start3A_248 = tpu.memref_squeeze %dma_start3A_247 : memref<1x16xi32, #tpu.memory_space<hbm>> -> memref<16xi32, #tpu.memory_space<hbm>>
      %dma_start3A_249 = arith.constant 0 : i32
      %dma_start3A_250 = tpu.memref_slice %arg4[%add3A, %dma_start3A_249] : memref<32x16xi32, #tpu.memory_space<hbm>> -> memref<1x16xi32, #tpu.memory_space<hbm>>
      %dma_start3A_251 = tpu.memref_squeeze %dma_start3A_250 : memref<1x16xi32, #tpu.memory_space<hbm>> -> memref<16xi32, #tpu.memory_space<hbm>>
      tpu.enqueue_dma source(%arg10 : memref<16xi32, #tpu.memory_space<vmem>>) target(%dma_start3A_251 : memref<16xi32, #tpu.memory_space<hbm>>) target_semaphore(%run_scoped3A : memref<!tpu.dma_semaphore, #tpu.memory_space<semaphore_mem>>)
      %dma_wait3A_252 = arith.constant 0 : i32
      %dma_wait3A_253 = tpu.memref_slice %arg4[%add3A, %dma_wait3A_252] : memref<32x16xi32, #tpu.memory_space<hbm>> -> memref<1x16xi32, #tpu.memory_space<hbm>>
      %dma_wait3A_254 = tpu.memref_squeeze %dma_wait3A_253 : memref<1x16xi32, #tpu.memory_space<hbm>> -> memref<16xi32, #tpu.memory_space<hbm>>
      %dma_wait3A_255 = arith.constant 0 : i32
      %dma_wait3A_256 = tpu.memref_slice %arg4[%add3A, %dma_wait3A_255] : memref<32x16xi32, #tpu.memory_space<hbm>> -> memref<1x16xi32, #tpu.memory_space<hbm>>
      %dma_wait3A_257 = tpu.memref_squeeze %dma_wait3A_256 : memref<1x16xi32, #tpu.memory_space<hbm>> -> memref<16xi32, #tpu.memory_space<hbm>>
      tpu.wait_dma2 semaphore(%run_scoped3A : memref<!tpu.dma_semaphore, #tpu.memory_space<semaphore_mem>>) src(%arg10 : memref<16xi32, #tpu.memory_space<vmem>>) dst(%dma_wait3A_257 : memref<16xi32, #tpu.memory_space<hbm>>)
      tpu.yield
    }) : () -> ()
    return
  }
}

module attributes {stable_mosaic.version = 14 : i64} {
  func.func @_assemble_body(%arg0: i32, %arg1: memref<1xi32, #tpu.memory_space<smem>>, %arg2: memref<64x2048xi32, #tpu.memory_space<vmem>>, %arg3: memref<32x16xf32, #tpu.memory_space<vmem>>, %arg4: memref<32x16xi32, #tpu.memory_space<vmem>>, %arg5: memref<32x32xf32, #tpu.memory_space<vmem>>, %arg6: memref<32x128xi32, #tpu.memory_space<vmem>>, %arg7: memref<64x1xi32, #tpu.memory_space<vmem>>, %arg8: memref<64x2048xi32, #tpu.memory_space<vmem>>, %arg9: memref<64x128xi32, #tpu.memory_space<vmem>>) attributes {dimension_semantics = [#tpu.dimension_semantics<arbitrary>], iteration_bounds = array<i64: 1>, scalar_prefetch = 1 : i64, scratch_operands = 0 : i64, tpu.core_type = #tpu.core_type<tc>, window_params = [{pipeline_mode = #tpu.pipeline_mode<synchronous>, transform_indices = @transform_0, window_bounds = array<i64: 64, 2048>}, {pipeline_mode = #tpu.pipeline_mode<synchronous>, transform_indices = @transform_1, window_bounds = array<i64: 32, 16>}, {pipeline_mode = #tpu.pipeline_mode<synchronous>, transform_indices = @transform_2, window_bounds = array<i64: 32, 16>}, {pipeline_mode = #tpu.pipeline_mode<synchronous>, transform_indices = @transform_3, window_bounds = array<i64: 32, 32>}, {pipeline_mode = #tpu.pipeline_mode<synchronous>, transform_indices = @transform_4, window_bounds = array<i64: 32, 128>}, {pipeline_mode = #tpu.pipeline_mode<synchronous>, transform_indices = @transform_5, window_bounds = array<i64: 64, 1>}, {pipeline_mode = #tpu.pipeline_mode<synchronous>, transform_indices = @transform_6, window_bounds = array<i64: 64, 2048>}, {pipeline_mode = #tpu.pipeline_mode<synchronous>, transform_indices = @transform_7, window_bounds = array<i64: 64, 128>}]} {
    %get3A = arith.constant 0 : index
    %get3A_0 = memref.load %arg1[%get3A] : memref<1xi32, #tpu.memory_space<smem>>
    %iota3A = tpu.iota {dimensions = array<i32: 1>} : vector<32x32xi32>
    %add3A = arith.constant 99968 : i32
    %add3A_1 = vector.broadcast %add3A : i32 to vector<32x32xi32>
    %add3A_2 = arith.addi %add3A_1, %iota3A : vector<32x32xi32>
    %get3A_3 = arith.constant 0 : index
    %get3A_4 = arith.constant 0 : index
    %get3A_5 = vector.load %arg3[%get3A_3, %get3A_4] : memref<32x16xf32, #tpu.memory_space<vmem>>, vector<32x16xf32>
    %get3A_6 = arith.constant 0 : index
    %get3A_7 = arith.constant 0 : index
    %get3A_8 = vector.load %arg5[%get3A_6, %get3A_7] : memref<32x32xf32, #tpu.memory_space<vmem>>, vector<32x32xf32>
    %concatenate3A = tpu.concatenate %get3A_5, %get3A_8 in 1 : vector<32x16xf32>, vector<32x32xf32> -> vector<32x48xf32>
    %get3A_9 = arith.constant 0 : index
    %get3A_10 = arith.constant 0 : index
    %get3A_11 = vector.load %arg4[%get3A_9, %get3A_10] : memref<32x16xi32, #tpu.memory_space<vmem>>, vector<32x16xi32>
    %concatenate3A_12 = tpu.concatenate %get3A_11, %add3A_2 in 1 : vector<32x16xi32>, vector<32x32xi32> -> vector<32x48xi32>
    %reduce_max3A = arith.constant dense<0xFF800000> : vector<32xf32>
    %reduce_max3A_13 = vector.multi_reduction <maximumf>, %concatenate3A, %reduce_max3A [1] : vector<32x48xf32> to vector<32xf32>
    %broadcast_in_dim3A = vector.shape_cast %reduce_max3A_13 : vector<32xf32> to vector<32x1xf32>
    %eq3A = vector.broadcast %broadcast_in_dim3A : vector<32x1xf32> to vector<32x48xf32>
    %eq3A_14 = arith.cmpf oeq, %concatenate3A, %eq3A : vector<32x48xf32>
    %jit3A = arith.constant 1073741824 : i32
    %broadcast_in_dim3A_15 = vector.broadcast %jit3A : i32 to vector<32x48xi32>
    %select_n3A = arith.select %eq3A_14, %concatenate3A_12, %broadcast_in_dim3A_15 : vector<32x48xi1>, vector<32x48xi32>
    %reduce_min3A = arith.constant dense<2147483647> : vector<32xi32>
    %reduce_min3A_16 = vector.multi_reduction <minsi>, %select_n3A, %reduce_min3A [1] : vector<32x48xi32> to vector<32xi32>
    %broadcast_in_dim3A_17 = vector.shape_cast %reduce_min3A_16 : vector<32xi32> to vector<32x1xi32>
    %get3A_18 = arith.constant 0 : index
    %get3A_19 = arith.constant 0 : index
    %get3A_20 = vector.load %arg6[%get3A_18, %get3A_19] : memref<32x128xi32, #tpu.memory_space<vmem>>, vector<32x1xi32>
    %concatenate3A_21 = tpu.concatenate %broadcast_in_dim3A_17, %get3A_20 in 0 : vector<32x1xi32>, vector<32x1xi32> -> vector<64x1xi32>
    %get3A_22 = arith.constant 0 : index
    %get3A_23 = arith.constant 0 : index
    %get3A_24 = vector.load %arg7[%get3A_22, %get3A_23] : memref<64x1xi32, #tpu.memory_space<vmem>>, vector<64x1xi32>
    %ne3A = arith.constant 0 : i32
    %ne3A_25 = vector.broadcast %ne3A : i32 to vector<64x1xi32>
    %ne3A_26 = arith.cmpi ne, %get3A_24, %ne3A_25 : vector<64x1xi32>
    %jit3A_27 = arith.constant 2 : i32
    %broadcast_in_dim3A_28 = vector.broadcast %jit3A_27 : i32 to vector<64x1xi32>
    %select_n3A_29 = arith.select %ne3A_26, %concatenate3A_21, %broadcast_in_dim3A_28 : vector<64x1xi1>, vector<64x1xi32>
    %iota3A_30 = tpu.iota {dimensions = array<i32: 1>} : vector<64x2048xi32>
    %eq3A_31 = vector.broadcast %get3A_0 : i32 to vector<64x2048xi32>
    %eq3A_32 = arith.cmpi eq, %iota3A_30, %eq3A_31 : vector<64x2048xi32>
    %get3A_33 = arith.constant 0 : index
    %get3A_34 = arith.constant 0 : index
    %get3A_35 = vector.load %arg2[%get3A_33, %get3A_34] : memref<64x2048xi32, #tpu.memory_space<vmem>>, vector<64x2048xi32>
    %broadcast_in_dim3A_36 = vector.shape_cast %select_n3A_29 : vector<64x1xi32> to vector<64x1xi32>
    %broadcast_in_dim3A_37 = vector.broadcast %broadcast_in_dim3A_36 : vector<64x1xi32> to vector<64x2048xi32>
    %select_n3A_38 = arith.select %eq3A_32, %broadcast_in_dim3A_37, %get3A_35 : vector<64x2048xi1>, vector<64x2048xi32>
    %swap3A = arith.constant 0 : index
    %swap3A_39 = arith.constant 0 : index
    %swap3A_40 = vector.load %arg8[%swap3A, %swap3A_39] : memref<64x2048xi32, #tpu.memory_space<vmem>>, vector<64x2048xi32>
    tpu.vector_store %arg8[%swap3A, %swap3A_39], %select_n3A_38 {strides = array<i32>} : memref<64x2048xi32, #tpu.memory_space<vmem>>, vector<64x2048xi32>,
    %broadcast_in_dim3A_41 = vector.shape_cast %select_n3A_29 : vector<64x1xi32> to vector<64x1xi32>
    %broadcast_in_dim3A_42 = vector.broadcast %broadcast_in_dim3A_41 : vector<64x1xi32> to vector<64x128xi32>
    %swap3A_43 = arith.constant 0 : index
    %swap3A_44 = arith.constant 0 : index
    %swap3A_45 = vector.load %arg9[%swap3A_43, %swap3A_44] : memref<64x128xi32, #tpu.memory_space<vmem>>, vector<64x128xi32>
    tpu.vector_store %arg9[%swap3A_43, %swap3A_44], %broadcast_in_dim3A_42 {strides = array<i32>} : memref<64x128xi32, #tpu.memory_space<vmem>>, vector<64x128xi32>,
    return
  }
  func.func @transform_0(%arg0: i32, %arg1: memref<1xi32, #tpu.memory_space<smem>>) -> (i32, i32) {
    %c0_i32 = arith.constant 0 : i32
    %c0_i32_0 = arith.constant 0 : i32
    %c0_i32_1 = arith.constant 0 : i32
    return %c0_i32, %c0_i32_0 : i32, i32
  }
  func.func @transform_1(%arg0: i32, %arg1: memref<1xi32, #tpu.memory_space<smem>>) -> (i32, i32) {
    %c0_i32 = arith.constant 0 : i32
    %c0_i32_0 = arith.constant 0 : i32
    %c0_i32_1 = arith.constant 0 : i32
    return %c0_i32, %c0_i32_0 : i32, i32
  }
  func.func @transform_2(%arg0: i32, %arg1: memref<1xi32, #tpu.memory_space<smem>>) -> (i32, i32) {
    %c0_i32 = arith.constant 0 : i32
    %c0_i32_0 = arith.constant 0 : i32
    %c0_i32_1 = arith.constant 0 : i32
    return %c0_i32, %c0_i32_0 : i32, i32
  }
  func.func @transform_3(%arg0: i32, %arg1: memref<1xi32, #tpu.memory_space<smem>>) -> (i32, i32) {
    %c0_i32 = arith.constant 0 : i32
    %c0_i32_0 = arith.constant 0 : i32
    %c0_i32_1 = arith.constant 0 : i32
    return %c0_i32, %c0_i32_0 : i32, i32
  }
  func.func @transform_4(%arg0: i32, %arg1: memref<1xi32, #tpu.memory_space<smem>>) -> (i32, i32) {
    %c0_i32 = arith.constant 0 : i32
    %c0_i32_0 = arith.constant 0 : i32
    %c0_i32_1 = arith.constant 0 : i32
    return %c0_i32, %c0_i32_0 : i32, i32
  }
  func.func @transform_5(%arg0: i32, %arg1: memref<1xi32, #tpu.memory_space<smem>>) -> (i32, i32) {
    %c0_i32 = arith.constant 0 : i32
    %c0_i32_0 = arith.constant 0 : i32
    %c0_i32_1 = arith.constant 0 : i32
    return %c0_i32, %c0_i32_0 : i32, i32
  }
  func.func @transform_6(%arg0: i32, %arg1: memref<1xi32, #tpu.memory_space<smem>>) -> (i32, i32) {
    %c0_i32 = arith.constant 0 : i32
    %c0_i32_0 = arith.constant 0 : i32
    %c0_i32_1 = arith.constant 0 : i32
    return %c0_i32, %c0_i32_0 : i32, i32
  }
  func.func @transform_7(%arg0: i32, %arg1: memref<1xi32, #tpu.memory_space<smem>>) -> (i32, i32) {
    %c0_i32 = arith.constant 0 : i32
    %c0_i32_0 = arith.constant 0 : i32
    %c0_i32_1 = arith.constant 0 : i32
    return %c0_i32, %c0_i32_0 : i32, i32
  }
}

module attributes {stable_mosaic.version = 14 : i64} {
  func.func @_tc_body(%arg0: i32, %arg1: memref<32x1x12800xf32, #tpu.memory_space<vmem>>, %arg2: memref<32x128xi32, #tpu.memory_space<vmem>>, %arg3: memref<32x128xf32, #tpu.memory_space<vmem>>, %arg4: memref<32x128xi32, #tpu.memory_space<vmem>>) attributes {dimension_semantics = [#tpu.dimension_semantics<arbitrary>], iteration_bounds = array<i64: 8>, scalar_prefetch = 0 : i64, scratch_operands = 2 : i64, tpu.core_type = #tpu.core_type<tc>, window_params = [{transform_indices = @transform_0, window_bounds = array<i64: 32, 1, 12800>}, {pipeline_mode = #tpu.pipeline_mode<synchronous>, transform_indices = @transform_1, window_bounds = array<i64: 32, 128>}]} {
    %get3A = arith.constant 0 : index
    %get3A_0 = arith.constant 0 : index
    %get3A_1 = arith.constant 0 : index
    %get3A_2 = vector.load %arg1[%get3A, %get3A_0, %get3A_1] : memref<32x1x12800xf32, #tpu.memory_space<vmem>>, vector<32x1x12800xf32>
    %reshape3A = vector.shape_cast %get3A_2 : vector<32x1x12800xf32> to vector<32x12800xf32>
    %mul3A = arith.constant 12800 : i32
    %mul3A_3 = arith.muli %arg0, %mul3A : i32
    %iota3A = tpu.iota {dimensions = array<i32: 1>} : vector<32x12800xi32>
    %add3A = vector.broadcast %mul3A_3 : i32 to vector<32x12800xi32>
    %add3A_4 = arith.addi %add3A, %iota3A : vector<32x12800xi32>
    %lt3A = arith.constant 100000 : i32
    %lt3A_5 = vector.broadcast %lt3A : i32 to vector<32x12800xi32>
    %lt3A_6 = arith.cmpi slt, %add3A_4, %lt3A_5 : vector<32x12800xi32>
    %jit3A = arith.constant 0xFF800000 : f32
    %broadcast_in_dim3A = vector.broadcast %jit3A : f32 to vector<32x12800xf32>
    %select_n3A = arith.select %lt3A_6, %reshape3A, %broadcast_in_dim3A : vector<32x12800xi1>, vector<32x12800xf32>
    %eq3A = arith.constant 0 : i32
    %eq3A_7 = arith.cmpi eq, %arg0, %eq3A : i32
    %convert_element_type3A = arith.extui %eq3A_7 : i1 to i32
    %cond3A = arith.constant 0 : i32
    %cond3A_8 = arith.cmpi ne, %convert_element_type3A, %cond3A : i32
    scf.if %cond3A_8 {
      %broadcast_in_dim3A_523 = arith.constant 0xFF800000 : f32
      %broadcast_in_dim3A_524 = vector.broadcast %broadcast_in_dim3A_523 : f32 to vector<32x128xf32>
      %swap3A_525 = arith.constant 0 : index
      %swap3A_526 = arith.constant 0 : index
      %swap3A_527 = vector.load %arg3[%swap3A_525, %swap3A_526] : memref<32x128xf32, #tpu.memory_space<vmem>>, vector<32x128xf32>
      tpu.vector_store %arg3[%swap3A_525, %swap3A_526], %broadcast_in_dim3A_524 {strides = array<i32>} : memref<32x128xf32, #tpu.memory_space<vmem>>, vector<32x128xf32>,
      %broadcast_in_dim3A_528 = arith.constant 0 : i32
      %broadcast_in_dim3A_529 = vector.broadcast %broadcast_in_dim3A_528 : i32 to vector<32x128xi32>
      %swap3A_530 = arith.constant 0 : index
      %swap3A_531 = arith.constant 0 : index
      %swap3A_532 = vector.load %arg4[%swap3A_530, %swap3A_531] : memref<32x128xi32, #tpu.memory_space<vmem>>, vector<32x128xi32>
      tpu.vector_store %arg4[%swap3A_530, %swap3A_531], %broadcast_in_dim3A_529 {strides = array<i32>} : memref<32x128xi32, #tpu.memory_space<vmem>>, vector<32x128xi32>,
    } else {
    }
    %get3A_9 = arith.constant 0 : index
    %get3A_10 = arith.constant 0 : index
    %get3A_11 = vector.load %arg3[%get3A_9, %get3A_10] : memref<32x128xf32, #tpu.memory_space<vmem>>, vector<32x128xf32>
    %get3A_12 = arith.constant 0 : index
    %get3A_13 = arith.constant 0 : index
    %get3A_14 = vector.load %arg4[%get3A_12, %get3A_13] : memref<32x128xi32, #tpu.memory_space<vmem>>, vector<32x128xi32>
    %slice3A = vector.extract_strided_slice %select_n3A {offsets = [0, 0], sizes = [32, 128], strides = [1, 1]} : vector<32x12800xf32> to vector<32x128xf32>
    %slice3A_15 = vector.extract_strided_slice %add3A_4 {offsets = [0, 0], sizes = [32, 128], strides = [1, 1]} : vector<32x12800xi32> to vector<32x128xi32>
    %gt3A = arith.cmpf ogt, %slice3A, %get3A_11 : vector<32x128xf32>
    %select_n3A_16 = arith.select %gt3A, %slice3A, %get3A_11 : vector<32x128xi1>, vector<32x128xf32>
    %select_n3A_17 = arith.select %gt3A, %slice3A_15, %get3A_14 : vector<32x128xi1>, vector<32x128xi32>
    %slice3A_18 = vector.extract_strided_slice %select_n3A {offsets = [0, 128], sizes = [32, 128], strides = [1, 1]} : vector<32x12800xf32> to vector<32x128xf32>
    %slice3A_19 = vector.extract_strided_slice %add3A_4 {offsets = [0, 128], sizes = [32, 128], strides = [1, 1]} : vector<32x12800xi32> to vector<32x128xi32>
    %gt3A_20 = arith.cmpf ogt, %slice3A_18, %select_n3A_16 : vector<32x128xf32>
    %select_n3A_21 = arith.select %gt3A_20, %slice3A_18, %select_n3A_16 : vector<32x128xi1>, vector<32x128xf32>
    %select_n3A_22 = arith.select %gt3A_20, %slice3A_19, %select_n3A_17 : vector<32x128xi1>, vector<32x128xi32>
    %slice3A_23 = vector.extract_strided_slice %select_n3A {offsets = [0, 256], sizes = [32, 128], strides = [1, 1]} : vector<32x12800xf32> to vector<32x128xf32>
    %slice3A_24 = vector.extract_strided_slice %add3A_4 {offsets = [0, 256], sizes = [32, 128], strides = [1, 1]} : vector<32x12800xi32> to vector<32x128xi32>
    %gt3A_25 = arith.cmpf ogt, %slice3A_23, %select_n3A_21 : vector<32x128xf32>
    %select_n3A_26 = arith.select %gt3A_25, %slice3A_23, %select_n3A_21 : vector<32x128xi1>, vector<32x128xf32>
    %select_n3A_27 = arith.select %gt3A_25, %slice3A_24, %select_n3A_22 : vector<32x128xi1>, vector<32x128xi32>
    %slice3A_28 = vector.extract_strided_slice %select_n3A {offsets = [0, 384], sizes = [32, 128], strides = [1, 1]} : vector<32x12800xf32> to vector<32x128xf32>
    %slice3A_29 = vector.extract_strided_slice %add3A_4 {offsets = [0, 384], sizes = [32, 128], strides = [1, 1]} : vector<32x12800xi32> to vector<32x128xi32>
    %gt3A_30 = arith.cmpf ogt, %slice3A_28, %select_n3A_26 : vector<32x128xf32>
    %select_n3A_31 = arith.select %gt3A_30, %slice3A_28, %select_n3A_26 : vector<32x128xi1>, vector<32x128xf32>
    %select_n3A_32 = arith.select %gt3A_30, %slice3A_29, %select_n3A_27 : vector<32x128xi1>, vector<32x128xi32>
    %slice3A_33 = vector.extract_strided_slice %select_n3A {offsets = [0, 512], sizes = [32, 128], strides = [1, 1]} : vector<32x12800xf32> to vector<32x128xf32>
    %slice3A_34 = vector.extract_strided_slice %add3A_4 {offsets = [0, 512], sizes = [32, 128], strides = [1, 1]} : vector<32x12800xi32> to vector<32x128xi32>
    %gt3A_35 = arith.cmpf ogt, %slice3A_33, %select_n3A_31 : vector<32x128xf32>
    %select_n3A_36 = arith.select %gt3A_35, %slice3A_33, %select_n3A_31 : vector<32x128xi1>, vector<32x128xf32>
    %select_n3A_37 = arith.select %gt3A_35, %slice3A_34, %select_n3A_32 : vector<32x128xi1>, vector<32x128xi32>
    %slice3A_38 = vector.extract_strided_slice %select_n3A {offsets = [0, 640], sizes = [32, 128], strides = [1, 1]} : vector<32x12800xf32> to vector<32x128xf32>
    %slice3A_39 = vector.extract_strided_slice %add3A_4 {offsets = [0, 640], sizes = [32, 128], strides = [1, 1]} : vector<32x12800xi32> to vector<32x128xi32>
    %gt3A_40 = arith.cmpf ogt, %slice3A_38, %select_n3A_36 : vector<32x128xf32>
    %select_n3A_41 = arith.select %gt3A_40, %slice3A_38, %select_n3A_36 : vector<32x128xi1>, vector<32x128xf32>
    %select_n3A_42 = arith.select %gt3A_40, %slice3A_39, %select_n3A_37 : vector<32x128xi1>, vector<32x128xi32>
    %slice3A_43 = vector.extract_strided_slice %select_n3A {offsets = [0, 768], sizes = [32, 128], strides = [1, 1]} : vector<32x12800xf32> to vector<32x128xf32>
    %slice3A_44 = vector.extract_strided_slice %add3A_4 {offsets = [0, 768], sizes = [32, 128], strides = [1, 1]} : vector<32x12800xi32> to vector<32x128xi32>
    %gt3A_45 = arith.cmpf ogt, %slice3A_43, %select_n3A_41 : vector<32x128xf32>
    %select_n3A_46 = arith.select %gt3A_45, %slice3A_43, %select_n3A_41 : vector<32x128xi1>, vector<32x128xf32>
    %select_n3A_47 = arith.select %gt3A_45, %slice3A_44, %select_n3A_42 : vector<32x128xi1>, vector<32x128xi32>
    %slice3A_48 = vector.extract_strided_slice %select_n3A {offsets = [0, 896], sizes = [32, 128], strides = [1, 1]} : vector<32x12800xf32> to vector<32x128xf32>
    %slice3A_49 = vector.extract_strided_slice %add3A_4 {offsets = [0, 896], sizes = [32, 128], strides = [1, 1]} : vector<32x12800xi32> to vector<32x128xi32>
    %gt3A_50 = arith.cmpf ogt, %slice3A_48, %select_n3A_46 : vector<32x128xf32>
    %select_n3A_51 = arith.select %gt3A_50, %slice3A_48, %select_n3A_46 : vector<32x128xi1>, vector<32x128xf32>
    %select_n3A_52 = arith.select %gt3A_50, %slice3A_49, %select_n3A_47 : vector<32x128xi1>, vector<32x128xi32>
    %slice3A_53 = vector.extract_strided_slice %select_n3A {offsets = [0, 1024], sizes = [32, 128], strides = [1, 1]} : vector<32x12800xf32> to vector<32x128xf32>
    %slice3A_54 = vector.extract_strided_slice %add3A_4 {offsets = [0, 1024], sizes = [32, 128], strides = [1, 1]} : vector<32x12800xi32> to vector<32x128xi32>
    %gt3A_55 = arith.cmpf ogt, %slice3A_53, %select_n3A_51 : vector<32x128xf32>
    %select_n3A_56 = arith.select %gt3A_55, %slice3A_53, %select_n3A_51 : vector<32x128xi1>, vector<32x128xf32>
    %select_n3A_57 = arith.select %gt3A_55, %slice3A_54, %select_n3A_52 : vector<32x128xi1>, vector<32x128xi32>
    %slice3A_58 = vector.extract_strided_slice %select_n3A {offsets = [0, 1152], sizes = [32, 128], strides = [1, 1]} : vector<32x12800xf32> to vector<32x128xf32>
    %slice3A_59 = vector.extract_strided_slice %add3A_4 {offsets = [0, 1152], sizes = [32, 128], strides = [1, 1]} : vector<32x12800xi32> to vector<32x128xi32>
    %gt3A_60 = arith.cmpf ogt, %slice3A_58, %select_n3A_56 : vector<32x128xf32>
    %select_n3A_61 = arith.select %gt3A_60, %slice3A_58, %select_n3A_56 : vector<32x128xi1>, vector<32x128xf32>
    %select_n3A_62 = arith.select %gt3A_60, %slice3A_59, %select_n3A_57 : vector<32x128xi1>, vector<32x128xi32>
    %slice3A_63 = vector.extract_strided_slice %select_n3A {offsets = [0, 1280], sizes = [32, 128], strides = [1, 1]} : vector<32x12800xf32> to vector<32x128xf32>
    %slice3A_64 = vector.extract_strided_slice %add3A_4 {offsets = [0, 1280], sizes = [32, 128], strides = [1, 1]} : vector<32x12800xi32> to vector<32x128xi32>
    %gt3A_65 = arith.cmpf ogt, %slice3A_63, %select_n3A_61 : vector<32x128xf32>
    %select_n3A_66 = arith.select %gt3A_65, %slice3A_63, %select_n3A_61 : vector<32x128xi1>, vector<32x128xf32>
    %select_n3A_67 = arith.select %gt3A_65, %slice3A_64, %select_n3A_62 : vector<32x128xi1>, vector<32x128xi32>
    %slice3A_68 = vector.extract_strided_slice %select_n3A {offsets = [0, 1408], sizes = [32, 128], strides = [1, 1]} : vector<32x12800xf32> to vector<32x128xf32>
    %slice3A_69 = vector.extract_strided_slice %add3A_4 {offsets = [0, 1408], sizes = [32, 128], strides = [1, 1]} : vector<32x12800xi32> to vector<32x128xi32>
    %gt3A_70 = arith.cmpf ogt, %slice3A_68, %select_n3A_66 : vector<32x128xf32>
    %select_n3A_71 = arith.select %gt3A_70, %slice3A_68, %select_n3A_66 : vector<32x128xi1>, vector<32x128xf32>
    %select_n3A_72 = arith.select %gt3A_70, %slice3A_69, %select_n3A_67 : vector<32x128xi1>, vector<32x128xi32>
    %slice3A_73 = vector.extract_strided_slice %select_n3A {offsets = [0, 1536], sizes = [32, 128], strides = [1, 1]} : vector<32x12800xf32> to vector<32x128xf32>
    %slice3A_74 = vector.extract_strided_slice %add3A_4 {offsets = [0, 1536], sizes = [32, 128], strides = [1, 1]} : vector<32x12800xi32> to vector<32x128xi32>
    %gt3A_75 = arith.cmpf ogt, %slice3A_73, %select_n3A_71 : vector<32x128xf32>
    %select_n3A_76 = arith.select %gt3A_75, %slice3A_73, %select_n3A_71 : vector<32x128xi1>, vector<32x128xf32>
    %select_n3A_77 = arith.select %gt3A_75, %slice3A_74, %select_n3A_72 : vector<32x128xi1>, vector<32x128xi32>
    %slice3A_78 = vector.extract_strided_slice %select_n3A {offsets = [0, 1664], sizes = [32, 128], strides = [1, 1]} : vector<32x12800xf32> to vector<32x128xf32>
    %slice3A_79 = vector.extract_strided_slice %add3A_4 {offsets = [0, 1664], sizes = [32, 128], strides = [1, 1]} : vector<32x12800xi32> to vector<32x128xi32>
    %gt3A_80 = arith.cmpf ogt, %slice3A_78, %select_n3A_76 : vector<32x128xf32>
    %select_n3A_81 = arith.select %gt3A_80, %slice3A_78, %select_n3A_76 : vector<32x128xi1>, vector<32x128xf32>
    %select_n3A_82 = arith.select %gt3A_80, %slice3A_79, %select_n3A_77 : vector<32x128xi1>, vector<32x128xi32>
    %slice3A_83 = vector.extract_strided_slice %select_n3A {offsets = [0, 1792], sizes = [32, 128], strides = [1, 1]} : vector<32x12800xf32> to vector<32x128xf32>
    %slice3A_84 = vector.extract_strided_slice %add3A_4 {offsets = [0, 1792], sizes = [32, 128], strides = [1, 1]} : vector<32x12800xi32> to vector<32x128xi32>
    %gt3A_85 = arith.cmpf ogt, %slice3A_83, %select_n3A_81 : vector<32x128xf32>
    %select_n3A_86 = arith.select %gt3A_85, %slice3A_83, %select_n3A_81 : vector<32x128xi1>, vector<32x128xf32>
    %select_n3A_87 = arith.select %gt3A_85, %slice3A_84, %select_n3A_82 : vector<32x128xi1>, vector<32x128xi32>
    %slice3A_88 = vector.extract_strided_slice %select_n3A {offsets = [0, 1920], sizes = [32, 128], strides = [1, 1]} : vector<32x12800xf32> to vector<32x128xf32>
    %slice3A_89 = vector.extract_strided_slice %add3A_4 {offsets = [0, 1920], sizes = [32, 128], strides = [1, 1]} : vector<32x12800xi32> to vector<32x128xi32>
    %gt3A_90 = arith.cmpf ogt, %slice3A_88, %select_n3A_86 : vector<32x128xf32>
    %select_n3A_91 = arith.select %gt3A_90, %slice3A_88, %select_n3A_86 : vector<32x128xi1>, vector<32x128xf32>
    %select_n3A_92 = arith.select %gt3A_90, %slice3A_89, %select_n3A_87 : vector<32x128xi1>, vector<32x128xi32>
    %slice3A_93 = vector.extract_strided_slice %select_n3A {offsets = [0, 2048], sizes = [32, 128], strides = [1, 1]} : vector<32x12800xf32> to vector<32x128xf32>
    %slice3A_94 = vector.extract_strided_slice %add3A_4 {offsets = [0, 2048], sizes = [32, 128], strides = [1, 1]} : vector<32x12800xi32> to vector<32x128xi32>
    %gt3A_95 = arith.cmpf ogt, %slice3A_93, %select_n3A_91 : vector<32x128xf32>
    %select_n3A_96 = arith.select %gt3A_95, %slice3A_93, %select_n3A_91 : vector<32x128xi1>, vector<32x128xf32>
    %select_n3A_97 = arith.select %gt3A_95, %slice3A_94, %select_n3A_92 : vector<32x128xi1>, vector<32x128xi32>
    %slice3A_98 = vector.extract_strided_slice %select_n3A {offsets = [0, 2176], sizes = [32, 128], strides = [1, 1]} : vector<32x12800xf32> to vector<32x128xf32>
    %slice3A_99 = vector.extract_strided_slice %add3A_4 {offsets = [0, 2176], sizes = [32, 128], strides = [1, 1]} : vector<32x12800xi32> to vector<32x128xi32>
    %gt3A_100 = arith.cmpf ogt, %slice3A_98, %select_n3A_96 : vector<32x128xf32>
    %select_n3A_101 = arith.select %gt3A_100, %slice3A_98, %select_n3A_96 : vector<32x128xi1>, vector<32x128xf32>
    %select_n3A_102 = arith.select %gt3A_100, %slice3A_99, %select_n3A_97 : vector<32x128xi1>, vector<32x128xi32>
    %slice3A_103 = vector.extract_strided_slice %select_n3A {offsets = [0, 2304], sizes = [32, 128], strides = [1, 1]} : vector<32x12800xf32> to vector<32x128xf32>
    %slice3A_104 = vector.extract_strided_slice %add3A_4 {offsets = [0, 2304], sizes = [32, 128], strides = [1, 1]} : vector<32x12800xi32> to vector<32x128xi32>
    %gt3A_105 = arith.cmpf ogt, %slice3A_103, %select_n3A_101 : vector<32x128xf32>
    %select_n3A_106 = arith.select %gt3A_105, %slice3A_103, %select_n3A_101 : vector<32x128xi1>, vector<32x128xf32>
    %select_n3A_107 = arith.select %gt3A_105, %slice3A_104, %select_n3A_102 : vector<32x128xi1>, vector<32x128xi32>
    %slice3A_108 = vector.extract_strided_slice %select_n3A {offsets = [0, 2432], sizes = [32, 128], strides = [1, 1]} : vector<32x12800xf32> to vector<32x128xf32>
    %slice3A_109 = vector.extract_strided_slice %add3A_4 {offsets = [0, 2432], sizes = [32, 128], strides = [1, 1]} : vector<32x12800xi32> to vector<32x128xi32>
    %gt3A_110 = arith.cmpf ogt, %slice3A_108, %select_n3A_106 : vector<32x128xf32>
    %select_n3A_111 = arith.select %gt3A_110, %slice3A_108, %select_n3A_106 : vector<32x128xi1>, vector<32x128xf32>
    %select_n3A_112 = arith.select %gt3A_110, %slice3A_109, %select_n3A_107 : vector<32x128xi1>, vector<32x128xi32>
    %slice3A_113 = vector.extract_strided_slice %select_n3A {offsets = [0, 2560], sizes = [32, 128], strides = [1, 1]} : vector<32x12800xf32> to vector<32x128xf32>
    %slice3A_114 = vector.extract_strided_slice %add3A_4 {offsets = [0, 2560], sizes = [32, 128], strides = [1, 1]} : vector<32x12800xi32> to vector<32x128xi32>
    %gt3A_115 = arith.cmpf ogt, %slice3A_113, %select_n3A_111 : vector<32x128xf32>
    %select_n3A_116 = arith.select %gt3A_115, %slice3A_113, %select_n3A_111 : vector<32x128xi1>, vector<32x128xf32>
    %select_n3A_117 = arith.select %gt3A_115, %slice3A_114, %select_n3A_112 : vector<32x128xi1>, vector<32x128xi32>
    %slice3A_118 = vector.extract_strided_slice %select_n3A {offsets = [0, 2688], sizes = [32, 128], strides = [1, 1]} : vector<32x12800xf32> to vector<32x128xf32>
    %slice3A_119 = vector.extract_strided_slice %add3A_4 {offsets = [0, 2688], sizes = [32, 128], strides = [1, 1]} : vector<32x12800xi32> to vector<32x128xi32>
    %gt3A_120 = arith.cmpf ogt, %slice3A_118, %select_n3A_116 : vector<32x128xf32>
    %select_n3A_121 = arith.select %gt3A_120, %slice3A_118, %select_n3A_116 : vector<32x128xi1>, vector<32x128xf32>
    %select_n3A_122 = arith.select %gt3A_120, %slice3A_119, %select_n3A_117 : vector<32x128xi1>, vector<32x128xi32>
    %slice3A_123 = vector.extract_strided_slice %select_n3A {offsets = [0, 2816], sizes = [32, 128], strides = [1, 1]} : vector<32x12800xf32> to vector<32x128xf32>
    %slice3A_124 = vector.extract_strided_slice %add3A_4 {offsets = [0, 2816], sizes = [32, 128], strides = [1, 1]} : vector<32x12800xi32> to vector<32x128xi32>
    %gt3A_125 = arith.cmpf ogt, %slice3A_123, %select_n3A_121 : vector<32x128xf32>
    %select_n3A_126 = arith.select %gt3A_125, %slice3A_123, %select_n3A_121 : vector<32x128xi1>, vector<32x128xf32>
    %select_n3A_127 = arith.select %gt3A_125, %slice3A_124, %select_n3A_122 : vector<32x128xi1>, vector<32x128xi32>
    %slice3A_128 = vector.extract_strided_slice %select_n3A {offsets = [0, 2944], sizes = [32, 128], strides = [1, 1]} : vector<32x12800xf32> to vector<32x128xf32>
    %slice3A_129 = vector.extract_strided_slice %add3A_4 {offsets = [0, 2944], sizes = [32, 128], strides = [1, 1]} : vector<32x12800xi32> to vector<32x128xi32>
    %gt3A_130 = arith.cmpf ogt, %slice3A_128, %select_n3A_126 : vector<32x128xf32>
    %select_n3A_131 = arith.select %gt3A_130, %slice3A_128, %select_n3A_126 : vector<32x128xi1>, vector<32x128xf32>
    %select_n3A_132 = arith.select %gt3A_130, %slice3A_129, %select_n3A_127 : vector<32x128xi1>, vector<32x128xi32>
    %slice3A_133 = vector.extract_strided_slice %select_n3A {offsets = [0, 3072], sizes = [32, 128], strides = [1, 1]} : vector<32x12800xf32> to vector<32x128xf32>
    %slice3A_134 = vector.extract_strided_slice %add3A_4 {offsets = [0, 3072], sizes = [32, 128], strides = [1, 1]} : vector<32x12800xi32> to vector<32x128xi32>
    %gt3A_135 = arith.cmpf ogt, %slice3A_133, %select_n3A_131 : vector<32x128xf32>
    %select_n3A_136 = arith.select %gt3A_135, %slice3A_133, %select_n3A_131 : vector<32x128xi1>, vector<32x128xf32>
    %select_n3A_137 = arith.select %gt3A_135, %slice3A_134, %select_n3A_132 : vector<32x128xi1>, vector<32x128xi32>
    %slice3A_138 = vector.extract_strided_slice %select_n3A {offsets = [0, 3200], sizes = [32, 128], strides = [1, 1]} : vector<32x12800xf32> to vector<32x128xf32>
    %slice3A_139 = vector.extract_strided_slice %add3A_4 {offsets = [0, 3200], sizes = [32, 128], strides = [1, 1]} : vector<32x12800xi32> to vector<32x128xi32>
    %gt3A_140 = arith.cmpf ogt, %slice3A_138, %select_n3A_136 : vector<32x128xf32>
    %select_n3A_141 = arith.select %gt3A_140, %slice3A_138, %select_n3A_136 : vector<32x128xi1>, vector<32x128xf32>
    %select_n3A_142 = arith.select %gt3A_140, %slice3A_139, %select_n3A_137 : vector<32x128xi1>, vector<32x128xi32>
    %slice3A_143 = vector.extract_strided_slice %select_n3A {offsets = [0, 3328], sizes = [32, 128], strides = [1, 1]} : vector<32x12800xf32> to vector<32x128xf32>
    %slice3A_144 = vector.extract_strided_slice %add3A_4 {offsets = [0, 3328], sizes = [32, 128], strides = [1, 1]} : vector<32x12800xi32> to vector<32x128xi32>
    %gt3A_145 = arith.cmpf ogt, %slice3A_143, %select_n3A_141 : vector<32x128xf32>
    %select_n3A_146 = arith.select %gt3A_145, %slice3A_143, %select_n3A_141 : vector<32x128xi1>, vector<32x128xf32>
    %select_n3A_147 = arith.select %gt3A_145, %slice3A_144, %select_n3A_142 : vector<32x128xi1>, vector<32x128xi32>
    %slice3A_148 = vector.extract_strided_slice %select_n3A {offsets = [0, 3456], sizes = [32, 128], strides = [1, 1]} : vector<32x12800xf32> to vector<32x128xf32>
    %slice3A_149 = vector.extract_strided_slice %add3A_4 {offsets = [0, 3456], sizes = [32, 128], strides = [1, 1]} : vector<32x12800xi32> to vector<32x128xi32>
    %gt3A_150 = arith.cmpf ogt, %slice3A_148, %select_n3A_146 : vector<32x128xf32>
    %select_n3A_151 = arith.select %gt3A_150, %slice3A_148, %select_n3A_146 : vector<32x128xi1>, vector<32x128xf32>
    %select_n3A_152 = arith.select %gt3A_150, %slice3A_149, %select_n3A_147 : vector<32x128xi1>, vector<32x128xi32>
    %slice3A_153 = vector.extract_strided_slice %select_n3A {offsets = [0, 3584], sizes = [32, 128], strides = [1, 1]} : vector<32x12800xf32> to vector<32x128xf32>
    %slice3A_154 = vector.extract_strided_slice %add3A_4 {offsets = [0, 3584], sizes = [32, 128], strides = [1, 1]} : vector<32x12800xi32> to vector<32x128xi32>
    %gt3A_155 = arith.cmpf ogt, %slice3A_153, %select_n3A_151 : vector<32x128xf32>
    %select_n3A_156 = arith.select %gt3A_155, %slice3A_153, %select_n3A_151 : vector<32x128xi1>, vector<32x128xf32>
    %select_n3A_157 = arith.select %gt3A_155, %slice3A_154, %select_n3A_152 : vector<32x128xi1>, vector<32x128xi32>
    %slice3A_158 = vector.extract_strided_slice %select_n3A {offsets = [0, 3712], sizes = [32, 128], strides = [1, 1]} : vector<32x12800xf32> to vector<32x128xf32>
    %slice3A_159 = vector.extract_strided_slice %add3A_4 {offsets = [0, 3712], sizes = [32, 128], strides = [1, 1]} : vector<32x12800xi32> to vector<32x128xi32>
    %gt3A_160 = arith.cmpf ogt, %slice3A_158, %select_n3A_156 : vector<32x128xf32>
    %select_n3A_161 = arith.select %gt3A_160, %slice3A_158, %select_n3A_156 : vector<32x128xi1>, vector<32x128xf32>
    %select_n3A_162 = arith.select %gt3A_160, %slice3A_159, %select_n3A_157 : vector<32x128xi1>, vector<32x128xi32>
    %slice3A_163 = vector.extract_strided_slice %select_n3A {offsets = [0, 3840], sizes = [32, 128], strides = [1, 1]} : vector<32x12800xf32> to vector<32x128xf32>
    %slice3A_164 = vector.extract_strided_slice %add3A_4 {offsets = [0, 3840], sizes = [32, 128], strides = [1, 1]} : vector<32x12800xi32> to vector<32x128xi32>
    %gt3A_165 = arith.cmpf ogt, %slice3A_163, %select_n3A_161 : vector<32x128xf32>
    %select_n3A_166 = arith.select %gt3A_165, %slice3A_163, %select_n3A_161 : vector<32x128xi1>, vector<32x128xf32>
    %select_n3A_167 = arith.select %gt3A_165, %slice3A_164, %select_n3A_162 : vector<32x128xi1>, vector<32x128xi32>
    %slice3A_168 = vector.extract_strided_slice %select_n3A {offsets = [0, 3968], sizes = [32, 128], strides = [1, 1]} : vector<32x12800xf32> to vector<32x128xf32>
    %slice3A_169 = vector.extract_strided_slice %add3A_4 {offsets = [0, 3968], sizes = [32, 128], strides = [1, 1]} : vector<32x12800xi32> to vector<32x128xi32>
    %gt3A_170 = arith.cmpf ogt, %slice3A_168, %select_n3A_166 : vector<32x128xf32>
    %select_n3A_171 = arith.select %gt3A_170, %slice3A_168, %select_n3A_166 : vector<32x128xi1>, vector<32x128xf32>
    %select_n3A_172 = arith.select %gt3A_170, %slice3A_169, %select_n3A_167 : vector<32x128xi1>, vector<32x128xi32>
    %slice3A_173 = vector.extract_strided_slice %select_n3A {offsets = [0, 4096], sizes = [32, 128], strides = [1, 1]} : vector<32x12800xf32> to vector<32x128xf32>
    %slice3A_174 = vector.extract_strided_slice %add3A_4 {offsets = [0, 4096], sizes = [32, 128], strides = [1, 1]} : vector<32x12800xi32> to vector<32x128xi32>
    %gt3A_175 = arith.cmpf ogt, %slice3A_173, %select_n3A_171 : vector<32x128xf32>
    %select_n3A_176 = arith.select %gt3A_175, %slice3A_173, %select_n3A_171 : vector<32x128xi1>, vector<32x128xf32>
    %select_n3A_177 = arith.select %gt3A_175, %slice3A_174, %select_n3A_172 : vector<32x128xi1>, vector<32x128xi32>
    %slice3A_178 = vector.extract_strided_slice %select_n3A {offsets = [0, 4224], sizes = [32, 128], strides = [1, 1]} : vector<32x12800xf32> to vector<32x128xf32>
    %slice3A_179 = vector.extract_strided_slice %add3A_4 {offsets = [0, 4224], sizes = [32, 128], strides = [1, 1]} : vector<32x12800xi32> to vector<32x128xi32>
    %gt3A_180 = arith.cmpf ogt, %slice3A_178, %select_n3A_176 : vector<32x128xf32>
    %select_n3A_181 = arith.select %gt3A_180, %slice3A_178, %select_n3A_176 : vector<32x128xi1>, vector<32x128xf32>
    %select_n3A_182 = arith.select %gt3A_180, %slice3A_179, %select_n3A_177 : vector<32x128xi1>, vector<32x128xi32>
    %slice3A_183 = vector.extract_strided_slice %select_n3A {offsets = [0, 4352], sizes = [32, 128], strides = [1, 1]} : vector<32x12800xf32> to vector<32x128xf32>
    %slice3A_184 = vector.extract_strided_slice %add3A_4 {offsets = [0, 4352], sizes = [32, 128], strides = [1, 1]} : vector<32x12800xi32> to vector<32x128xi32>
    %gt3A_185 = arith.cmpf ogt, %slice3A_183, %select_n3A_181 : vector<32x128xf32>
    %select_n3A_186 = arith.select %gt3A_185, %slice3A_183, %select_n3A_181 : vector<32x128xi1>, vector<32x128xf32>
    %select_n3A_187 = arith.select %gt3A_185, %slice3A_184, %select_n3A_182 : vector<32x128xi1>, vector<32x128xi32>
    %slice3A_188 = vector.extract_strided_slice %select_n3A {offsets = [0, 4480], sizes = [32, 128], strides = [1, 1]} : vector<32x12800xf32> to vector<32x128xf32>
    %slice3A_189 = vector.extract_strided_slice %add3A_4 {offsets = [0, 4480], sizes = [32, 128], strides = [1, 1]} : vector<32x12800xi32> to vector<32x128xi32>
    %gt3A_190 = arith.cmpf ogt, %slice3A_188, %select_n3A_186 : vector<32x128xf32>
    %select_n3A_191 = arith.select %gt3A_190, %slice3A_188, %select_n3A_186 : vector<32x128xi1>, vector<32x128xf32>
    %select_n3A_192 = arith.select %gt3A_190, %slice3A_189, %select_n3A_187 : vector<32x128xi1>, vector<32x128xi32>
    %slice3A_193 = vector.extract_strided_slice %select_n3A {offsets = [0, 4608], sizes = [32, 128], strides = [1, 1]} : vector<32x12800xf32> to vector<32x128xf32>
    %slice3A_194 = vector.extract_strided_slice %add3A_4 {offsets = [0, 4608], sizes = [32, 128], strides = [1, 1]} : vector<32x12800xi32> to vector<32x128xi32>
    %gt3A_195 = arith.cmpf ogt, %slice3A_193, %select_n3A_191 : vector<32x128xf32>
    %select_n3A_196 = arith.select %gt3A_195, %slice3A_193, %select_n3A_191 : vector<32x128xi1>, vector<32x128xf32>
    %select_n3A_197 = arith.select %gt3A_195, %slice3A_194, %select_n3A_192 : vector<32x128xi1>, vector<32x128xi32>
    %slice3A_198 = vector.extract_strided_slice %select_n3A {offsets = [0, 4736], sizes = [32, 128], strides = [1, 1]} : vector<32x12800xf32> to vector<32x128xf32>
    %slice3A_199 = vector.extract_strided_slice %add3A_4 {offsets = [0, 4736], sizes = [32, 128], strides = [1, 1]} : vector<32x12800xi32> to vector<32x128xi32>
    %gt3A_200 = arith.cmpf ogt, %slice3A_198, %select_n3A_196 : vector<32x128xf32>
    %select_n3A_201 = arith.select %gt3A_200, %slice3A_198, %select_n3A_196 : vector<32x128xi1>, vector<32x128xf32>
    %select_n3A_202 = arith.select %gt3A_200, %slice3A_199, %select_n3A_197 : vector<32x128xi1>, vector<32x128xi32>
    %slice3A_203 = vector.extract_strided_slice %select_n3A {offsets = [0, 4864], sizes = [32, 128], strides = [1, 1]} : vector<32x12800xf32> to vector<32x128xf32>
    %slice3A_204 = vector.extract_strided_slice %add3A_4 {offsets = [0, 4864], sizes = [32, 128], strides = [1, 1]} : vector<32x12800xi32> to vector<32x128xi32>
    %gt3A_205 = arith.cmpf ogt, %slice3A_203, %select_n3A_201 : vector<32x128xf32>
    %select_n3A_206 = arith.select %gt3A_205, %slice3A_203, %select_n3A_201 : vector<32x128xi1>, vector<32x128xf32>
    %select_n3A_207 = arith.select %gt3A_205, %slice3A_204, %select_n3A_202 : vector<32x128xi1>, vector<32x128xi32>
    %slice3A_208 = vector.extract_strided_slice %select_n3A {offsets = [0, 4992], sizes = [32, 128], strides = [1, 1]} : vector<32x12800xf32> to vector<32x128xf32>
    %slice3A_209 = vector.extract_strided_slice %add3A_4 {offsets = [0, 4992], sizes = [32, 128], strides = [1, 1]} : vector<32x12800xi32> to vector<32x128xi32>
    %gt3A_210 = arith.cmpf ogt, %slice3A_208, %select_n3A_206 : vector<32x128xf32>
    %select_n3A_211 = arith.select %gt3A_210, %slice3A_208, %select_n3A_206 : vector<32x128xi1>, vector<32x128xf32>
    %select_n3A_212 = arith.select %gt3A_210, %slice3A_209, %select_n3A_207 : vector<32x128xi1>, vector<32x128xi32>
    %slice3A_213 = vector.extract_strided_slice %select_n3A {offsets = [0, 5120], sizes = [32, 128], strides = [1, 1]} : vector<32x12800xf32> to vector<32x128xf32>
    %slice3A_214 = vector.extract_strided_slice %add3A_4 {offsets = [0, 5120], sizes = [32, 128], strides = [1, 1]} : vector<32x12800xi32> to vector<32x128xi32>
    %gt3A_215 = arith.cmpf ogt, %slice3A_213, %select_n3A_211 : vector<32x128xf32>
    %select_n3A_216 = arith.select %gt3A_215, %slice3A_213, %select_n3A_211 : vector<32x128xi1>, vector<32x128xf32>
    %select_n3A_217 = arith.select %gt3A_215, %slice3A_214, %select_n3A_212 : vector<32x128xi1>, vector<32x128xi32>
    %slice3A_218 = vector.extract_strided_slice %select_n3A {offsets = [0, 5248], sizes = [32, 128], strides = [1, 1]} : vector<32x12800xf32> to vector<32x128xf32>
    %slice3A_219 = vector.extract_strided_slice %add3A_4 {offsets = [0, 5248], sizes = [32, 128], strides = [1, 1]} : vector<32x12800xi32> to vector<32x128xi32>
    %gt3A_220 = arith.cmpf ogt, %slice3A_218, %select_n3A_216 : vector<32x128xf32>
    %select_n3A_221 = arith.select %gt3A_220, %slice3A_218, %select_n3A_216 : vector<32x128xi1>, vector<32x128xf32>
    %select_n3A_222 = arith.select %gt3A_220, %slice3A_219, %select_n3A_217 : vector<32x128xi1>, vector<32x128xi32>
    %slice3A_223 = vector.extract_strided_slice %select_n3A {offsets = [0, 5376], sizes = [32, 128], strides = [1, 1]} : vector<32x12800xf32> to vector<32x128xf32>
    %slice3A_224 = vector.extract_strided_slice %add3A_4 {offsets = [0, 5376], sizes = [32, 128], strides = [1, 1]} : vector<32x12800xi32> to vector<32x128xi32>
    %gt3A_225 = arith.cmpf ogt, %slice3A_223, %select_n3A_221 : vector<32x128xf32>
    %select_n3A_226 = arith.select %gt3A_225, %slice3A_223, %select_n3A_221 : vector<32x128xi1>, vector<32x128xf32>
    %select_n3A_227 = arith.select %gt3A_225, %slice3A_224, %select_n3A_222 : vector<32x128xi1>, vector<32x128xi32>
    %slice3A_228 = vector.extract_strided_slice %select_n3A {offsets = [0, 5504], sizes = [32, 128], strides = [1, 1]} : vector<32x12800xf32> to vector<32x128xf32>
    %slice3A_229 = vector.extract_strided_slice %add3A_4 {offsets = [0, 5504], sizes = [32, 128], strides = [1, 1]} : vector<32x12800xi32> to vector<32x128xi32>
    %gt3A_230 = arith.cmpf ogt, %slice3A_228, %select_n3A_226 : vector<32x128xf32>
    %select_n3A_231 = arith.select %gt3A_230, %slice3A_228, %select_n3A_226 : vector<32x128xi1>, vector<32x128xf32>
    %select_n3A_232 = arith.select %gt3A_230, %slice3A_229, %select_n3A_227 : vector<32x128xi1>, vector<32x128xi32>
    %slice3A_233 = vector.extract_strided_slice %select_n3A {offsets = [0, 5632], sizes = [32, 128], strides = [1, 1]} : vector<32x12800xf32> to vector<32x128xf32>
    %slice3A_234 = vector.extract_strided_slice %add3A_4 {offsets = [0, 5632], sizes = [32, 128], strides = [1, 1]} : vector<32x12800xi32> to vector<32x128xi32>
    %gt3A_235 = arith.cmpf ogt, %slice3A_233, %select_n3A_231 : vector<32x128xf32>
    %select_n3A_236 = arith.select %gt3A_235, %slice3A_233, %select_n3A_231 : vector<32x128xi1>, vector<32x128xf32>
    %select_n3A_237 = arith.select %gt3A_235, %slice3A_234, %select_n3A_232 : vector<32x128xi1>, vector<32x128xi32>
    %slice3A_238 = vector.extract_strided_slice %select_n3A {offsets = [0, 5760], sizes = [32, 128], strides = [1, 1]} : vector<32x12800xf32> to vector<32x128xf32>
    %slice3A_239 = vector.extract_strided_slice %add3A_4 {offsets = [0, 5760], sizes = [32, 128], strides = [1, 1]} : vector<32x12800xi32> to vector<32x128xi32>
    %gt3A_240 = arith.cmpf ogt, %slice3A_238, %select_n3A_236 : vector<32x128xf32>
    %select_n3A_241 = arith.select %gt3A_240, %slice3A_238, %select_n3A_236 : vector<32x128xi1>, vector<32x128xf32>
    %select_n3A_242 = arith.select %gt3A_240, %slice3A_239, %select_n3A_237 : vector<32x128xi1>, vector<32x128xi32>
    %slice3A_243 = vector.extract_strided_slice %select_n3A {offsets = [0, 5888], sizes = [32, 128], strides = [1, 1]} : vector<32x12800xf32> to vector<32x128xf32>
    %slice3A_244 = vector.extract_strided_slice %add3A_4 {offsets = [0, 5888], sizes = [32, 128], strides = [1, 1]} : vector<32x12800xi32> to vector<32x128xi32>
    %gt3A_245 = arith.cmpf ogt, %slice3A_243, %select_n3A_241 : vector<32x128xf32>
    %select_n3A_246 = arith.select %gt3A_245, %slice3A_243, %select_n3A_241 : vector<32x128xi1>, vector<32x128xf32>
    %select_n3A_247 = arith.select %gt3A_245, %slice3A_244, %select_n3A_242 : vector<32x128xi1>, vector<32x128xi32>
    %slice3A_248 = vector.extract_strided_slice %select_n3A {offsets = [0, 6016], sizes = [32, 128], strides = [1, 1]} : vector<32x12800xf32> to vector<32x128xf32>
    %slice3A_249 = vector.extract_strided_slice %add3A_4 {offsets = [0, 6016], sizes = [32, 128], strides = [1, 1]} : vector<32x12800xi32> to vector<32x128xi32>
    %gt3A_250 = arith.cmpf ogt, %slice3A_248, %select_n3A_246 : vector<32x128xf32>
    %select_n3A_251 = arith.select %gt3A_250, %slice3A_248, %select_n3A_246 : vector<32x128xi1>, vector<32x128xf32>
    %select_n3A_252 = arith.select %gt3A_250, %slice3A_249, %select_n3A_247 : vector<32x128xi1>, vector<32x128xi32>
    %slice3A_253 = vector.extract_strided_slice %select_n3A {offsets = [0, 6144], sizes = [32, 128], strides = [1, 1]} : vector<32x12800xf32> to vector<32x128xf32>
    %slice3A_254 = vector.extract_strided_slice %add3A_4 {offsets = [0, 6144], sizes = [32, 128], strides = [1, 1]} : vector<32x12800xi32> to vector<32x128xi32>
    %gt3A_255 = arith.cmpf ogt, %slice3A_253, %select_n3A_251 : vector<32x128xf32>
    %select_n3A_256 = arith.select %gt3A_255, %slice3A_253, %select_n3A_251 : vector<32x128xi1>, vector<32x128xf32>
    %select_n3A_257 = arith.select %gt3A_255, %slice3A_254, %select_n3A_252 : vector<32x128xi1>, vector<32x128xi32>
    %slice3A_258 = vector.extract_strided_slice %select_n3A {offsets = [0, 6272], sizes = [32, 128], strides = [1, 1]} : vector<32x12800xf32> to vector<32x128xf32>
    %slice3A_259 = vector.extract_strided_slice %add3A_4 {offsets = [0, 6272], sizes = [32, 128], strides = [1, 1]} : vector<32x12800xi32> to vector<32x128xi32>
    %gt3A_260 = arith.cmpf ogt, %slice3A_258, %select_n3A_256 : vector<32x128xf32>
    %select_n3A_261 = arith.select %gt3A_260, %slice3A_258, %select_n3A_256 : vector<32x128xi1>, vector<32x128xf32>
    %select_n3A_262 = arith.select %gt3A_260, %slice3A_259, %select_n3A_257 : vector<32x128xi1>, vector<32x128xi32>
    %slice3A_263 = vector.extract_strided_slice %select_n3A {offsets = [0, 6400], sizes = [32, 128], strides = [1, 1]} : vector<32x12800xf32> to vector<32x128xf32>
    %slice3A_264 = vector.extract_strided_slice %add3A_4 {offsets = [0, 6400], sizes = [32, 128], strides = [1, 1]} : vector<32x12800xi32> to vector<32x128xi32>
    %gt3A_265 = arith.cmpf ogt, %slice3A_263, %select_n3A_261 : vector<32x128xf32>
    %select_n3A_266 = arith.select %gt3A_265, %slice3A_263, %select_n3A_261 : vector<32x128xi1>, vector<32x128xf32>
    %select_n3A_267 = arith.select %gt3A_265, %slice3A_264, %select_n3A_262 : vector<32x128xi1>, vector<32x128xi32>
    %slice3A_268 = vector.extract_strided_slice %select_n3A {offsets = [0, 6528], sizes = [32, 128], strides = [1, 1]} : vector<32x12800xf32> to vector<32x128xf32>
    %slice3A_269 = vector.extract_strided_slice %add3A_4 {offsets = [0, 6528], sizes = [32, 128], strides = [1, 1]} : vector<32x12800xi32> to vector<32x128xi32>
    %gt3A_270 = arith.cmpf ogt, %slice3A_268, %select_n3A_266 : vector<32x128xf32>
    %select_n3A_271 = arith.select %gt3A_270, %slice3A_268, %select_n3A_266 : vector<32x128xi1>, vector<32x128xf32>
    %select_n3A_272 = arith.select %gt3A_270, %slice3A_269, %select_n3A_267 : vector<32x128xi1>, vector<32x128xi32>
    %slice3A_273 = vector.extract_strided_slice %select_n3A {offsets = [0, 6656], sizes = [32, 128], strides = [1, 1]} : vector<32x12800xf32> to vector<32x128xf32>
    %slice3A_274 = vector.extract_strided_slice %add3A_4 {offsets = [0, 6656], sizes = [32, 128], strides = [1, 1]} : vector<32x12800xi32> to vector<32x128xi32>
    %gt3A_275 = arith.cmpf ogt, %slice3A_273, %select_n3A_271 : vector<32x128xf32>
    %select_n3A_276 = arith.select %gt3A_275, %slice3A_273, %select_n3A_271 : vector<32x128xi1>, vector<32x128xf32>
    %select_n3A_277 = arith.select %gt3A_275, %slice3A_274, %select_n3A_272 : vector<32x128xi1>, vector<32x128xi32>
    %slice3A_278 = vector.extract_strided_slice %select_n3A {offsets = [0, 6784], sizes = [32, 128], strides = [1, 1]} : vector<32x12800xf32> to vector<32x128xf32>
    %slice3A_279 = vector.extract_strided_slice %add3A_4 {offsets = [0, 6784], sizes = [32, 128], strides = [1, 1]} : vector<32x12800xi32> to vector<32x128xi32>
    %gt3A_280 = arith.cmpf ogt, %slice3A_278, %select_n3A_276 : vector<32x128xf32>
    %select_n3A_281 = arith.select %gt3A_280, %slice3A_278, %select_n3A_276 : vector<32x128xi1>, vector<32x128xf32>
    %select_n3A_282 = arith.select %gt3A_280, %slice3A_279, %select_n3A_277 : vector<32x128xi1>, vector<32x128xi32>
    %slice3A_283 = vector.extract_strided_slice %select_n3A {offsets = [0, 6912], sizes = [32, 128], strides = [1, 1]} : vector<32x12800xf32> to vector<32x128xf32>
    %slice3A_284 = vector.extract_strided_slice %add3A_4 {offsets = [0, 6912], sizes = [32, 128], strides = [1, 1]} : vector<32x12800xi32> to vector<32x128xi32>
    %gt3A_285 = arith.cmpf ogt, %slice3A_283, %select_n3A_281 : vector<32x128xf32>
    %select_n3A_286 = arith.select %gt3A_285, %slice3A_283, %select_n3A_281 : vector<32x128xi1>, vector<32x128xf32>
    %select_n3A_287 = arith.select %gt3A_285, %slice3A_284, %select_n3A_282 : vector<32x128xi1>, vector<32x128xi32>
    %slice3A_288 = vector.extract_strided_slice %select_n3A {offsets = [0, 7040], sizes = [32, 128], strides = [1, 1]} : vector<32x12800xf32> to vector<32x128xf32>
    %slice3A_289 = vector.extract_strided_slice %add3A_4 {offsets = [0, 7040], sizes = [32, 128], strides = [1, 1]} : vector<32x12800xi32> to vector<32x128xi32>
    %gt3A_290 = arith.cmpf ogt, %slice3A_288, %select_n3A_286 : vector<32x128xf32>
    %select_n3A_291 = arith.select %gt3A_290, %slice3A_288, %select_n3A_286 : vector<32x128xi1>, vector<32x128xf32>
    %select_n3A_292 = arith.select %gt3A_290, %slice3A_289, %select_n3A_287 : vector<32x128xi1>, vector<32x128xi32>
    %slice3A_293 = vector.extract_strided_slice %select_n3A {offsets = [0, 7168], sizes = [32, 128], strides = [1, 1]} : vector<32x12800xf32> to vector<32x128xf32>
    %slice3A_294 = vector.extract_strided_slice %add3A_4 {offsets = [0, 7168], sizes = [32, 128], strides = [1, 1]} : vector<32x12800xi32> to vector<32x128xi32>
    %gt3A_295 = arith.cmpf ogt, %slice3A_293, %select_n3A_291 : vector<32x128xf32>
    %select_n3A_296 = arith.select %gt3A_295, %slice3A_293, %select_n3A_291 : vector<32x128xi1>, vector<32x128xf32>
    %select_n3A_297 = arith.select %gt3A_295, %slice3A_294, %select_n3A_292 : vector<32x128xi1>, vector<32x128xi32>
    %slice3A_298 = vector.extract_strided_slice %select_n3A {offsets = [0, 7296], sizes = [32, 128], strides = [1, 1]} : vector<32x12800xf32> to vector<32x128xf32>
    %slice3A_299 = vector.extract_strided_slice %add3A_4 {offsets = [0, 7296], sizes = [32, 128], strides = [1, 1]} : vector<32x12800xi32> to vector<32x128xi32>
    %gt3A_300 = arith.cmpf ogt, %slice3A_298, %select_n3A_296 : vector<32x128xf32>
    %select_n3A_301 = arith.select %gt3A_300, %slice3A_298, %select_n3A_296 : vector<32x128xi1>, vector<32x128xf32>
    %select_n3A_302 = arith.select %gt3A_300, %slice3A_299, %select_n3A_297 : vector<32x128xi1>, vector<32x128xi32>
    %slice3A_303 = vector.extract_strided_slice %select_n3A {offsets = [0, 7424], sizes = [32, 128], strides = [1, 1]} : vector<32x12800xf32> to vector<32x128xf32>
    %slice3A_304 = vector.extract_strided_slice %add3A_4 {offsets = [0, 7424], sizes = [32, 128], strides = [1, 1]} : vector<32x12800xi32> to vector<32x128xi32>
    %gt3A_305 = arith.cmpf ogt, %slice3A_303, %select_n3A_301 : vector<32x128xf32>
    %select_n3A_306 = arith.select %gt3A_305, %slice3A_303, %select_n3A_301 : vector<32x128xi1>, vector<32x128xf32>
    %select_n3A_307 = arith.select %gt3A_305, %slice3A_304, %select_n3A_302 : vector<32x128xi1>, vector<32x128xi32>
    %slice3A_308 = vector.extract_strided_slice %select_n3A {offsets = [0, 7552], sizes = [32, 128], strides = [1, 1]} : vector<32x12800xf32> to vector<32x128xf32>
    %slice3A_309 = vector.extract_strided_slice %add3A_4 {offsets = [0, 7552], sizes = [32, 128], strides = [1, 1]} : vector<32x12800xi32> to vector<32x128xi32>
    %gt3A_310 = arith.cmpf ogt, %slice3A_308, %select_n3A_306 : vector<32x128xf32>
    %select_n3A_311 = arith.select %gt3A_310, %slice3A_308, %select_n3A_306 : vector<32x128xi1>, vector<32x128xf32>
    %select_n3A_312 = arith.select %gt3A_310, %slice3A_309, %select_n3A_307 : vector<32x128xi1>, vector<32x128xi32>
    %slice3A_313 = vector.extract_strided_slice %select_n3A {offsets = [0, 7680], sizes = [32, 128], strides = [1, 1]} : vector<32x12800xf32> to vector<32x128xf32>
    %slice3A_314 = vector.extract_strided_slice %add3A_4 {offsets = [0, 7680], sizes = [32, 128], strides = [1, 1]} : vector<32x12800xi32> to vector<32x128xi32>
    %gt3A_315 = arith.cmpf ogt, %slice3A_313, %select_n3A_311 : vector<32x128xf32>
    %select_n3A_316 = arith.select %gt3A_315, %slice3A_313, %select_n3A_311 : vector<32x128xi1>, vector<32x128xf32>
    %select_n3A_317 = arith.select %gt3A_315, %slice3A_314, %select_n3A_312 : vector<32x128xi1>, vector<32x128xi32>
    %slice3A_318 = vector.extract_strided_slice %select_n3A {offsets = [0, 7808], sizes = [32, 128], strides = [1, 1]} : vector<32x12800xf32> to vector<32x128xf32>
    %slice3A_319 = vector.extract_strided_slice %add3A_4 {offsets = [0, 7808], sizes = [32, 128], strides = [1, 1]} : vector<32x12800xi32> to vector<32x128xi32>
    %gt3A_320 = arith.cmpf ogt, %slice3A_318, %select_n3A_316 : vector<32x128xf32>
    %select_n3A_321 = arith.select %gt3A_320, %slice3A_318, %select_n3A_316 : vector<32x128xi1>, vector<32x128xf32>
    %select_n3A_322 = arith.select %gt3A_320, %slice3A_319, %select_n3A_317 : vector<32x128xi1>, vector<32x128xi32>
    %slice3A_323 = vector.extract_strided_slice %select_n3A {offsets = [0, 7936], sizes = [32, 128], strides = [1, 1]} : vector<32x12800xf32> to vector<32x128xf32>
    %slice3A_324 = vector.extract_strided_slice %add3A_4 {offsets = [0, 7936], sizes = [32, 128], strides = [1, 1]} : vector<32x12800xi32> to vector<32x128xi32>
    %gt3A_325 = arith.cmpf ogt, %slice3A_323, %select_n3A_321 : vector<32x128xf32>
    %select_n3A_326 = arith.select %gt3A_325, %slice3A_323, %select_n3A_321 : vector<32x128xi1>, vector<32x128xf32>
    %select_n3A_327 = arith.select %gt3A_325, %slice3A_324, %select_n3A_322 : vector<32x128xi1>, vector<32x128xi32>
    %slice3A_328 = vector.extract_strided_slice %select_n3A {offsets = [0, 8064], sizes = [32, 128], strides = [1, 1]} : vector<32x12800xf32> to vector<32x128xf32>
    %slice3A_329 = vector.extract_strided_slice %add3A_4 {offsets = [0, 8064], sizes = [32, 128], strides = [1, 1]} : vector<32x12800xi32> to vector<32x128xi32>
    %gt3A_330 = arith.cmpf ogt, %slice3A_328, %select_n3A_326 : vector<32x128xf32>
    %select_n3A_331 = arith.select %gt3A_330, %slice3A_328, %select_n3A_326 : vector<32x128xi1>, vector<32x128xf32>
    %select_n3A_332 = arith.select %gt3A_330, %slice3A_329, %select_n3A_327 : vector<32x128xi1>, vector<32x128xi32>
    %slice3A_333 = vector.extract_strided_slice %select_n3A {offsets = [0, 8192], sizes = [32, 128], strides = [1, 1]} : vector<32x12800xf32> to vector<32x128xf32>
    %slice3A_334 = vector.extract_strided_slice %add3A_4 {offsets = [0, 8192], sizes = [32, 128], strides = [1, 1]} : vector<32x12800xi32> to vector<32x128xi32>
    %gt3A_335 = arith.cmpf ogt, %slice3A_333, %select_n3A_331 : vector<32x128xf32>
    %select_n3A_336 = arith.select %gt3A_335, %slice3A_333, %select_n3A_331 : vector<32x128xi1>, vector<32x128xf32>
    %select_n3A_337 = arith.select %gt3A_335, %slice3A_334, %select_n3A_332 : vector<32x128xi1>, vector<32x128xi32>
    %slice3A_338 = vector.extract_strided_slice %select_n3A {offsets = [0, 8320], sizes = [32, 128], strides = [1, 1]} : vector<32x12800xf32> to vector<32x128xf32>
    %slice3A_339 = vector.extract_strided_slice %add3A_4 {offsets = [0, 8320], sizes = [32, 128], strides = [1, 1]} : vector<32x12800xi32> to vector<32x128xi32>
    %gt3A_340 = arith.cmpf ogt, %slice3A_338, %select_n3A_336 : vector<32x128xf32>
    %select_n3A_341 = arith.select %gt3A_340, %slice3A_338, %select_n3A_336 : vector<32x128xi1>, vector<32x128xf32>
    %select_n3A_342 = arith.select %gt3A_340, %slice3A_339, %select_n3A_337 : vector<32x128xi1>, vector<32x128xi32>
    %slice3A_343 = vector.extract_strided_slice %select_n3A {offsets = [0, 8448], sizes = [32, 128], strides = [1, 1]} : vector<32x12800xf32> to vector<32x128xf32>
    %slice3A_344 = vector.extract_strided_slice %add3A_4 {offsets = [0, 8448], sizes = [32, 128], strides = [1, 1]} : vector<32x12800xi32> to vector<32x128xi32>
    %gt3A_345 = arith.cmpf ogt, %slice3A_343, %select_n3A_341 : vector<32x128xf32>
    %select_n3A_346 = arith.select %gt3A_345, %slice3A_343, %select_n3A_341 : vector<32x128xi1>, vector<32x128xf32>
    %select_n3A_347 = arith.select %gt3A_345, %slice3A_344, %select_n3A_342 : vector<32x128xi1>, vector<32x128xi32>
    %slice3A_348 = vector.extract_strided_slice %select_n3A {offsets = [0, 8576], sizes = [32, 128], strides = [1, 1]} : vector<32x12800xf32> to vector<32x128xf32>
    %slice3A_349 = vector.extract_strided_slice %add3A_4 {offsets = [0, 8576], sizes = [32, 128], strides = [1, 1]} : vector<32x12800xi32> to vector<32x128xi32>
    %gt3A_350 = arith.cmpf ogt, %slice3A_348, %select_n3A_346 : vector<32x128xf32>
    %select_n3A_351 = arith.select %gt3A_350, %slice3A_348, %select_n3A_346 : vector<32x128xi1>, vector<32x128xf32>
    %select_n3A_352 = arith.select %gt3A_350, %slice3A_349, %select_n3A_347 : vector<32x128xi1>, vector<32x128xi32>
    %slice3A_353 = vector.extract_strided_slice %select_n3A {offsets = [0, 8704], sizes = [32, 128], strides = [1, 1]} : vector<32x12800xf32> to vector<32x128xf32>
    %slice3A_354 = vector.extract_strided_slice %add3A_4 {offsets = [0, 8704], sizes = [32, 128], strides = [1, 1]} : vector<32x12800xi32> to vector<32x128xi32>
    %gt3A_355 = arith.cmpf ogt, %slice3A_353, %select_n3A_351 : vector<32x128xf32>
    %select_n3A_356 = arith.select %gt3A_355, %slice3A_353, %select_n3A_351 : vector<32x128xi1>, vector<32x128xf32>
    %select_n3A_357 = arith.select %gt3A_355, %slice3A_354, %select_n3A_352 : vector<32x128xi1>, vector<32x128xi32>
    %slice3A_358 = vector.extract_strided_slice %select_n3A {offsets = [0, 8832], sizes = [32, 128], strides = [1, 1]} : vector<32x12800xf32> to vector<32x128xf32>
    %slice3A_359 = vector.extract_strided_slice %add3A_4 {offsets = [0, 8832], sizes = [32, 128], strides = [1, 1]} : vector<32x12800xi32> to vector<32x128xi32>
    %gt3A_360 = arith.cmpf ogt, %slice3A_358, %select_n3A_356 : vector<32x128xf32>
    %select_n3A_361 = arith.select %gt3A_360, %slice3A_358, %select_n3A_356 : vector<32x128xi1>, vector<32x128xf32>
    %select_n3A_362 = arith.select %gt3A_360, %slice3A_359, %select_n3A_357 : vector<32x128xi1>, vector<32x128xi32>
    %slice3A_363 = vector.extract_strided_slice %select_n3A {offsets = [0, 8960], sizes = [32, 128], strides = [1, 1]} : vector<32x12800xf32> to vector<32x128xf32>
    %slice3A_364 = vector.extract_strided_slice %add3A_4 {offsets = [0, 8960], sizes = [32, 128], strides = [1, 1]} : vector<32x12800xi32> to vector<32x128xi32>
    %gt3A_365 = arith.cmpf ogt, %slice3A_363, %select_n3A_361 : vector<32x128xf32>
    %select_n3A_366 = arith.select %gt3A_365, %slice3A_363, %select_n3A_361 : vector<32x128xi1>, vector<32x128xf32>
    %select_n3A_367 = arith.select %gt3A_365, %slice3A_364, %select_n3A_362 : vector<32x128xi1>, vector<32x128xi32>
    %slice3A_368 = vector.extract_strided_slice %select_n3A {offsets = [0, 9088], sizes = [32, 128], strides = [1, 1]} : vector<32x12800xf32> to vector<32x128xf32>
    %slice3A_369 = vector.extract_strided_slice %add3A_4 {offsets = [0, 9088], sizes = [32, 128], strides = [1, 1]} : vector<32x12800xi32> to vector<32x128xi32>
    %gt3A_370 = arith.cmpf ogt, %slice3A_368, %select_n3A_366 : vector<32x128xf32>
    %select_n3A_371 = arith.select %gt3A_370, %slice3A_368, %select_n3A_366 : vector<32x128xi1>, vector<32x128xf32>
    %select_n3A_372 = arith.select %gt3A_370, %slice3A_369, %select_n3A_367 : vector<32x128xi1>, vector<32x128xi32>
    %slice3A_373 = vector.extract_strided_slice %select_n3A {offsets = [0, 9216], sizes = [32, 128], strides = [1, 1]} : vector<32x12800xf32> to vector<32x128xf32>
    %slice3A_374 = vector.extract_strided_slice %add3A_4 {offsets = [0, 9216], sizes = [32, 128], strides = [1, 1]} : vector<32x12800xi32> to vector<32x128xi32>
    %gt3A_375 = arith.cmpf ogt, %slice3A_373, %select_n3A_371 : vector<32x128xf32>
    %select_n3A_376 = arith.select %gt3A_375, %slice3A_373, %select_n3A_371 : vector<32x128xi1>, vector<32x128xf32>
    %select_n3A_377 = arith.select %gt3A_375, %slice3A_374, %select_n3A_372 : vector<32x128xi1>, vector<32x128xi32>
    %slice3A_378 = vector.extract_strided_slice %select_n3A {offsets = [0, 9344], sizes = [32, 128], strides = [1, 1]} : vector<32x12800xf32> to vector<32x128xf32>
    %slice3A_379 = vector.extract_strided_slice %add3A_4 {offsets = [0, 9344], sizes = [32, 128], strides = [1, 1]} : vector<32x12800xi32> to vector<32x128xi32>
    %gt3A_380 = arith.cmpf ogt, %slice3A_378, %select_n3A_376 : vector<32x128xf32>
    %select_n3A_381 = arith.select %gt3A_380, %slice3A_378, %select_n3A_376 : vector<32x128xi1>, vector<32x128xf32>
    %select_n3A_382 = arith.select %gt3A_380, %slice3A_379, %select_n3A_377 : vector<32x128xi1>, vector<32x128xi32>
    %slice3A_383 = vector.extract_strided_slice %select_n3A {offsets = [0, 9472], sizes = [32, 128], strides = [1, 1]} : vector<32x12800xf32> to vector<32x128xf32>
    %slice3A_384 = vector.extract_strided_slice %add3A_4 {offsets = [0, 9472], sizes = [32, 128], strides = [1, 1]} : vector<32x12800xi32> to vector<32x128xi32>
    %gt3A_385 = arith.cmpf ogt, %slice3A_383, %select_n3A_381 : vector<32x128xf32>
    %select_n3A_386 = arith.select %gt3A_385, %slice3A_383, %select_n3A_381 : vector<32x128xi1>, vector<32x128xf32>
    %select_n3A_387 = arith.select %gt3A_385, %slice3A_384, %select_n3A_382 : vector<32x128xi1>, vector<32x128xi32>
    %slice3A_388 = vector.extract_strided_slice %select_n3A {offsets = [0, 9600], sizes = [32, 128], strides = [1, 1]} : vector<32x12800xf32> to vector<32x128xf32>
    %slice3A_389 = vector.extract_strided_slice %add3A_4 {offsets = [0, 9600], sizes = [32, 128], strides = [1, 1]} : vector<32x12800xi32> to vector<32x128xi32>
    %gt3A_390 = arith.cmpf ogt, %slice3A_388, %select_n3A_386 : vector<32x128xf32>
    %select_n3A_391 = arith.select %gt3A_390, %slice3A_388, %select_n3A_386 : vector<32x128xi1>, vector<32x128xf32>
    %select_n3A_392 = arith.select %gt3A_390, %slice3A_389, %select_n3A_387 : vector<32x128xi1>, vector<32x128xi32>
    %slice3A_393 = vector.extract_strided_slice %select_n3A {offsets = [0, 9728], sizes = [32, 128], strides = [1, 1]} : vector<32x12800xf32> to vector<32x128xf32>
    %slice3A_394 = vector.extract_strided_slice %add3A_4 {offsets = [0, 9728], sizes = [32, 128], strides = [1, 1]} : vector<32x12800xi32> to vector<32x128xi32>
    %gt3A_395 = arith.cmpf ogt, %slice3A_393, %select_n3A_391 : vector<32x128xf32>
    %select_n3A_396 = arith.select %gt3A_395, %slice3A_393, %select_n3A_391 : vector<32x128xi1>, vector<32x128xf32>
    %select_n3A_397 = arith.select %gt3A_395, %slice3A_394, %select_n3A_392 : vector<32x128xi1>, vector<32x128xi32>
    %slice3A_398 = vector.extract_strided_slice %select_n3A {offsets = [0, 9856], sizes = [32, 128], strides = [1, 1]} : vector<32x12800xf32> to vector<32x128xf32>
    %slice3A_399 = vector.extract_strided_slice %add3A_4 {offsets = [0, 9856], sizes = [32, 128], strides = [1, 1]} : vector<32x12800xi32> to vector<32x128xi32>
    %gt3A_400 = arith.cmpf ogt, %slice3A_398, %select_n3A_396 : vector<32x128xf32>
    %select_n3A_401 = arith.select %gt3A_400, %slice3A_398, %select_n3A_396 : vector<32x128xi1>, vector<32x128xf32>
    %select_n3A_402 = arith.select %gt3A_400, %slice3A_399, %select_n3A_397 : vector<32x128xi1>, vector<32x128xi32>
    %slice3A_403 = vector.extract_strided_slice %select_n3A {offsets = [0, 9984], sizes = [32, 128], strides = [1, 1]} : vector<32x12800xf32> to vector<32x128xf32>
    %slice3A_404 = vector.extract_strided_slice %add3A_4 {offsets = [0, 9984], sizes = [32, 128], strides = [1, 1]} : vector<32x12800xi32> to vector<32x128xi32>
    %gt3A_405 = arith.cmpf ogt, %slice3A_403, %select_n3A_401 : vector<32x128xf32>
    %select_n3A_406 = arith.select %gt3A_405, %slice3A_403, %select_n3A_401 : vector<32x128xi1>, vector<32x128xf32>
    %select_n3A_407 = arith.select %gt3A_405, %slice3A_404, %select_n3A_402 : vector<32x128xi1>, vector<32x128xi32>
    %slice3A_408 = vector.extract_strided_slice %select_n3A {offsets = [0, 10112], sizes = [32, 128], strides = [1, 1]} : vector<32x12800xf32> to vector<32x128xf32>
    %slice3A_409 = vector.extract_strided_slice %add3A_4 {offsets = [0, 10112], sizes = [32, 128], strides = [1, 1]} : vector<32x12800xi32> to vector<32x128xi32>
    %gt3A_410 = arith.cmpf ogt, %slice3A_408, %select_n3A_406 : vector<32x128xf32>
    %select_n3A_411 = arith.select %gt3A_410, %slice3A_408, %select_n3A_406 : vector<32x128xi1>, vector<32x128xf32>
    %select_n3A_412 = arith.select %gt3A_410, %slice3A_409, %select_n3A_407 : vector<32x128xi1>, vector<32x128xi32>
    %slice3A_413 = vector.extract_strided_slice %select_n3A {offsets = [0, 10240], sizes = [32, 128], strides = [1, 1]} : vector<32x12800xf32> to vector<32x128xf32>
    %slice3A_414 = vector.extract_strided_slice %add3A_4 {offsets = [0, 10240], sizes = [32, 128], strides = [1, 1]} : vector<32x12800xi32> to vector<32x128xi32>
    %gt3A_415 = arith.cmpf ogt, %slice3A_413, %select_n3A_411 : vector<32x128xf32>
    %select_n3A_416 = arith.select %gt3A_415, %slice3A_413, %select_n3A_411 : vector<32x128xi1>, vector<32x128xf32>
    %select_n3A_417 = arith.select %gt3A_415, %slice3A_414, %select_n3A_412 : vector<32x128xi1>, vector<32x128xi32>
    %slice3A_418 = vector.extract_strided_slice %select_n3A {offsets = [0, 10368], sizes = [32, 128], strides = [1, 1]} : vector<32x12800xf32> to vector<32x128xf32>
    %slice3A_419 = vector.extract_strided_slice %add3A_4 {offsets = [0, 10368], sizes = [32, 128], strides = [1, 1]} : vector<32x12800xi32> to vector<32x128xi32>
    %gt3A_420 = arith.cmpf ogt, %slice3A_418, %select_n3A_416 : vector<32x128xf32>
    %select_n3A_421 = arith.select %gt3A_420, %slice3A_418, %select_n3A_416 : vector<32x128xi1>, vector<32x128xf32>
    %select_n3A_422 = arith.select %gt3A_420, %slice3A_419, %select_n3A_417 : vector<32x128xi1>, vector<32x128xi32>
    %slice3A_423 = vector.extract_strided_slice %select_n3A {offsets = [0, 10496], sizes = [32, 128], strides = [1, 1]} : vector<32x12800xf32> to vector<32x128xf32>
    %slice3A_424 = vector.extract_strided_slice %add3A_4 {offsets = [0, 10496], sizes = [32, 128], strides = [1, 1]} : vector<32x12800xi32> to vector<32x128xi32>
    %gt3A_425 = arith.cmpf ogt, %slice3A_423, %select_n3A_421 : vector<32x128xf32>
    %select_n3A_426 = arith.select %gt3A_425, %slice3A_423, %select_n3A_421 : vector<32x128xi1>, vector<32x128xf32>
    %select_n3A_427 = arith.select %gt3A_425, %slice3A_424, %select_n3A_422 : vector<32x128xi1>, vector<32x128xi32>
    %slice3A_428 = vector.extract_strided_slice %select_n3A {offsets = [0, 10624], sizes = [32, 128], strides = [1, 1]} : vector<32x12800xf32> to vector<32x128xf32>
    %slice3A_429 = vector.extract_strided_slice %add3A_4 {offsets = [0, 10624], sizes = [32, 128], strides = [1, 1]} : vector<32x12800xi32> to vector<32x128xi32>
    %gt3A_430 = arith.cmpf ogt, %slice3A_428, %select_n3A_426 : vector<32x128xf32>
    %select_n3A_431 = arith.select %gt3A_430, %slice3A_428, %select_n3A_426 : vector<32x128xi1>, vector<32x128xf32>
    %select_n3A_432 = arith.select %gt3A_430, %slice3A_429, %select_n3A_427 : vector<32x128xi1>, vector<32x128xi32>
    %slice3A_433 = vector.extract_strided_slice %select_n3A {offsets = [0, 10752], sizes = [32, 128], strides = [1, 1]} : vector<32x12800xf32> to vector<32x128xf32>
    %slice3A_434 = vector.extract_strided_slice %add3A_4 {offsets = [0, 10752], sizes = [32, 128], strides = [1, 1]} : vector<32x12800xi32> to vector<32x128xi32>
    %gt3A_435 = arith.cmpf ogt, %slice3A_433, %select_n3A_431 : vector<32x128xf32>
    %select_n3A_436 = arith.select %gt3A_435, %slice3A_433, %select_n3A_431 : vector<32x128xi1>, vector<32x128xf32>
    %select_n3A_437 = arith.select %gt3A_435, %slice3A_434, %select_n3A_432 : vector<32x128xi1>, vector<32x128xi32>
    %slice3A_438 = vector.extract_strided_slice %select_n3A {offsets = [0, 10880], sizes = [32, 128], strides = [1, 1]} : vector<32x12800xf32> to vector<32x128xf32>
    %slice3A_439 = vector.extract_strided_slice %add3A_4 {offsets = [0, 10880], sizes = [32, 128], strides = [1, 1]} : vector<32x12800xi32> to vector<32x128xi32>
    %gt3A_440 = arith.cmpf ogt, %slice3A_438, %select_n3A_436 : vector<32x128xf32>
    %select_n3A_441 = arith.select %gt3A_440, %slice3A_438, %select_n3A_436 : vector<32x128xi1>, vector<32x128xf32>
    %select_n3A_442 = arith.select %gt3A_440, %slice3A_439, %select_n3A_437 : vector<32x128xi1>, vector<32x128xi32>
    %slice3A_443 = vector.extract_strided_slice %select_n3A {offsets = [0, 11008], sizes = [32, 128], strides = [1, 1]} : vector<32x12800xf32> to vector<32x128xf32>
    %slice3A_444 = vector.extract_strided_slice %add3A_4 {offsets = [0, 11008], sizes = [32, 128], strides = [1, 1]} : vector<32x12800xi32> to vector<32x128xi32>
    %gt3A_445 = arith.cmpf ogt, %slice3A_443, %select_n3A_441 : vector<32x128xf32>
    %select_n3A_446 = arith.select %gt3A_445, %slice3A_443, %select_n3A_441 : vector<32x128xi1>, vector<32x128xf32>
    %select_n3A_447 = arith.select %gt3A_445, %slice3A_444, %select_n3A_442 : vector<32x128xi1>, vector<32x128xi32>
    %slice3A_448 = vector.extract_strided_slice %select_n3A {offsets = [0, 11136], sizes = [32, 128], strides = [1, 1]} : vector<32x12800xf32> to vector<32x128xf32>
    %slice3A_449 = vector.extract_strided_slice %add3A_4 {offsets = [0, 11136], sizes = [32, 128], strides = [1, 1]} : vector<32x12800xi32> to vector<32x128xi32>
    %gt3A_450 = arith.cmpf ogt, %slice3A_448, %select_n3A_446 : vector<32x128xf32>
    %select_n3A_451 = arith.select %gt3A_450, %slice3A_448, %select_n3A_446 : vector<32x128xi1>, vector<32x128xf32>
    %select_n3A_452 = arith.select %gt3A_450, %slice3A_449, %select_n3A_447 : vector<32x128xi1>, vector<32x128xi32>
    %slice3A_453 = vector.extract_strided_slice %select_n3A {offsets = [0, 11264], sizes = [32, 128], strides = [1, 1]} : vector<32x12800xf32> to vector<32x128xf32>
    %slice3A_454 = vector.extract_strided_slice %add3A_4 {offsets = [0, 11264], sizes = [32, 128], strides = [1, 1]} : vector<32x12800xi32> to vector<32x128xi32>
    %gt3A_455 = arith.cmpf ogt, %slice3A_453, %select_n3A_451 : vector<32x128xf32>
    %select_n3A_456 = arith.select %gt3A_455, %slice3A_453, %select_n3A_451 : vector<32x128xi1>, vector<32x128xf32>
    %select_n3A_457 = arith.select %gt3A_455, %slice3A_454, %select_n3A_452 : vector<32x128xi1>, vector<32x128xi32>
    %slice3A_458 = vector.extract_strided_slice %select_n3A {offsets = [0, 11392], sizes = [32, 128], strides = [1, 1]} : vector<32x12800xf32> to vector<32x128xf32>
    %slice3A_459 = vector.extract_strided_slice %add3A_4 {offsets = [0, 11392], sizes = [32, 128], strides = [1, 1]} : vector<32x12800xi32> to vector<32x128xi32>
    %gt3A_460 = arith.cmpf ogt, %slice3A_458, %select_n3A_456 : vector<32x128xf32>
    %select_n3A_461 = arith.select %gt3A_460, %slice3A_458, %select_n3A_456 : vector<32x128xi1>, vector<32x128xf32>
    %select_n3A_462 = arith.select %gt3A_460, %slice3A_459, %select_n3A_457 : vector<32x128xi1>, vector<32x128xi32>
    %slice3A_463 = vector.extract_strided_slice %select_n3A {offsets = [0, 11520], sizes = [32, 128], strides = [1, 1]} : vector<32x12800xf32> to vector<32x128xf32>
    %slice3A_464 = vector.extract_strided_slice %add3A_4 {offsets = [0, 11520], sizes = [32, 128], strides = [1, 1]} : vector<32x12800xi32> to vector<32x128xi32>
    %gt3A_465 = arith.cmpf ogt, %slice3A_463, %select_n3A_461 : vector<32x128xf32>
    %select_n3A_466 = arith.select %gt3A_465, %slice3A_463, %select_n3A_461 : vector<32x128xi1>, vector<32x128xf32>
    %select_n3A_467 = arith.select %gt3A_465, %slice3A_464, %select_n3A_462 : vector<32x128xi1>, vector<32x128xi32>
    %slice3A_468 = vector.extract_strided_slice %select_n3A {offsets = [0, 11648], sizes = [32, 128], strides = [1, 1]} : vector<32x12800xf32> to vector<32x128xf32>
    %slice3A_469 = vector.extract_strided_slice %add3A_4 {offsets = [0, 11648], sizes = [32, 128], strides = [1, 1]} : vector<32x12800xi32> to vector<32x128xi32>
    %gt3A_470 = arith.cmpf ogt, %slice3A_468, %select_n3A_466 : vector<32x128xf32>
    %select_n3A_471 = arith.select %gt3A_470, %slice3A_468, %select_n3A_466 : vector<32x128xi1>, vector<32x128xf32>
    %select_n3A_472 = arith.select %gt3A_470, %slice3A_469, %select_n3A_467 : vector<32x128xi1>, vector<32x128xi32>
    %slice3A_473 = vector.extract_strided_slice %select_n3A {offsets = [0, 11776], sizes = [32, 128], strides = [1, 1]} : vector<32x12800xf32> to vector<32x128xf32>
    %slice3A_474 = vector.extract_strided_slice %add3A_4 {offsets = [0, 11776], sizes = [32, 128], strides = [1, 1]} : vector<32x12800xi32> to vector<32x128xi32>
    %gt3A_475 = arith.cmpf ogt, %slice3A_473, %select_n3A_471 : vector<32x128xf32>
    %select_n3A_476 = arith.select %gt3A_475, %slice3A_473, %select_n3A_471 : vector<32x128xi1>, vector<32x128xf32>
    %select_n3A_477 = arith.select %gt3A_475, %slice3A_474, %select_n3A_472 : vector<32x128xi1>, vector<32x128xi32>
    %slice3A_478 = vector.extract_strided_slice %select_n3A {offsets = [0, 11904], sizes = [32, 128], strides = [1, 1]} : vector<32x12800xf32> to vector<32x128xf32>
    %slice3A_479 = vector.extract_strided_slice %add3A_4 {offsets = [0, 11904], sizes = [32, 128], strides = [1, 1]} : vector<32x12800xi32> to vector<32x128xi32>
    %gt3A_480 = arith.cmpf ogt, %slice3A_478, %select_n3A_476 : vector<32x128xf32>
    %select_n3A_481 = arith.select %gt3A_480, %slice3A_478, %select_n3A_476 : vector<32x128xi1>, vector<32x128xf32>
    %select_n3A_482 = arith.select %gt3A_480, %slice3A_479, %select_n3A_477 : vector<32x128xi1>, vector<32x128xi32>
    %slice3A_483 = vector.extract_strided_slice %select_n3A {offsets = [0, 12032], sizes = [32, 128], strides = [1, 1]} : vector<32x12800xf32> to vector<32x128xf32>
    %slice3A_484 = vector.extract_strided_slice %add3A_4 {offsets = [0, 12032], sizes = [32, 128], strides = [1, 1]} : vector<32x12800xi32> to vector<32x128xi32>
    %gt3A_485 = arith.cmpf ogt, %slice3A_483, %select_n3A_481 : vector<32x128xf32>
    %select_n3A_486 = arith.select %gt3A_485, %slice3A_483, %select_n3A_481 : vector<32x128xi1>, vector<32x128xf32>
    %select_n3A_487 = arith.select %gt3A_485, %slice3A_484, %select_n3A_482 : vector<32x128xi1>, vector<32x128xi32>
    %slice3A_488 = vector.extract_strided_slice %select_n3A {offsets = [0, 12160], sizes = [32, 128], strides = [1, 1]} : vector<32x12800xf32> to vector<32x128xf32>
    %slice3A_489 = vector.extract_strided_slice %add3A_4 {offsets = [0, 12160], sizes = [32, 128], strides = [1, 1]} : vector<32x12800xi32> to vector<32x128xi32>
    %gt3A_490 = arith.cmpf ogt, %slice3A_488, %select_n3A_486 : vector<32x128xf32>
    %select_n3A_491 = arith.select %gt3A_490, %slice3A_488, %select_n3A_486 : vector<32x128xi1>, vector<32x128xf32>
    %select_n3A_492 = arith.select %gt3A_490, %slice3A_489, %select_n3A_487 : vector<32x128xi1>, vector<32x128xi32>
    %slice3A_493 = vector.extract_strided_slice %select_n3A {offsets = [0, 12288], sizes = [32, 128], strides = [1, 1]} : vector<32x12800xf32> to vector<32x128xf32>
    %slice3A_494 = vector.extract_strided_slice %add3A_4 {offsets = [0, 12288], sizes = [32, 128], strides = [1, 1]} : vector<32x12800xi32> to vector<32x128xi32>
    %gt3A_495 = arith.cmpf ogt, %slice3A_493, %select_n3A_491 : vector<32x128xf32>
    %select_n3A_496 = arith.select %gt3A_495, %slice3A_493, %select_n3A_491 : vector<32x128xi1>, vector<32x128xf32>
    %select_n3A_497 = arith.select %gt3A_495, %slice3A_494, %select_n3A_492 : vector<32x128xi1>, vector<32x128xi32>
    %slice3A_498 = vector.extract_strided_slice %select_n3A {offsets = [0, 12416], sizes = [32, 128], strides = [1, 1]} : vector<32x12800xf32> to vector<32x128xf32>
    %slice3A_499 = vector.extract_strided_slice %add3A_4 {offsets = [0, 12416], sizes = [32, 128], strides = [1, 1]} : vector<32x12800xi32> to vector<32x128xi32>
    %gt3A_500 = arith.cmpf ogt, %slice3A_498, %select_n3A_496 : vector<32x128xf32>
    %select_n3A_501 = arith.select %gt3A_500, %slice3A_498, %select_n3A_496 : vector<32x128xi1>, vector<32x128xf32>
    %select_n3A_502 = arith.select %gt3A_500, %slice3A_499, %select_n3A_497 : vector<32x128xi1>, vector<32x128xi32>
    %slice3A_503 = vector.extract_strided_slice %select_n3A {offsets = [0, 12544], sizes = [32, 128], strides = [1, 1]} : vector<32x12800xf32> to vector<32x128xf32>
    %slice3A_504 = vector.extract_strided_slice %add3A_4 {offsets = [0, 12544], sizes = [32, 128], strides = [1, 1]} : vector<32x12800xi32> to vector<32x128xi32>
    %gt3A_505 = arith.cmpf ogt, %slice3A_503, %select_n3A_501 : vector<32x128xf32>
    %select_n3A_506 = arith.select %gt3A_505, %slice3A_503, %select_n3A_501 : vector<32x128xi1>, vector<32x128xf32>
    %select_n3A_507 = arith.select %gt3A_505, %slice3A_504, %select_n3A_502 : vector<32x128xi1>, vector<32x128xi32>
    %slice3A_508 = vector.extract_strided_slice %select_n3A {offsets = [0, 12672], sizes = [32, 128], strides = [1, 1]} : vector<32x12800xf32> to vector<32x128xf32>
    %slice3A_509 = vector.extract_strided_slice %add3A_4 {offsets = [0, 12672], sizes = [32, 128], strides = [1, 1]} : vector<32x12800xi32> to vector<32x128xi32>
    %gt3A_510 = arith.cmpf ogt, %slice3A_508, %select_n3A_506 : vector<32x128xf32>
    %select_n3A_511 = arith.select %gt3A_510, %slice3A_508, %select_n3A_506 : vector<32x128xi1>, vector<32x128xf32>
    %select_n3A_512 = arith.select %gt3A_510, %slice3A_509, %select_n3A_507 : vector<32x128xi1>, vector<32x128xi32>
    %swap3A = arith.constant 0 : index
    %swap3A_513 = arith.constant 0 : index
    %swap3A_514 = vector.load %arg3[%swap3A, %swap3A_513] : memref<32x128xf32, #tpu.memory_space<vmem>>, vector<32x128xf32>
    tpu.vector_store %arg3[%swap3A, %swap3A_513], %select_n3A_511 {strides = array<i32>} : memref<32x128xf32, #tpu.memory_space<vmem>>, vector<32x128xf32>,
    %swap3A_515 = arith.constant 0 : index
    %swap3A_516 = arith.constant 0 : index
    %swap3A_517 = vector.load %arg4[%swap3A_515, %swap3A_516] : memref<32x128xi32, #tpu.memory_space<vmem>>, vector<32x128xi32>
    tpu.vector_store %arg4[%swap3A_515, %swap3A_516], %select_n3A_512 {strides = array<i32>} : memref<32x128xi32, #tpu.memory_space<vmem>>, vector<32x128xi32>,
    %eq3A_518 = arith.constant 7 : i32
    %eq3A_519 = arith.cmpi eq, %arg0, %eq3A_518 : i32
    %convert_element_type3A_520 = arith.extui %eq3A_519 : i1 to i32
    %cond3A_521 = arith.constant 0 : i32
    %cond3A_522 = arith.cmpi ne, %convert_element_type3A_520, %cond3A_521 : i32
    scf.if %cond3A_522 {
      %reduce_max3A = arith.constant dense<0xFF800000> : vector<32xf32>
      %reduce_max3A_523 = vector.multi_reduction <maximumf>, %select_n3A_511, %reduce_max3A [1] : vector<32x128xf32> to vector<32xf32>
      %broadcast_in_dim3A_524 = vector.shape_cast %reduce_max3A_523 : vector<32xf32> to vector<32x1xf32>
      %eq3A_525 = vector.broadcast %broadcast_in_dim3A_524 : vector<32x1xf32> to vector<32x128xf32>
      %eq3A_526 = arith.cmpf oeq, %select_n3A_511, %eq3A_525 : vector<32x128xf32>
      %jit3A_527 = arith.constant 1073741824 : i32
      %broadcast_in_dim3A_528 = vector.broadcast %jit3A_527 : i32 to vector<32x128xi32>
      %select_n3A_529 = arith.select %eq3A_526, %select_n3A_512, %broadcast_in_dim3A_528 : vector<32x128xi1>, vector<32x128xi32>
      %reduce_min3A = arith.constant dense<2147483647> : vector<32xi32>
      %reduce_min3A_530 = vector.multi_reduction <minsi>, %select_n3A_529, %reduce_min3A [1] : vector<32x128xi32> to vector<32xi32>
      %broadcast_in_dim3A_531 = vector.shape_cast %reduce_min3A_530 : vector<32xi32> to vector<32x1xi32>
      %broadcast_in_dim3A_532 = vector.shape_cast %broadcast_in_dim3A_531 : vector<32x1xi32> to vector<32x1xi32>
      %broadcast_in_dim3A_533 = vector.broadcast %broadcast_in_dim3A_532 : vector<32x1xi32> to vector<32x128xi32>
      %swap3A_534 = arith.constant 0 : index
      %swap3A_535 = arith.constant 0 : index
      %swap3A_536 = vector.load %arg2[%swap3A_534, %swap3A_535] : memref<32x128xi32, #tpu.memory_space<vmem>>, vector<32x128xi32>
      tpu.vector_store %arg2[%swap3A_534, %swap3A_535], %broadcast_in_dim3A_533 {strides = array<i32>} : memref<32x128xi32, #tpu.memory_space<vmem>>, vector<32x128xi32>,
    } else {
    }
    return
  }
  func.func @transform_0(%arg0: i32) -> (i32, i32, i32) {
    %c1_i32 = arith.constant 1 : i32
    %c0_i32 = arith.constant 0 : i32
    %c0_i32_0 = arith.constant 0 : i32
    return %c1_i32, %c0_i32, %arg0 : i32, i32, i32
  }
  func.func @transform_1(%arg0: i32) -> (i32, i32) {
    %c0_i32 = arith.constant 0 : i32
    %c0_i32_0 = arith.constant 0 : i32
    %c0_i32_1 = arith.constant 0 : i32
    return %c0_i32, %c0_i32_0 : i32, i32
  }
}

</mosaic_0001>

<sc_bundles>
// kernel: kernel.5.cloned.1.call-start
scs
__scs_entry_jumppad:
0x0: {  	(pc) =	sbr.rel $0x88, $3  }
0x1: {  	(tag) =	ssettag $0x0;
	lr =	simm.s32 $0x1  }
0x2: {  	[smem:$0x3F9D] =	sst lr;
	_ =	strace $0xD0000000  }
0x3: {  	_ = 	snop  }
0x4: {  	_ = 	snop  }
0x5: {  	_ = 	snop  }
0x6: {  	_ = 	snop  }
0x7: {  	_ = 	snop  }
__scs_overlays_trampoline_lowered:
0x8: {  	[smem:$0x3FAC] =	sst s0  }
0x9: {  	[smem:$0x3FAD] =	sst s1  }
0xa: {  	[smem:$0x3FAE] =	sst s2  }
0xb: {  	[smem:$0x3FAF] =	sst s3  }
0xc: {  	[smem:$0x3FB0] =	sst s4  }
0xd: {  	[smem:$0x3FB1] =	sst s5  }
0xe: {  	[smem:$0x3FB2] =	sst s6  }
0xf: {  	[smem:$0x3FB3] =	sst s7  }
0x10: {  	[smem:$0x3FB4] =	sst s8  }
0x11: {  	[smem:$0x3FB5] =	sst s9;
	s0 =	simm.s32 @!p0 $0x0  }
0x12: {  	s1 =	sld [smem:$0x3F9B];
	s0 =	simm.s32 @p0 $0x1  }
0x13: {  	[smem:$0x3FB6] =	sst s0;
	s0 =	simm.s32 @!p1 $0x0  }
0x14: {  	s2 =	sld [smem:$0x3F9A];
	s0 =	simm.s32 @p1 $0x1  }
0x15: {  	[smem:$0x3FB7] =	sst s0;
	s0 =	simm.s32 @!p2 $0x0  }
0x16: {  	s3 =	sld [smem:$0x3FDB];
	s0 =	simm.s32 @p2 $0x1  }
0x17: {  	s4 =	simm.s32 $0x1BF5;
	[smem:$0x3FB9] =	sst s0  }
0x18: {  	s0 =	sld [smem:$0x3F9C];
	_ =	swait.ge [sflag:s4], $0x0  }
0x19: {  	s7 =	sld [smem:$0x3F9D]  }
0x1a: {  	s8 =	sadd.s32 $0xFFFFE003, lr  }
0x1b: {  	s9 =	sadd.s32 $0xFFFFFEF7, lr;
	s5 =	simm.s32 $0xFFFFFFFF;
	p2 =	slt.u32 s8, $0xFFFFF086  }
0x1c: {  	p1 =	slt.u32 s9, $0xF7A;
	s5 =	simm.s32 @!p2 $0x0  }
0x1d: {  	s5 =	simm.s32 @p1 $0x1;
	p0 =	seq.s32 s7, s2  }
0x1e: {  	s7 =	smul.u32 @!p0 $0xF7A, s2;
	p2 =	seq.s32 @!p0 s5, $0x0  }
0x1f: {  	s9 =	smul.u32 $0xF7A, s1;
	s8 =	simm.s32 @!p0 $0x1BF5;
	p2 =	por !p2, p0  }
0x20: {  	[sflag:s8] =	ssyncset.s32 @!p0 $0xFFFFF086;
	s6 =	sadd.s32 @!p0 s3, s7;
	s7 =	simm.s32 @!p0 $0x108  }
0x21: {  	s3 =	sadd.s32 s3, s9;
	s6 =	sadd.s32 @!p0 $0x88, s6;
	s7 =	simm.s32 @p2 $0x1082  }
0x22: {  	[simem:s7], [sflag:s8] =	dma.local @!p0 [hbm:s6], $0xF7A  }
0x23: {  	s9 =	sor.u32 $0xD0000000, s2;
	s6 =	simm.s32 $0x108;
	_ =	swait.ge @!p0 [sflag:s8], $0x0  }
0x24: {  	s3 =	sadd.s32 $0x88, s3;
	s6 =	simm.s32 @!p1 $0x1082;
	[sflag:s4] =	ssyncset.s32 $0xFFFFF086  }
0x25: {  	[simem:s6], [sflag:s4] =	dma.local [hbm:s3], $0xF7A  }
0x26: {  	[smem:$0x3F9D] =	sst s1;
	(tag) =	ssettag s2;
	_ =	strace s9  }
0x27: {  	s1 =	sld [smem:$0x3FAD]  }
0x28: {  	s2 =	sld [smem:$0x3FAE]  }
0x29: {  	s4 =	sld [smem:$0x3FB0]  }
0x2a: {  	p0 =	seq.s32 s5, $0x0;
	s5 =	sld [smem:$0x3FB1]  }
0x2b: {  	s6 =	sld [smem:$0x3FB2]  }
0x2c: {  	s7 =	sld [smem:$0x3FB3]  }
0x2d: {  	s3 =	simm.s32 $0x108;
	s8 =	sld [smem:$0x3FB4]  }
0x2e: {  	s3 =	simm.s32 @!p0 $0x1082;
	s9 =	sld [smem:$0x3FB5]  }
0x2f: {  	lr =	sadd.s32 s0, s3;
	s0 =	sld [smem:$0x3FAC]  }
0x30: {  	s3 =	sld [smem:$0x3FAF]  }
0x31: {  	[smem:$0x3FB8] =	sst s10  }
0x32: {  	s10 =	sld [smem:$0x3FB6];
	_ =	sdelay $0x3  }
0x33: {  	p0 =	seq.s32 s10, $0x1;
	s10 =	sld [smem:$0x3FB8];
	_ =	sdelay $0x3  }
0x34: {  	[smem:$0x3FB8] =	sst s10  }
0x35: {  	s10 =	sld [smem:$0x3FB7];
	_ =	sdelay $0x3  }
0x36: {  	p1 =	seq.s32 s10, $0x1;
	s10 =	sld [smem:$0x3FB8];
	_ =	sdelay $0x3  }
0x37: {  	[smem:$0x3FB8] =	sst s10  }
0x38: {  	s10 =	sld [smem:$0x3FB9]  }
0x39: {  	_ = 	snop;
	(pc) =	sbr.ind lr, $3  }
0x3a: {  	_ = 	snop  }
0x3b: {  	_ = 	snop  }
0x3c: {  	p2 =	seq.s32 s10, $0x1;
	s10 =	sld [smem:$0x3FB8]  }
0x3d: {  	_ =	shalt  }
0x3e: {  	_ =	shalt  }
0x3f: {  	_ =	shalt  }
0x40: {  	_ =	shalt  }
0x41: {  	_ =	shalt  }
0x42: {  	_ =	shalt  }
0x43: {  	_ =	shalt  }
0x44: {  	_ =	shalt  }
0x45: {  	_ =	shalt  }
0x46: {  	_ =	shalt  }
0x47: {  	_ =	shalt  }
0x48: {  	_ =	shalt  }
0x49: {  	_ =	shalt  }
0x4a: {  	_ =	shalt  }
0x4b: {  	_ =	shalt  }
0x4c: {  	_ =	shalt  }
0x4d: {  	_ =	shalt  }
0x4e: {  	_ =	shalt  }
0x4f: {  	_ =	shalt  }
0x50: {  	_ =	shalt  }
0x51: {  	_ =	shalt  }
0x52: {  	_ =	shalt  }
0x53: {  	_ =	shalt  }
0x54: {  	_ =	shalt  }
0x55: {  	_ =	shalt  }
0x56: {  	_ =	shalt  }
0x57: {  	_ =	shalt  }
0x58: {  	_ =	shalt  }
0x59: {  	_ =	shalt  }
0x5a: {  	_ =	shalt  }
0x5b: {  	_ =	shalt  }
0x5c: {  	_ =	shalt  }
0x5d: {  	_ =	shalt  }
0x5e: {  	_ =	shalt  }
0x5f: {  	_ =	shalt  }
0x60: {  	_ =	shalt  }
0x61: {  	_ =	shalt  }
0x62: {  	_ =	shalt  }
0x63: {  	_ =	shalt  }
0x64: {  	_ =	shalt  }
0x65: {  	_ =	shalt  }
0x66: {  	_ =	shalt  }
0x67: {  	_ =	shalt  }
0x68: {  	_ =	shalt  }
0x69: {  	_ =	shalt  }
0x6a: {  	_ =	shalt  }
0x6b: {  	_ =	shalt  }
0x6c: {  	_ =	shalt  }
0x6d: {  	_ =	shalt  }
0x6e: {  	_ =	shalt  }
0x6f: {  	_ =	shalt  }
0x70: {  	_ =	shalt  }
0x71: {  	_ =	shalt  }
0x72: {  	_ =	shalt  }
0x73: {  	_ =	shalt  }
0x74: {  	_ =	shalt  }
0x75: {  	_ =	shalt  }
0x76: {  	_ =	shalt  }
0x77: {  	_ =	shalt  }
0x78: {  	_ =	shalt  }
0x79: {  	_ =	shalt  }
0x7a: {  	_ =	shalt  }
0x7b: {  	_ =	shalt  }
0x7c: {  	_ =	shalt  }
0x7d: {  	_ =	shalt  }
0x7e: {  	_ =	shalt  }
0x7f: {  	_ =	shalt  }
0x80: {  	_ =	shalt  }
0x81: {  	_ =	shalt  }
0x82: {  	_ =	shalt  }
0x83: {  	_ =	shalt  }
0x84: {  	_ =	shalt  }
0x85: {  	_ =	shalt  }
0x86: {  	_ =	shalt  }
0x87: {  	_ =	shalt  }
.Lfunc_end0:
.L_simem_size_0:
called_computation_lowered:
.L_overlay_start_0:
0x88: {  	s2 =	sld [smem:$0x3FD9]  }
0x89: {  	s3 =	sld [smem:$0x3FFE];
	_ =	sdelay $0x1  }
0x8a: {  	s1 =	srdreg.scid  }
0x8b: {  	s0 =	sand.u32 $0x1, s1  }
0x8c: {  	s14 =	sshll.u32 s0, $0xA;
	s2 =	sadd.s32 s3, s2  }
0x8d: {  	s2 =	sadd.s32 s2, s14  }
0x8e: {  	[smem:$0x3FC4] =	sst s2  }
0x8f: {  	_ = 	snop  }
0x90: {  	s2 =	sld [smem:$0x3FD0];
	_ =	sdelay $0x2  }
0x91: {  	s4 =	simm.s32 $0xA;
	s5 =	simm.s32 $0x10;
	s15 =	sld [smem:$0x3FC9]  }
0x92: {  	[smem:s5], [sflag:s4] =	dma.local [hbm:s2], $0x1  }
0x93: {  	_ =	swait.eq [sflag:s4], $0x1  }
0x94: {  	[sflag:s4] =	ssyncset.done $0x0  }
0x95: {  	[sflag:s4] =	ssyncadd.s32 $0xFFFFFFFF  }
0x96: {  	s16 =	sld [smem:$0x10];
	(tm) =	ssettm $0x1  }
0x97: {  	s17 =	sld [smem:$0x3FFB];
	_ =	sdelay $0x3  }
0x98: {  	_ =	strace s17  }
0x99: {  	s4 =	sld [smem:$0x3FFC];
	_ =	sdelay $0x3  }
0x9a: {  	_ =	strace s4  }
0x9b: {  	s4 =	sld [smem:$0x3FFD];
	_ =	sdelay $0x3  }
0x9c: {  	_ =	strace s4  }
0x9d: {  	_ =	strace $0x8FFFFFFF  }
0x9e: {  	s18 =	sld [smem:$0x3FDB];
	_ =	sdelay $0x1  }
0x9f: {  	s19 =	simm.s32 $_scs_section_size  }
0xa0: {  	s6 =	simm.s32 $_size__tile_overlayer_lowered;
	s7 =	simm.s32 $_tile_overlayer_lowered  }
0xa1: {  	s22 =	simm.s32 $0x1BFF;
	s21 =	sshll.u32 s7, $0x1;
	s4 =	sadd.s32 s19, s18  }
0xa2: {  	s8 =	simm.s32 $0x0;
	s20 =	sshll.u32 s6, $0x1;
	s6 =	sadd.s32 s21, s4  }
0xa3: {  	[timem:s8], [sflag:s22] =	dma.local [hbm:s6], s20  }
0xa4: {  	_ =	swait.ge [sflag:s22], s20  }
0xa5: {  	s5 =	ssub.s32 $0x0, s20;
	[sflag:s22] =	ssyncset.done $0x0  }
0xa6: {  	[sflag:s22] =	ssyncadd.s32 s5;
	_ =	sdelay $0x1  }
0xa7: {  	s23 =	simm.s32 $0x1B8B  }
0xa8: {  	_ =	swait.ge [sflag:s23], $0x1  }
0xa9: {  	[sflag:s23] =	ssyncset.done $0x0  }
0xaa: {  	s25 =	simm.s32 $0x1B8E;
	s24 =	sld [smem:$0x3FFE];
	[sflag:s23] =	ssyncadd.s32 $0xFFFFFFFF  }
0xab: {  	s26 =	simm.s32 $execute0_lowered;
	[smem:$0x3FD2] =	sst s25  }
0xac: {  	s6 =	sshll.u32 s26, $0x1;
	_ =	strace $0x80000046;
	[dreg:$0x1] =	wrdreg $0xFFFFFFFF  }
0xad: {  	s28 =	simm.s32 $_size_execute0_lowered;
	s4 =	sadd.s32 s4, s6;
	[dreg:$0x0] =	wrdreg $0x0  }
0xae: {  	s6 =	sshll.u32 s28, $0x1;
	[dreg:$0x2] =	wrdreg s4  }
0xaf: {  	[dreg:$0x3] =	wrdreg s6  }
0xb0: {  	[dreg:$0x4] =	wrdreg $0xC0  }
0xb1: {  	_ =	task [dreg:s8], $0x5FFFF  }
0xb2: {  	[dreg:$0x1] =	wrdreg $0xFFFFFFFF  }
0xb3: {  	[dreg:$0x0] =	wrdreg $0x60  }
0xb4: {  	[dreg:$0x2] =	wrdreg s15  }
0xb5: {  	[dreg:$0x3] =	wrdreg s16  }
0xb6: {  	[dreg:$0x4] =	wrdreg s24  }
0xb7: {  	[dreg:$0x5] =	wrdreg $0x9  }
0xb8: {  	_ =	task.clear_ibuf [dreg:s8], $0x6FFFF;
	_ =	strace $0x90000046  }
0xb9: {  	s29 =	simm.s32 $0x9;
	_ =	strace $0x80000048  }
0xba: {  	_ =	swait.ge [sflag:s29], $0x1  }
0xbb: {  	[sflag:s29] =	ssyncadd.s32 $0xFFFFFFFF  }
0xbc: {  	_ =	strace $0x90000048  }
0xbd: {  	_ =	sfence  }
0xbe: {  	s30 =	sld [smem:$0x0];
	_ =	sdelay $0x2  }
0xbf: {  	s31 =	sshll.u32 s1, $0xD;
	s1 =	sshrl.u32 s1, $0x2  }
0xc0: {  	s3 =	sand.u32 $0x4000, s31;
	s1 =	sadd.s32 s1, s30  }
0xc1: {  	s0 =	sor.u32 s3, s0;
	s1 =	sshll.u32 s1, $0x11  }
0xc2: {  	s0 =	sor.u32 s1, s0  }
0xc3: {  	s0 =	sadd.s32 $0x8F2B, s0  }
0xc4: {  	[sflag:s0] =	ssyncadd.remote.s32 $0x1  }
0xc5: {  	_ =	sfence.sel $0xFFFF  }
0xc6: {  	[dreg:$0x0] =	wrdreg $0xFFFFFFFF;
	(pc) =	sbr.abs _section_cstart, $3  }
0xc7: {  	[dreg:$0x1] =	wrdreg $0xFFFFFFFF  }
0xc8: {  	_ =	task.clear_ibuf [dreg:s8], $0x2FFFF;
	_ =	strace $0x9FFFFFFF  }
0xc9: {  	(tm) =	ssettm $0x7FFFFFFF  }
tec
execute0_lowered:
.L_overlay_start_1:
0x0: {  	(tag) =	ssettag $0x1  }
0x1: {  	s3 =	rddreg [dreg:$0x0]  }
0x2: {  	s7 =	rddreg [dreg:$0x1]  }
0x3: {  	s1 =	srdreg.scid;
	s0 =	stileid.u32  }
0x4: {  	s4 =	rddreg [dreg:$0x2];
	s2 =	simm.s32 $0x0;
	s11 =	simm.s32 $0xC400  }
0x5: {  	s12 =	simm.s32 $0x12580;
	s13 =	simm.s32 $0x1;
	s14 =	simm.s32 $0x2  }
0x6: {  	s15 =	simm.s32 $0x3;
	s16 =	simm.s32 $0x4;
	s17 =	simm.s32 $0x18680  }
0x7: {  	s18 =	simm.s32 $0x5;
	s19 =	simm.s32 $0x18700;
	s20 =	simm.s32 $0x0  }
0x8: {  	s5 =	sand.u32 $0x1, s1;
	s6 =	sshll.u32 s0, $0x1;
	s1 =	rddreg [dreg:$0x3]  }
0x9: {  	[smem:$0x7FF] =	sst s2;
	s6 =	sor.u32 s5, s6;
	s5 =	ssub.s32 $0x2, s5  }
0xa: {  	s8 =	smul.u32 $0x18700, s6;
	s9 =	sshll.u32 s6, $0x4;
	s31 =	sshrl.u32 s5, $0x1  }
0xb: {  	_ =	strace $0x80000047;
	s30 =	sadd.s32 s9, s4;
	s10 =	ssub.s32 s5, s31  }
0xc: {  	v0 =	vlaneseq.u32;
	s7 =	sadd.s32 s7, s9;
	s29 =	sshrl.u32 s8, $0x3;
	s8 =	sadd.s32 $0x1200, s30  }
0xd: {  	v1 =	vor.u32 $0x6200, v0;
	s9 =	smax.u32 s10, $0x1;
	s10 =	simm.s32 $0x6200;
	s3 =	sadd.s32 s3, s29  }
0xe: {  	v2 =	vor.u32 $0x6210, v0;
	v3 =	vor.u32 $0x6220, v0;
	v4 =	vor.u32 $0x6230, v0;
	s4 =	sadd.s32 $0xC40, s3;
	s5 =	sadd.s32 $0x1880, s3;
	s6 =	sadd.s32 $0x24B0, s3  }
.LBB2_1:
0xf: {  	[tilespmem:s2], [sflag:$0x1] =	stream.linear.gather [hbm4b:s3+s2], $0x6200, $0x38;
	[tilespmem:$0x18780] =	vst v63  }
0x10: {  	_ = 	snop  }
0x11: {  	[tilespmem:s10], [sflag:$0x2] =	stream.linear.gather [hbm4b:s4+s2], $0x6200, $0x38;
	[tilespmem:$0x18780] =	vst v63  }
0x12: {  	_ = 	snop  }
0x13: {  	[tilespmem:s11], [sflag:$0x3] =	stream.linear.gather [hbm4b:s5+s2], $0x6180, $0x38;
	[tilespmem:$0x18780] =	vst v63  }
0x14: {  	_ = 	snop  }
0x15: {  	[tilespmem:s12], [sflag:$0x4] =	stream.linear.gather [hbm4b:s6+s2], $0x6100, $0x38;
	[tilespmem:$0x18780] =	vst v63  }
0x16: {  	_ =	swait.ge [sflag:s13], $0x6200  }
0x17: {  	[sflag:s13] =	ssyncset.done $0x0  }
0x18: {  	s21 =	simm.s32 $0x80;
	[sflag:s13] =	ssyncadd.s32 $0xFFFF9E00  }
0x19: {  	v10 =	vld [tilespmem:s21+$0xFFFFFF80]  }
0x1a: {  	v14 =	vld [tilespmem:s21+$0xFFFFFFC0]  }
0x1b: {  	v27 =	vld [tilespmem:s21+$0xFFFFFFA0]  }
0x1c: {  	v5 =	vor.u32 $0x10, v0;
	v6 =	vor.u32 $0x20, v0;
	v28 =	vld [tilespmem:s21+$0xFFFFFFB0]  }
0x1d: {  	v7 =	vor.u32 $0x30, v0;
	v20 =	vimm.f32 $-Inf;
	v9 =	vimm.s32 $0x0;
	v12 =	vld [tilespmem:s21+$0x40]  }
0x1e: {  	v16 =	vadd.s32 $0xC0, v0;
	v19 =	vadd.s32 $0x40, v0;
	v24 =	vadd.s32 $0x80, v0;
	v15 =	vld [tilespmem:s21+$0x0]  }
0x1f: {  	v8 =	vadd.s32 $0xC0, v5;
	v11 =	vadd.s32 $0xC0, v7;
	v21 =	vld [tilespmem:s21+$0x10];
	vm0 =	vgt.f32 v10, v20  }
0x20: {  	v25 =	vadd.s32 $0x40, v7;
	v22 =	vld [tilespmem:s21+$0xFFFFFFD0];
	vm1 =	vgt.f32 v27, v20;
	v17 =	vsel vm0, v10, v20  }
0x21: {  	v26 =	vld [tilespmem:s21+$0xFFFFFF90];
	vm2 =	vgt.f32 v28, v20;
	v18 =	vsel vm0, v0, v9;
	vm0 =	vgt.f32 v14, v17  }
0x22: {  	v29 =	vld [tilespmem:s21+$0xFFFFFFE0];
	v10 =	vadd.s32 $0xC0, v6;
	v14 =	vsel vm0, v14, v17;
	v23 =	vsel vm0, v19, v18  }
0x23: {  	v30 =	vld [tilespmem:s21+$0xFFFFFFF0];
	v17 =	vadd.s32 $0x80, v5;
	v18 =	vadd.s32 $0x80, v6;
	vm0 =	vgt.f32 v15, v14  }
0x24: {  	v32 =	vld [tilespmem:s21+$0x20];
	v19 =	vadd.s32 $0x80, v7;
	v14 =	vsel vm0, v15, v14;
	v31 =	vsel vm0, v24, v23  }
0x25: {  	v33 =	vld [tilespmem:s21+$0x30];
	v23 =	vadd.s32 $0x40, v5;
	v24 =	vadd.s32 $0x40, v6;
	vm0 =	vgt.f32 v12, v14  }
0x26: {  	v13 =	vld [tilespmem:s21+$0x50];
	v15 =	vsel vm0, v12, v14;
	v16 =	vsel vm0, v16, v31;
	vm0 =	vgt.f32 v26, v20  }
0x27: {  	v14 =	vld [tilespmem:s21+$0x60];
	v12 =	vsel vm0, v26, v20;
	v26 =	vsel vm1, v27, v20;
	v20 =	vsel vm2, v28, v20  }
0x28: {  	v27 =	vld [tilespmem:s21+$0x70];
	vm3 =	vgt.f32 v22, v12;
	vm4 =	vgt.f32 v29, v26;
	vm5 =	vgt.f32 v30, v20  }
0x29: {  	v12 =	vsel vm3, v22, v12;
	v22 =	vsel vm4, v29, v26;
	v20 =	vsel vm5, v30, v20  }
0x2a: {  	vm6 =	vgt.f32 v21, v12;
	vm7 =	vgt.f32 v32, v22;
	vm8 =	vgt.f32 v33, v20  }
0x2b: {  	v12 =	vsel vm6, v21, v12;
	v21 =	vsel vm7, v32, v22;
	v20 =	vsel vm8, v33, v20  }
0x2c: {  	v22 =	vimm.s32 $0x0;
	vm9 =	vgt.f32 v13, v12;
	vm10 =	vgt.f32 v14, v21  }
0x2d: {  	vm11 =	vgt.f32 v27, v20;
	v12 =	vsel vm9, v13, v12;
	v13 =	vsel vm10, v14, v21  }
0x2e: {  	s22 =	simm.s32 $0x180;
	s21 =	simm.s32 $0x0;
	v14 =	vsel vm11, v27, v20;
	v21 =	vimm.s32 $0x0;
	v20 =	vlaneseq.u32  }
.LBB2_2:
0x2f: {  	v26 =	vld [tilespmem:s22+$0x40];
	v9 =	vsel vm0, v5, v9;
	v21 =	vsel vm1, v6, v21;
	v22 =	vsel vm2, v7, v22  }
0x30: {  	v27 =	vld [tilespmem:s22+$0xFFFFFF80];
	v9 =	vsel vm3, v23, v9;
	v21 =	vsel vm4, v24, v21;
	v22 =	vsel vm5, v25, v22  }
0x31: {  	v28 =	vld [tilespmem:s22+$0x50];
	v9 =	vsel vm6, v17, v9;
	v17 =	vsel vm7, v18, v21;
	v18 =	vsel vm8, v19, v22  }
0x32: {  	v19 =	vld [tilespmem:s22+$0xFFFFFFC0];
	v9 =	vsel vm9, v8, v9;
	v21 =	vsel vm10, v10, v17;
	v22 =	vsel vm11, v11, v18  }
0x33: {  	v20 =	vadd.s32 $0x100, v20;
	v23 =	vld [tilespmem:s22+$0x0]  }
0x34: {  	v5 =	vadd.s32 $0x100, v5;
	v6 =	vadd.s32 $0x100, v6;
	v7 =	vadd.s32 $0x100, v7;
	v29 =	vld [tilespmem:s22+$0x10]  }
0x35: {  	v31 =	vadd.s32 $0xC0, v20;
	v8 =	vadd.s32 $0xC0, v5;
	vm0 =	vgt.f32 v27, v15;
	v30 =	vld [tilespmem:s22+$0xFFFFFFD0]  }
0x36: {  	v10 =	vadd.s32 $0xC0, v6;
	v15 =	vsel vm0, v27, v15;
	v16 =	vsel vm0, v20, v16;
	v27 =	vld [tilespmem:s22+$0xFFFFFF90]  }
0x37: {  	v17 =	vadd.s32 $0x40, v20;
	v11 =	vadd.s32 $0xC0, v7;
	v32 =	vld [tilespmem:s22+$0xFFFFFFA0];
	vm0 =	vgt.f32 v19, v15  }
0x38: {  	s21 =	sadd.s32 $0x4, s21;
	v24 =	vadd.s32 $0x80, v20;
	v33 =	vld [tilespmem:s22+$0xFFFFFFB0];
	v15 =	vsel vm0, v19, v15;
	v16 =	vsel vm0, v17, v16  }
0x39: {  	p0 =	slt.u32 s21, $0x184;
	v18 =	vadd.s32 $0x80, v6;
	v17 =	vadd.s32 $0x80, v5;
	v34 =	vld [tilespmem:s22+$0xFFFFFFE0];
	vm0 =	vgt.f32 v23, v15  }
0x3a: {  	v19 =	vadd.s32 $0x80, v7;
	v35 =	vld [tilespmem:s22+$0xFFFFFFF0];
	v15 =	vsel vm0, v23, v15;
	v16 =	vsel vm0, v24, v16  }
0x3b: {  	v23 =	vadd.s32 $0x40, v5;
	v24 =	vadd.s32 $0x40, v6;
	v36 =	vld [tilespmem:s22+$0x20];
	vm0 =	vgt.f32 v26, v15  }
0x3c: {  	v25 =	vadd.s32 $0x40, v7;
	v37 =	vld [tilespmem:s22+$0x30];
	v15 =	vsel vm0, v26, v15;
	v16 =	vsel vm0, v31, v16  }
0x3d: {  	vm0 =	vgt.f32 v27, v12;
	vm1 =	vgt.f32 v32, v13;
	vm2 =	vgt.f32 v33, v14;
	v26 =	vld [tilespmem:s22+$0x60]  }
0x3e: {  	v12 =	vsel vm0, v27, v12;
	v13 =	vsel vm1, v32, v13;
	v14 =	vsel vm2, v33, v14;
	v27 =	vld [tilespmem:s22+$0x70]  }
0x3f: {  	vm3 =	vgt.f32 v30, v12;
	vm4 =	vgt.f32 v34, v13;
	vm5 =	vgt.f32 v35, v14  }
.Ltmp0:
0x40: {  	v12 =	vsel vm3, v30, v12;
	v13 =	vsel vm4, v34, v13;
	v14 =	vsel vm5, v35, v14;
	(pc) =	sbr.rel @p0 .LBB2_2-.Ltmp0, $4  }
0x41: {  	vm6 =	vgt.f32 v29, v12;
	vm7 =	vgt.f32 v36, v13;
	vm8 =	vgt.f32 v37, v14  }
0x42: {  	v12 =	vsel vm6, v29, v12;
	v13 =	vsel vm7, v36, v13;
	v14 =	vsel vm8, v37, v14  }
0x43: {  	vm9 =	vgt.f32 v28, v12;
	vm10 =	vgt.f32 v26, v13;
	vm11 =	vgt.f32 v27, v14  }
0x44: {  	s22 =	sadd.s32 $0x100, s22;
	v12 =	vsel vm9, v28, v12;
	v13 =	vsel vm10, v26, v13;
	v14 =	vsel vm11, v27, v14  }
0x45: {  	_ =	swait.ge [sflag:s14], $0x6200  }
0x46: {  	[sflag:s14] =	ssyncset.done $0x0  }
0x47: {  	s21 =	simm.s32 $0x6280;
	[sflag:s14] =	ssyncadd.s32 $0xFFFF9E00  }
0x48: {  	v26 =	vld [tilespmem:s21+$0x40]  }
0x49: {  	v5 =	vsel vm0, v5, v9;
	v20 =	vld [tilespmem:s21+$0xFFFFFF80]  }
0x4a: {  	v6 =	vsel vm1, v6, v21;
	v7 =	vsel vm2, v7, v22;
	v5 =	vsel vm3, v23, v5;
	v9 =	vld [tilespmem:s21+$0xFFFFFFC0]  }
0x4b: {  	v6 =	vsel vm4, v24, v6;
	v7 =	vsel vm5, v25, v7;
	v5 =	vsel vm6, v17, v5;
	v17 =	vld [tilespmem:s21+$0x0]  }
0x4c: {  	v23 =	vadd.s32 $0x80, v1;
	v24 =	vadd.s32 $0x40, v2;
	v25 =	vadd.s32 $0x40, v4;
	v22 =	vld [tilespmem:s21+$0x10]  }
0x4d: {  	v6 =	vsel vm7, v18, v6;
	v7 =	vsel vm8, v19, v7;
	v18 =	vadd.s32 $0xC0, v1;
	v28 =	vld [tilespmem:s21+$0xFFFFFF90]  }
0x4e: {  	v19 =	vadd.s32 $0x40, v1;
	v8 =	vsel vm9, v8, v5;
	v30 =	vld [tilespmem:s21+$0xFFFFFFB0];
	vm0 =	vgt.f32 v20, v15  }
0x4f: {  	v6 =	vsel vm10, v10, v6;
	v7 =	vsel vm11, v11, v7;
	v27 =	vld [tilespmem:s21+$0xFFFFFFD0];
	v15 =	vsel vm0, v20, v15  }
0x50: {  	v5 =	vadd.s32 $0xC0, v2;
	v29 =	vld [tilespmem:s21+$0xFFFFFFA0];
	v16 =	vsel vm0, v1, v16;
	vm0 =	vgt.f32 v9, v15  }
0x51: {  	v10 =	vadd.s32 $0xC0, v3;
	v11 =	vadd.s32 $0xC0, v4;
	v31 =	vld [tilespmem:s21+$0xFFFFFFE0];
	v15 =	vsel vm0, v9, v15  }
0x52: {  	v32 =	vld [tilespmem:s21+$0xFFFFFFF0];
	vm2 =	vgt.f32 v28, v12;
	v16 =	vsel vm0, v19, v16;
	vm0 =	vgt.f32 v17, v15  }
0x53: {  	v33 =	vld [tilespmem:s21+$0x20];
	vm1 =	vgt.f32 v30, v14;
	v20 =	vadd.s32 $0x80, v4;
	v15 =	vsel vm0, v17, v15  }
0x54: {  	v34 =	vld [tilespmem:s21+$0x30];
	v12 =	vsel vm2, v28, v12;
	v16 =	vsel vm0, v23, v16;
	vm0 =	vgt.f32 v26, v15  }
0x55: {  	v21 =	vld [tilespmem:s21+$0x50];
	v17 =	vsel vm0, v26, v15;
	v18 =	vsel vm0, v18, v16;
	vm0 =	vgt.f32 v29, v13  }
0x56: {  	v14 =	vsel vm1, v30, v14;
	vm5 =	vgt.f32 v27, v12;
	v15 =	vld [tilespmem:s21+$0x60];
	v13 =	vsel vm0, v29, v13  }
0x57: {  	vm4 =	vgt.f32 v32, v14;
	v9 =	vadd.s32 $0x80, v2;
	v16 =	vld [tilespmem:s21+$0x70];
	vm3 =	vgt.f32 v31, v13  }
0x58: {  	v12 =	vsel vm5, v27, v12;
	v14 =	vsel vm4, v32, v14;
	v13 =	vsel vm3, v31, v13  }
0x59: {  	vm8 =	vgt.f32 v22, v12;
	vm7 =	vgt.f32 v34, v14;
	vm6 =	vgt.f32 v33, v13  }
0x5a: {  	v12 =	vsel vm8, v22, v12;
	v22 =	vsel vm7, v34, v14;
	v13 =	vsel vm6, v33, v13  }
0x5b: {  	v19 =	vadd.s32 $0x80, v3;
	v23 =	vadd.s32 $0x40, v3;
	vm11 =	vgt.f32 v21, v12  }
0x5c: {  	v14 =	vsel vm11, v21, v12;
	v21 =	vmovc v2;
	vm10 =	vgt.f32 v16, v22;
	vm9 =	vgt.f32 v15, v13  }
0x5d: {  	s22 =	simm.s32 $0x6380;
	s21 =	simm.s32 $0x0;
	v12 =	vmovc v3;
	v16 =	vsel vm10, v16, v22;
	v22 =	vmovc v1;
	v15 =	vsel vm9, v15, v13;
	v13 =	vmov v4  }
.LBB2_4:
0x5e: {  	v26 =	vld [tilespmem:s22+$0x40];
	v8 =	vsel vm2, v21, v8;
	v6 =	vsel vm0, v12, v6;
	v7 =	vsel vm1, v13, v7  }
0x5f: {  	v27 =	vld [tilespmem:s22+$0xFFFFFF80];
	v8 =	vsel vm5, v24, v8;
	v6 =	vsel vm3, v23, v6;
	v7 =	vsel vm4, v25, v7  }
0x60: {  	v28 =	vld [tilespmem:s22+$0x50];
	v8 =	vsel vm8, v9, v8;
	v6 =	vsel vm6, v19, v6;
	v7 =	vsel vm7, v20, v7  }
0x61: {  	v9 =	vld [tilespmem:s22+$0xFFFFFFC0];
	v8 =	vsel vm11, v5, v8;
	v6 =	vsel vm9, v10, v6;
	v7 =	vsel vm10, v11, v7  }
0x62: {  	v22 =	vadd.s32 $0x100, v22;
	v23 =	vld [tilespmem:s22+$0x0]  }
0x63: {  	v21 =	vadd.s32 $0x100, v21;
	v12 =	vadd.s32 $0x100, v12;
	v13 =	vadd.s32 $0x100, v13;
	v29 =	vld [tilespmem:s22+$0x10]  }
0x64: {  	v31 =	vadd.s32 $0xC0, v22;
	v5 =	vadd.s32 $0xC0, v21;
	vm0 =	vgt.f32 v27, v17;
	v30 =	vld [tilespmem:s22+$0xFFFFFFD0]  }
0x65: {  	v10 =	vadd.s32 $0xC0, v12;
	v17 =	vsel vm0, v27, v17;
	v18 =	vsel vm0, v22, v18;
	v27 =	vld [tilespmem:s22+$0xFFFFFF90]  }
0x66: {  	v19 =	vadd.s32 $0x40, v22;
	v11 =	vadd.s32 $0xC0, v13;
	v32 =	vld [tilespmem:s22+$0xFFFFFFA0];
	vm0 =	vgt.f32 v9, v17  }
0x67: {  	s21 =	sadd.s32 $0x4, s21;
	v24 =	vadd.s32 $0x80, v22;
	v33 =	vld [tilespmem:s22+$0xFFFFFFB0];
	v17 =	vsel vm0, v9, v17;
	v18 =	vsel vm0, v19, v18  }
0x68: {  	p0 =	slt.u32 s21, $0x184;
	v9 =	vadd.s32 $0x80, v21;
	v19 =	vadd.s32 $0x80, v12;
	v34 =	vld [tilespmem:s22+$0xFFFFFFE0];
	vm0 =	vgt.f32 v23, v17  }
0x69: {  	v20 =	vadd.s32 $0x80, v13;
	v35 =	vld [tilespmem:s22+$0xFFFFFFF0];
	v17 =	vsel vm0, v23, v17;
	v18 =	vsel vm0, v24, v18  }
0x6a: {  	v24 =	vadd.s32 $0x40, v21;
	v23 =	vadd.s32 $0x40, v12;
	v36 =	vld [tilespmem:s22+$0x20];
	vm0 =	vgt.f32 v26, v17  }
0x6b: {  	v25 =	vadd.s32 $0x40, v13;
	v37 =	vld [tilespmem:s22+$0x30];
	v17 =	vsel vm0, v26, v17;
	v18 =	vsel vm0, v31, v18  }
0x6c: {  	vm2 =	vgt.f32 v27, v14;
	vm0 =	vgt.f32 v32, v15;
	vm1 =	vgt.f32 v33, v16;
	v26 =	vld [tilespmem:s22+$0x60]  }
0x6d: {  	v14 =	vsel vm2, v27, v14;
	v15 =	vsel vm0, v32, v15;
	v16 =	vsel vm1, v33, v16;
	v27 =	vld [tilespmem:s22+$0x70]  }
0x6e: {  	vm5 =	vgt.f32 v30, v14;
	vm3 =	vgt.f32 v34, v15;
	vm4 =	vgt.f32 v35, v16  }
.Ltmp1:
0x6f: {  	v14 =	vsel vm5, v30, v14;
	v15 =	vsel vm3, v34, v15;
	v16 =	vsel vm4, v35, v16;
	(pc) =	sbr.rel @p0 .LBB2_4-.Ltmp1, $4  }
0x70: {  	vm8 =	vgt.f32 v29, v14;
	vm6 =	vgt.f32 v36, v15;
	vm7 =	vgt.f32 v37, v16  }
0x71: {  	v14 =	vsel vm8, v29, v14;
	v15 =	vsel vm6, v36, v15;
	v16 =	vsel vm7, v37, v16  }
0x72: {  	vm11 =	vgt.f32 v28, v14;
	vm9 =	vgt.f32 v26, v15;
	vm10 =	vgt.f32 v27, v16  }
0x73: {  	s22 =	sadd.s32 $0x100, s22;
	v14 =	vsel vm11, v28, v14;
	v15 =	vsel vm9, v26, v15;
	v16 =	vsel vm10, v27, v16  }
0x74: {  	_ =	swait.ge [sflag:s15], $0x6180  }
0x75: {  	[sflag:s15] =	ssyncset.done $0x0  }
0x76: {  	s21 =	simm.s32 $0xC480;
	[sflag:s15] =	ssyncadd.s32 $0xFFFF9E80  }
0x77: {  	v8 =	vsel vm2, v21, v8;
	v21 =	vld [tilespmem:s21+$0x40]  }
0x78: {  	v6 =	vsel vm0, v12, v6;
	v7 =	vsel vm1, v13, v7;
	v8 =	vsel vm5, v24, v8;
	v13 =	vld [tilespmem:s21+$0xFFFFFF80]  }
0x79: {  	v6 =	vsel vm3, v23, v6;
	v7 =	vsel vm4, v25, v7;
	v8 =	vsel vm8, v9, v8;
	v24 =	vld [tilespmem:s21+$0x50]  }
0x7a: {  	v6 =	vsel vm6, v19, v6;
	v7 =	vsel vm7, v20, v7;
	v9 =	vsel vm11, v5, v8;
	v19 =	vld [tilespmem:s21+$0xFFFFFFC0]  }
0x7b: {  	v10 =	vsel vm9, v10, v6;
	v11 =	vsel vm10, v11, v7;
	v7 =	vor.u32 $0xC400, v0;
	v33 =	vld [tilespmem:s21+$0xFFFFFFA0]  }
0x7c: {  	v8 =	vor.u32 $0xC410, v0;
	v5 =	vor.u32 $0xC420, v0;
	v6 =	vor.u32 $0xC430, v0;
	v34 =	vld [tilespmem:s21+$0xFFFFFFB0]  }
0x7d: {  	v20 =	vld [tilespmem:s21+$0x0];
	v31 =	vadd.s32 $0xC0, v7;
	v12 =	vadd.s32 $0xC0, v8;
	v23 =	vadd.s32 $0x40, v7  }
0x7e: {  	v25 =	vld [tilespmem:s21+$0x10];
	v27 =	vadd.s32 $0x80, v7;
	v26 =	vadd.s32 $0x80, v6;
	vm0 =	vgt.f32 v13, v17  }
0x7f: {  	v35 =	vld [tilespmem:s21+$0xFFFFFFE0];
	v28 =	vadd.s32 $0x40, v5;
	v29 =	vadd.s32 $0x40, v6;
	v22 =	vsel vm0, v13, v17  }
0x80: {  	v32 =	vld [tilespmem:s21+$0xFFFFFF90];
	vm1 =	vgt.f32 v33, v15;
	v18 =	vsel vm0, v7, v18;
	vm0 =	vgt.f32 v19, v22  }
0x81: {  	v36 =	vld [tilespmem:s21+$0xFFFFFFF0];
	vm2 =	vgt.f32 v34, v16;
	v13 =	vadd.s32 $0xC0, v5;
	v19 =	vsel vm0, v19, v22  }
0x82: {  	v30 =	vld [tilespmem:s21+$0xFFFFFFD0];
	v17 =	vadd.s32 $0xC0, v6;
	v18 =	vsel vm0, v23, v18;
	vm0 =	vgt.f32 v20, v19  }
0x83: {  	v37 =	vld [tilespmem:s21+$0x20];
	v15 =	vsel vm1, v33, v15;
	v16 =	vsel vm2, v34, v16;
	v19 =	vsel vm0, v20, v19  }
0x84: {  	v38 =	vld [tilespmem:s21+$0x30];
	vm4 =	vgt.f32 v35, v15;
	v18 =	vsel vm0, v27, v18;
	vm0 =	vgt.f32 v21, v19  }
0x85: {  	v20 =	vsel vm0, v21, v19;
	v19 =	vsel vm0, v31, v18;
	vm0 =	vgt.f32 v32, v14;
	v18 =	vld [tilespmem:s21+$0x60]  }
0x86: {  	vm5 =	vgt.f32 v36, v16;
	v22 =	vadd.s32 $0x80, v8;
	v21 =	vld [tilespmem:s21+$0x70];
	v14 =	vsel vm0, v32, v14  }
0x87: {  	v23 =	vadd.s32 $0x80, v5;
	v15 =	vsel vm4, v35, v15;
	vm3 =	vgt.f32 v30, v14  }
0x88: {  	v16 =	vsel vm5, v36, v16;
	vm7 =	vgt.f32 v37, v15;
	v14 =	vsel vm3, v30, v14  }
0x89: {  	vm8 =	vgt.f32 v38, v16;
	v27 =	vadd.s32 $0x40, v8;
	vm6 =	vgt.f32 v25, v14  }
0x8a: {  	v15 =	vsel vm7, v37, v15;
	v16 =	vsel vm8, v38, v16;
	v14 =	vsel vm6, v25, v14  }
0x8b: {  	vm10 =	vgt.f32 v18, v15;
	vm11 =	vgt.f32 v21, v16;
	vm9 =	vgt.f32 v24, v14  }
0x8c: {  	s22 =	simm.s32 $0xC580;
	s21 =	simm.s32 $0x0;
	v21 =	vsel vm11, v21, v16;
	v25 =	vsel vm9, v24, v14;
	v24 =	vsel vm10, v18, v15  }
.LBB2_6:
0x8d: {  	v18 =	vmovc v7;
	v16 =	vmov v8;
	v15 =	vmov v5;
	v14 =	vmov v6  }
0x8e: {  	v9 =	vsel vm0, v8, v9;
	v10 =	vsel vm1, v5, v10;
	v11 =	vsel vm2, v6, v11;
	v30 =	vld [tilespmem:s22+$0x40]  }
0x8f: {  	v9 =	vsel vm3, v27, v9;
	v10 =	vsel vm4, v28, v10;
	v11 =	vsel vm5, v29, v11;
	v31 =	vld [tilespmem:s22+$0xFFFFFF80]  }
0x90: {  	v9 =	vsel vm6, v22, v9;
	v10 =	vsel vm7, v23, v10;
	v11 =	vsel vm8, v26, v11;
	v32 =	vld [tilespmem:s22+$0x50]  }
0x91: {  	v9 =	vsel vm9, v12, v9;
	v10 =	vsel vm10, v13, v10;
	v11 =	vsel vm11, v17, v11;
	v22 =	vld [tilespmem:s22+$0xFFFFFFC0]  }
0x92: {  	v7 =	vadd.s32 $0x100, v7;
	v27 =	vld [tilespmem:s22+$0x0]  }
0x93: {  	v8 =	vadd.s32 $0x100, v8;
	v5 =	vadd.s32 $0x100, v5;
	v6 =	vadd.s32 $0x100, v6;
	v33 =	vld [tilespmem:s22+$0x10]  }
0x94: {  	v35 =	vadd.s32 $0xC0, v7;
	v12 =	vadd.s32 $0xC0, v8;
	vm0 =	vgt.f32 v31, v20;
	v34 =	vld [tilespmem:s22+$0xFFFFFFD0]  }
0x95: {  	v13 =	vadd.s32 $0xC0, v5;
	v20 =	vsel vm0, v31, v20;
	v19 =	vsel vm0, v7, v19;
	v31 =	vld [tilespmem:s22+$0xFFFFFF90]  }
0x96: {  	v23 =	vadd.s32 $0x40, v7;
	v17 =	vadd.s32 $0xC0, v6;
	v36 =	vld [tilespmem:s22+$0xFFFFFFA0];
	vm0 =	vgt.f32 v22, v20  }
0x97: {  	s21 =	sadd.s32 $0x4, s21;
	v28 =	vadd.s32 $0x80, v7;
	v37 =	vld [tilespmem:s22+$0xFFFFFFB0];
	v20 =	vsel vm0, v22, v20;
	v19 =	vsel vm0, v23, v19  }
0x98: {  	p0 =	slt.u32 s21, $0x180;
	v22 =	vadd.s32 $0x80, v8;
	v23 =	vadd.s32 $0x80, v5;
	v38 =	vld [tilespmem:s22+$0xFFFFFFE0];
	vm0 =	vgt.f32 v27, v20  }
0x99: {  	v26 =	vadd.s32 $0x80, v6;
	v39 =	vld [tilespmem:s22+$0xFFFFFFF0];
	v20 =	vsel vm0, v27, v20;
	v19 =	vsel vm0, v28, v19  }
0x9a: {  	v27 =	vadd.s32 $0x40, v8;
	v28 =	vadd.s32 $0x40, v5;
	v40 =	vld [tilespmem:s22+$0x20];
	vm0 =	vgt.f32 v30, v20  }
0x9b: {  	v29 =	vadd.s32 $0x40, v6;
	v41 =	vld [tilespmem:s22+$0x30];
	v20 =	vsel vm0, v30, v20;
	v19 =	vsel vm0, v35, v19  }
0x9c: {  	vm0 =	vgt.f32 v31, v25;
	vm1 =	vgt.f32 v36, v24;
	vm2 =	vgt.f32 v37, v21;
	v30 =	vld [tilespmem:s22+$0x60]  }
0x9d: {  	v25 =	vsel vm0, v31, v25;
	v24 =	vsel vm1, v36, v24;
	v21 =	vsel vm2, v37, v21;
	v31 =	vld [tilespmem:s22+$0x70]  }
0x9e: {  	vm3 =	vgt.f32 v34, v25;
	vm4 =	vgt.f32 v38, v24;
	vm5 =	vgt.f32 v39, v21  }
.Ltmp2:
0x9f: {  	v25 =	vsel vm3, v34, v25;
	v24 =	vsel vm4, v38, v24;
	v21 =	vsel vm5, v39, v21;
	(pc) =	sbr.rel @p0 .LBB2_6-.Ltmp2, $4  }
0xa0: {  	vm6 =	vgt.f32 v33, v25;
	vm7 =	vgt.f32 v40, v24;
	vm8 =	vgt.f32 v41, v21  }
0xa1: {  	v25 =	vsel vm6, v33, v25;
	v24 =	vsel vm7, v40, v24;
	v21 =	vsel vm8, v41, v21  }
0xa2: {  	vm9 =	vgt.f32 v32, v25;
	vm10 =	vgt.f32 v30, v24;
	vm11 =	vgt.f32 v31, v21  }
0xa3: {  	s22 =	sadd.s32 $0x100, s22;
	v25 =	vsel vm9, v32, v25;
	v24 =	vsel vm10, v30, v24;
	v21 =	vsel vm11, v31, v21  }
0xa4: {  	v30 =	vld [tilespmem:$0x12500];
	v9 =	vsel vm0, v8, v9;
	v10 =	vsel vm1, v5, v10;
	v11 =	vsel vm2, v6, v11  }
0xa5: {  	v31 =	vld [tilespmem:$0x12510];
	v7 =	vadd.s32 $0x100, v7;
	v8 =	vadd.s32 $0x100, v8;
	v5 =	vadd.s32 $0x100, v5  }
0xa6: {  	v6 =	vadd.s32 $0x100, v6;
	v18 =	vadd.s32 $0x140, v18;
	v9 =	vsel vm3, v27, v9;
	v27 =	vld [tilespmem:$0x12520]  }
0xa7: {  	v10 =	vsel vm4, v28, v10;
	v11 =	vsel vm5, v29, v11;
	v9 =	vsel vm6, v22, v9;
	v22 =	vld [tilespmem:$0x12530]  }
0xa8: {  	v10 =	vsel vm7, v23, v10;
	v11 =	vsel vm8, v26, v11;
	v9 =	vsel vm9, v12, v9;
	v12 =	vld [tilespmem:$0x12540]  }
0xa9: {  	v10 =	vsel vm10, v13, v10;
	v11 =	vsel vm11, v17, v11;
	v13 =	vld [tilespmem:$0x12550];
	vm0 =	vgt.f32 v30, v20  }
0xaa: {  	v17 =	vsel vm0, v30, v20;
	v20 =	vld [tilespmem:$0x12560];
	v7 =	vsel vm0, v7, v19;
	vm0 =	vgt.f32 v31, v25  }
0xab: {  	v15 =	vadd.s32 $0x140, v15;
	v14 =	vadd.s32 $0x140, v14;
	v19 =	vld [tilespmem:$0x12570];
	_ =	swait.ge [sflag:s16], $0x6100;
	v23 =	vsel vm0, v31, v25  }
0xac: {  	v8 =	vsel vm0, v8, v9;
	vm0 =	vgt.f32 v27, v24;
	v9 =	vadd.s32 $0x140, v16;
	[sflag:s16] =	ssyncset.done $0x0  }
0xad: {  	s21 =	simm.s32 $0x12600;
	vm1 =	vgt.f32 v22, v21;
	v16 =	vsel vm0, v27, v24;
	v5 =	vsel vm0, v5, v10;
	[sflag:s16] =	ssyncadd.s32 $0xFFFF9F00  }
0xae: {  	v21 =	vsel vm1, v22, v21;
	v6 =	vsel vm1, v6, v11;
	vm0 =	vgt.f32 v12, v17;
	v26 =	vld [tilespmem:s21+$0x40]  }
0xaf: {  	v12 =	vsel vm0, v12, v17;
	v17 =	vsel vm0, v18, v7;
	vm0 =	vgt.f32 v13, v23;
	v18 =	vld [tilespmem:s21+$0xFFFFFF80]  }
0xb0: {  	v61 =	vld [tilespmem:s21+$0xFFFFFF90];
	v23 =	vsel vm0, v13, v23;
	v10 =	vsel vm0, v9, v8;
	v8 =	vor.u32 $0x12580, v0  }
0xb1: {  	v32 =	vld [tilespmem:s21+$0xFFFFFFA0];
	v9 =	vor.u32 $0x12590, v0;
	vm0 =	vgt.f32 v20, v16;
	v60 =	vadd.s32 $0xC0, v8  }
0xb2: {  	v20 =	vsel vm0, v20, v16;
	v11 =	vsel vm0, v15, v5;
	vm0 =	vgt.f32 v19, v21;
	v15 =	vld [tilespmem:s21+$0xFFFFFFC0]  }
0xb3: {  	v27 =	vld [tilespmem:s21+$0x50];
	v25 =	vadd.s32 $0x40, v9;
	v5 =	vor.u32 $0x125B0, v0;
	v21 =	vsel vm0, v19, v21  }
0xb4: {  	v22 =	vld [tilespmem:s21+$0x0];
	v7 =	vsel vm0, v14, v6;
	v6 =	vor.u32 $0x125A0, v0;
	v14 =	vadd.s32 $0xC0, v9  }
0xb5: {  	v59 =	vld [tilespmem:s21+$0xFFFFFFD0];
	v19 =	vadd.s32 $0x80, v9;
	vm0 =	vgt.f32 v18, v12;
	v13 =	vadd.s32 $0xC0, v6  }
0xb6: {  	v34 =	vld [tilespmem:s21+$0xFFFFFFE0];
	vm3 =	vgt.f32 v61, v23;
	vm1 =	vgt.f32 v32, v20;
	v16 =	vsel vm0, v18, v12  }
0xb7: {  	v33 =	vld [tilespmem:s21+$0xFFFFFFB0];
	v17 =	vsel vm0, v8, v17;
	v18 =	vadd.s32 $0x40, v8;
	vm0 =	vgt.f32 v15, v16  }
0xb8: {  	v58 =	vld [tilespmem:s21+$0x10];
	v12 =	vadd.s32 $0xC0, v5;
	v23 =	vsel vm3, v61, v23;
	v24 =	vsel vm0, v15, v16  }
0xb9: {  	v35 =	vld [tilespmem:s21+$0xFFFFFFF0];
	v20 =	vsel vm1, v32, v20;
	v17 =	vsel vm0, v18, v17;
	vm0 =	vgt.f32 v22, v24  }
0xba: {  	v37 =	vld [tilespmem:s21+$0x20];
	vm7 =	vgt.f32 v59, v23;
	v18 =	vadd.s32 $0x80, v8;
	v36 =	vsel vm0, v22, v24  }
0xbb: {  	v38 =	vld [tilespmem:s21+$0x30];
	vm5 =	vgt.f32 v34, v20;
	v18 =	vsel vm0, v18, v17;
	vm0 =	vgt.f32 v26, v36  }
0xbc: {  	v62 =	vld [tilespmem:s21+$0x70];
	v17 =	vsel vm0, v26, v36;
	v18 =	vsel vm0, v60, v18;
	vm0 =	vgt.f32 v33, v21  }
0xbd: {  	v23 =	vsel vm7, v59, v23;
	v20 =	vsel vm5, v34, v20;
	v26 =	vld [tilespmem:s21+$0x60];
	v21 =	vsel vm0, v33, v21  }
0xbe: {  	v16 =	vadd.s32 $0x80, v6;
	v15 =	vadd.s32 $0x80, v5;
	vm2 =	vgt.f32 v35, v21  }
0xbf: {  	vm9 =	vgt.f32 v58, v23;
	vm8 =	vgt.f32 v37, v20;
	v21 =	vsel vm2, v35, v21  }
0xc0: {  	v23 =	vsel vm9, v58, v23;
	v20 =	vsel vm8, v37, v20;
	vm4 =	vgt.f32 v38, v21  }
0xc1: {  	v24 =	vadd.s32 $0x40, v6;
	v22 =	vadd.s32 $0x40, v5;
	v63 =	vsel vm4, v38, v21  }
0xc2: {  	vm11 =	vgt.f32 v27, v23;
	vm10 =	vgt.f32 v26, v20;
	vm6 =	vgt.f32 v62, v63  }
0xc3: {  	s22 =	simm.s32 $0x12700;
	v23 =	vsel vm11, v27, v23;
	s21 =	simm.s32 $0x0;
	v21 =	vsel vm10, v26, v20;
	v20 =	vsel vm6, v62, v63  }
.LBB2_8:
0xc4: {  	v26 =	vld [tilespmem:s22+$0x40];
	v10 =	vsel vm3, v9, v10;
	v11 =	vsel vm1, v6, v11;
	v7 =	vsel vm0, v5, v7  }
0xc5: {  	v27 =	vld [tilespmem:s22+$0xFFFFFF80];
	v10 =	vsel vm7, v25, v10;
	v11 =	vsel vm5, v24, v11;
	v7 =	vsel vm2, v22, v7  }
0xc6: {  	v28 =	vld [tilespmem:s22+$0x50];
	v10 =	vsel vm9, v19, v10;
	v11 =	vsel vm8, v16, v11;
	v7 =	vsel vm4, v15, v7  }
0xc7: {  	v15 =	vld [tilespmem:s22+$0xFFFFFFC0];
	v10 =	vsel vm11, v14, v10;
	v11 =	vsel vm10, v13, v11;
	v7 =	vsel vm6, v12, v7  }
0xc8: {  	v8 =	vadd.s32 $0x100, v8;
	v22 =	vld [tilespmem:s22+$0x0]  }
0xc9: {  	v9 =	vadd.s32 $0x100, v9;
	v6 =	vadd.s32 $0x100, v6;
	v5 =	vadd.s32 $0x100, v5;
	v29 =	vld [tilespmem:s22+$0x10]  }
0xca: {  	v31 =	vadd.s32 $0xC0, v8;
	v14 =	vadd.s32 $0xC0, v9;
	vm0 =	vgt.f32 v27, v17;
	v30 =	vld [tilespmem:s22+$0xFFFFFFD0]  }
0xcb: {  	v13 =	vadd.s32 $0xC0, v6;
	v16 =	vsel vm0, v27, v17;
	v17 =	vsel vm0, v8, v18;
	v27 =	vld [tilespmem:s22+$0xFFFFFF90]  }
0xcc: {  	v12 =	vadd.s32 $0xC0, v5;
	v18 =	vadd.s32 $0x40, v8;
	v32 =	vld [tilespmem:s22+$0xFFFFFFA0];
	vm0 =	vgt.f32 v15, v16  }
0xcd: {  	s21 =	sadd.s32 $0x4, s21;
	v33 =	vld [tilespmem:s22+$0xFFFFFFB0];
	v24 =	vsel vm0, v15, v16;
	v17 =	vsel vm0, v18, v17;
	v18 =	vadd.s32 $0x80, v8  }
0xce: {  	p0 =	slt.u32 s21, $0x180;
	v19 =	vadd.s32 $0x80, v9;
	v16 =	vadd.s32 $0x80, v6;
	v34 =	vld [tilespmem:s22+$0xFFFFFFE0];
	vm0 =	vgt.f32 v22, v24  }
0xcf: {  	v15 =	vadd.s32 $0x80, v5;
	v35 =	vld [tilespmem:s22+$0xFFFFFFF0];
	v36 =	vsel vm0, v22, v24;
	v18 =	vsel vm0, v18, v17  }
0xd0: {  	v25 =	vadd.s32 $0x40, v9;
	v24 =	vadd.s32 $0x40, v6;
	v37 =	vld [tilespmem:s22+$0x20];
	vm0 =	vgt.f32 v26, v36  }
0xd1: {  	v22 =	vadd.s32 $0x40, v5;
	v38 =	vld [tilespmem:s22+$0x30];
	v17 =	vsel vm0, v26, v36;
	v18 =	vsel vm0, v31, v18  }
0xd2: {  	vm3 =	vgt.f32 v27, v23;
	vm1 =	vgt.f32 v32, v21;
	vm0 =	vgt.f32 v33, v20;
	v26 =	vld [tilespmem:s22+$0x60]  }
0xd3: {  	v23 =	vsel vm3, v27, v23;
	v21 =	vsel vm1, v32, v21;
	v20 =	vsel vm0, v33, v20;
	v27 =	vld [tilespmem:s22+$0x70]  }
0xd4: {  	vm7 =	vgt.f32 v30, v23;
	vm5 =	vgt.f32 v34, v21;
	vm2 =	vgt.f32 v35, v20  }
.Ltmp3:
0xd5: {  	v23 =	vsel vm7, v30, v23;
	v21 =	vsel vm5, v34, v21;
	v20 =	vsel vm2, v35, v20;
	(pc) =	sbr.rel @p0 .LBB2_8-.Ltmp3, $4  }
0xd6: {  	vm9 =	vgt.f32 v29, v23;
	vm8 =	vgt.f32 v37, v21;
	vm4 =	vgt.f32 v38, v20  }
0xd7: {  	v23 =	vsel vm9, v29, v23;
	v21 =	vsel vm8, v37, v21;
	v20 =	vsel vm4, v38, v20  }
0xd8: {  	vm11 =	vgt.f32 v28, v23;
	vm10 =	vgt.f32 v26, v21;
	vm6 =	vgt.f32 v27, v20  }
0xd9: {  	s22 =	sadd.s32 $0x100, s22;
	v23 =	vsel vm11, v28, v23;
	v21 =	vsel vm10, v26, v21;
	v20 =	vsel vm6, v27, v20  }
0xda: {  	v8 =	vsel vm3, v9, v10  }
0xdb: {  	v8 =	vsel vm7, v25, v8  }
0xdc: {  	v8 =	vsel vm9, v19, v8  }
0xdd: {  	v8 =	vsel vm11, v14, v8  }
0xde: {  	v6 =	vsel vm1, v6, v11;
	vm14 =	veq.f32 v23, v17;
	vm15 =	vlt.s32 v8, v18  }
0xdf: {  	v6 =	vsel vm5, v24, v6;
	vm9 =	vgt.f32 v23, v17;
	vm1 =	vmand vm14, vm15  }
0xe0: {  	v6 =	vsel vm8, v16, v6;
	vm1 =	vmor vm9, vm1  }
0xe1: {  	v6 =	vsel vm10, v13, v6;
	v63 =	vsel vm1, v23, v17;
	v8 =	vsel vm1, v8, v18  }
0xe2: {  	v5 =	vsel vm0, v5, v7;
	vm11 =	veq.f32 v21, v63;
	vm1 =	vlt.s32 v6, v8  }
0xe3: {  	v5 =	vsel vm2, v22, v5;
	vm12 =	vgt.f32 v21, v63;
	vm0 =	vmand vm11, vm1  }
0xe4: {  	v5 =	vsel vm4, v15, v5;
	vm0 =	vmor vm12, vm0  }
0xe5: {  	v5 =	vsel vm6, v12, v5;
	v7 =	vsel vm0, v21, v63;
	v6 =	vsel vm0, v6, v8  }
0xe6: {  	vm13 =	veq.f32 v20, v7;
	vm14 =	vlt.s32 v5, v6  }
0xe7: {  	vm15 =	vgt.f32 v20, v7;
	vm0 =	vmand vm13, vm14  }
0xe8: {  	vm0 =	vmor vm15, vm0  }
0xe9: {  	v7 =	vsel vm0, v20, v7  }
0xea: {  	v5 =	vsel vm0, v5, v6;
	[tilespmem:$0x18680] =	vst v7  }
0xeb: {  	[tilespmem:$0x18700] =	vst v5  }
0xec: {  	[hbm4b:s7+s2] =	stream.linear.scatter [tilespmem:s17], [sflag:$0x5], $0x80, $0x38;
	[tilespmem:$0x18780] =	vst v63  }
0xed: {  	s20 =	sadd.s32 $0x1, s20;
	_ =	swait.ge [sflag:s18], $0x80  }
0xee: {  	p0 =	sne.s32 s20, s9;
	[sflag:s18] =	ssyncset.done $0x0  }
.Ltmp4:
0xef: {  	[sflag:s18] =	ssyncadd.s32 $0xFFFFFF80;
	(pc) =	sbr.rel @p0 .LBB2_1-.Ltmp4, $4  }
0xf0: {  	[hbm4b:s8+s2] =	stream.linear.scatter [tilespmem:s19], [sflag:$0x5], $0x80, $0x38;
	[tilespmem:$0x18780] =	vst v63  }
0xf1: {  	_ =	swait.ge [sflag:s18], $0x80  }
0xf2: {  	[sflag:s18] =	ssyncset.done $0x0  }
0xf3: {  	[sflag:s18] =	ssyncadd.s32 $0xFFFFFF80  }
0xf4: {  	_ =	sfence.sel $0x180000  }
0xf5: {  	[bflag:$0x0] =	sbarrier.arrive $0xFFFF  }
0xf6: {  	p0 =	sne.s32 s0, $0x0;
	_ =	strace $0x90000047  }
0xf7: {  	s0 =	sadd.s32 @!p0 $0x100000, s1;
	[bflag:$0x2] =	sbarrier.arrive $0xFFFF  }
0xf8: {  	[sflag:s0] =	ssyncadd.tile.s32 @!p0 $0x1;
	_ =	shalt  }
.Lfunc_end2:
_tile_overlayer_lowered:
.L_overlay_start_2:
0xf9: {  	(tag) =	ssettag $0x2  }
0xfa: {  	s0 =	rddreg [dreg:$0x0];
	s2 =	stileid.u32  }
0xfb: {  	s1 =	rddreg [dreg:$0x1];
	p0 =	sne.s32 s2, $0x0  }
0xfc: {  	s3 =	rddreg [dreg:$0x2];
	[bflag:$0x3] =	sbarrier.arrive $0xFFFF;
	s2 =	simm.s32 @!p0 $0x1C05  }
0xfd: {  	[timem:s3], [sflag:s2] =	dma.local @!p0 [hbm:s0], s1  }
0xfe: {  	s0 =	simm.s32 @!p0 $0x5  }
0xff: {  	_ =	swait.ge @!p0 [sflag:s0], s1  }
0x100: {  	s1 =	ssub.s32 @!p0 $0x0, s1;
	[sflag:s0] =	ssyncset.done @!p0 $0x0  }
0x101: {  	[sflag:s0] =	ssyncadd.s32 @!p0 s1  }
0x102: {  	[bflag:$0x3] =	sbarrier.arrive $0xFFFF  }
0x103: {  	_ =	shalt  }

</sc_bundles>
